<compile_context>
chip_gen: v7x
topology: tpu7x:2x2x1
jax: 0.10.2.dev20260603
libtpu: 0.0.44.dev20260713+nightly
codegen_flags: <defaults>
</compile_context>

<pallas_src>
import functools

import jax
import jax.numpy as jnp
from jax import lax
from jax.experimental import pallas as pl
from jax.experimental.pallas import tpu as pltpu
from jax.experimental.pallas import tpu_sc as plsc

NUM_EXPERTS = 16
MAX_E = 4
MIN_E = 1
TB = 512
NC, NS = 2, 16
NW = NC * NS
T_TOTAL = 8192
RPW = (T_TOTAL // 8) // NW

_NT = (((1,), (1,)), ((), ()))


def _moe_tc_body(x_ref, w1_ref, wr_ref, b1_ref, br_ref, w2_ref, b2_ref,
                 logits_ref, probs_ref, keep_ref, conf_ref):
    x = x_ref[...]
    acc1 = lax.dot_general(x, w1_ref[...], _NT,
                           preferred_element_type=jnp.float32)
    h = jnp.maximum(acc1 + b1_ref[...], 0.0)
    logits = lax.dot_general(x, wr_ref[...], _NT,
                             preferred_element_type=jnp.float32)[:, :NUM_EXPERTS]
    logits = logits + br_ref[...]
    logits_ref[...] = logits

    m = jnp.max(logits, axis=1, keepdims=True)
    e = jnp.exp(logits - m)
    probs_ref[...] = e / jnp.sum(e, axis=1, keepdims=True)

    conf_pre = lax.dot_general(h, w2_ref[...], _NT,
                               preferred_element_type=jnp.float32)[:, 0:1]
    conf = jax.nn.sigmoid(conf_pre + b2_ref[...])
    conf_ref[...] = conf

    dyn = jnp.clip(
        jnp.round(MIN_E + (MAX_E - MIN_E) * (1.0 - conf)).astype(jnp.int32),
        MIN_E, MAX_E)
    lane = lax.broadcasted_iota(jnp.int32, (TB, NUM_EXPERTS), 1)
    keep_ref[...] = (lane < dyn).astype(jnp.float32)


_GDN = lax.GatherDimensionNumbers(
    offset_dims=(), collapsed_slice_dims=(0,), start_index_map=(0,))


def _gath(x, idx):
    return lax.gather(x, idx[:, None], _GDN, (1,),
                      mode=lax.GatherScatterMode.PROMISE_IN_BOUNDS)


def _sc_sort_body(ppk_hbm, mpk_hbm, wpk_hbm, ipk_hbm, pv, mv, wv, iv):
    wid = lax.axis_index("s") * NC + lax.axis_index("c")
    row0 = wid * RPW
    pltpu.sync_copy(ppk_hbm.at[pl.ds(row0, RPW), :], pv)
    pltpu.sync_copy(mpk_hbm.at[pl.ds(row0, RPW), :], mv)
    ii = lax.iota(jnp.int32, 16)
    rots = {s: (ii + s) % 16 for s in (8, 4, 2, 1)}
    lane_eq = [ii == r for r in range(MAX_E)]
    zi = ii - ii

    def _all_max(x):
        for s in (8, 4, 2, 1):
            x = jnp.maximum(x, _gath(x, rots[s]))
        return x

    def _all_min(x):
        for s in (8, 4, 2, 1):
            x = jnp.minimum(x, _gath(x, rots[s]))
        return x

    def row_body(r, carry):
        for j in range(8):
            p = pv[r, pl.ds(16 * j, 16)]
            m = mv[r, pl.ds(16 * j, 16)]
            ow = p * 0.0
            oi = zi
            for r_out in range(MAX_E):
                mx = _all_max(p)
                am = _all_min(jnp.where(p == mx, ii, NUM_EXPERTS))
                ow = jnp.where(lane_eq[r_out], mx, ow)
                oi = jnp.where(lane_eq[r_out], am, oi)
                p = jnp.where(ii == am, -1e30, p)
            wv[r, pl.ds(16 * j, 16)] = ow * m
            iv[r, pl.ds(16 * j, 16)] = jnp.where(m > 0.5, oi, 0)
        return carry

    lax.fori_loop(0, RPW, row_body, 0)
    pltpu.sync_copy(wv, wpk_hbm.at[pl.ds(row0, RPW), :])
    pltpu.sync_copy(iv, ipk_hbm.at[pl.ds(row0, RPW), :])


@functools.partial(jax.jit, static_argnames=())
def kernel(hidden_states, Wr, br, W1, b1, W2, b2):
    B, S, H = hidden_states.shape
    T = B * S
    flat = hidden_states.reshape(T, H)

    wr_pad = jnp.pad(Wr, ((0, 128 - NUM_EXPERTS), (0, 0)))
    w2_pad = jnp.pad(W2, ((0, 127), (0, 0)))

    grid = (T // TB,)
    logits, probs, keep, conf = pl.pallas_call(
        _moe_tc_body,
        grid=grid,
        in_specs=[
            pl.BlockSpec((TB, H), lambda i: (i, 0)),
            pl.BlockSpec((1024, H), lambda i: (0, 0)),
            pl.BlockSpec((128, H), lambda i: (0, 0)),
            pl.BlockSpec((1, 1024), lambda i: (0, 0)),
            pl.BlockSpec((1, NUM_EXPERTS), lambda i: (0, 0)),
            pl.BlockSpec((128, 1024), lambda i: (0, 0)),
            pl.BlockSpec((1, 1), lambda i: (0, 0)),
        ],
        out_specs=[
            pl.BlockSpec((TB, NUM_EXPERTS), lambda i: (i, 0)),
            pl.BlockSpec((TB, NUM_EXPERTS), lambda i: (i, 0)),
            pl.BlockSpec((TB, NUM_EXPERTS), lambda i: (i, 0)),
            pl.BlockSpec((TB, 1), lambda i: (i, 0)),
        ],
        out_shape=[
            jax.ShapeDtypeStruct((T, NUM_EXPERTS), jnp.float32),
            jax.ShapeDtypeStruct((T, NUM_EXPERTS), jnp.float32),
            jax.ShapeDtypeStruct((T, NUM_EXPERTS), jnp.float32),
            jax.ShapeDtypeStruct((T, 1), jnp.float32),
        ],
    )(flat, W1, wr_pad, b1.reshape(1, 1024), br.reshape(1, NUM_EXPERTS),
      w2_pad, b2.reshape(1, 1))
    ppk = probs.reshape(T // 8, 128)
    mpk = keep.reshape(T // 8, 128)

    sc_sort = pl.kernel(
        _sc_sort_body,
        out_type=[
            jax.ShapeDtypeStruct((T // 8, 128), jnp.float32),
            jax.ShapeDtypeStruct((T // 8, 128), jnp.int32),
        ],
        mesh=plsc.VectorSubcoreMesh(core_axis_name="c", subcore_axis_name="s"),
        scratch_types=[
            pltpu.VMEM((RPW, 128), jnp.float32),
            pltpu.VMEM((RPW, 128), jnp.float32),
            pltpu.VMEM((RPW, 128), jnp.float32),
            pltpu.VMEM((RPW, 128), jnp.int32),
        ],
    )
    wpk, ipk = sc_sort(ppk, mpk)

    selected_weights = wpk.reshape(T, NUM_EXPERTS)[:, :MAX_E].reshape(B, S, MAX_E)
    selected_indices = (ipk.reshape(T, NUM_EXPERTS)[:, :MAX_E]
                        .astype(jnp.int64).reshape(B, S, MAX_E))
    confidence = conf.reshape(T)
    return selected_weights, selected_indices, confidence, logits

# --- scband reference (transcript-rebuilt; emitter-appended) ---
"""Pipeline reference for scband-mo-eplus-plus-layer-24713241821318 (READ-ONLY COPY).

The authoritative reference and input builder live on the scoring server;
editing this copy changes nothing except your own understanding.
"""

import jax, jax.numpy as jnp
import numpy as np

B = 4
S = 2048
HIDDEN = 2048
NUM_EXPERTS = 16
MIN_E = 1
MAX_E = 4

def setup_inputs(seed: int = 0) -> dict:
    key = jax.random.key(seed)
    ks = jax.random.split(key, 8)
    hidden_states = jax.random.normal(ks[0], (B, S, HIDDEN), dtype=jnp.float32)
    Wr = jax.random.normal(ks[1], (NUM_EXPERTS, HIDDEN), dtype=jnp.float32) * 0.02
    br = jnp.zeros((NUM_EXPERTS,), dtype=jnp.float32)
    W1 = jax.random.normal(ks[2], (HIDDEN // 2, HIDDEN), dtype=jnp.float32) * 0.02
    b1 = jnp.zeros((HIDDEN // 2,), dtype=jnp.float32)
    W2 = jax.random.normal(ks[3], (1, HIDDEN // 2), dtype=jnp.float32) * 0.02
    b2 = jnp.zeros((1,), dtype=jnp.float32)
    return {"hidden_states": hidden_states, "Wr": Wr, "br": br, "W1": W1, "b1": b1, "W2": W2, "b2": b2}

def reference(hidden_states, Wr, br, W1, b1, W2, b2):
    B_, S_, H = hidden_states.shape
    flat = hidden_states.reshape(-1, H)
    temperature = 1.0
    router_logits = (flat @ Wr.T + br) / temperature
    # confidence_net: Linear -> ReLU -> Linear -> Sigmoid
    h = jnp.maximum(flat @ W1.T + b1, 0.0)
    confidence = jax.nn.sigmoid(h @ W2.T + b2)[:, 0]
    # dynamic k per token (round half-to-even matches torch.round)
    dyn = jnp.clip(jnp.round(MIN_E + (MAX_E - MIN_E) * (1.0 - confidence)).astype(jnp.int32), MIN_E, MAX_E)
    routing_probs = jax.nn.softmax(router_logits, axis=-1)
    # descending sort of full row then take column k  ==  top_k(MAX_E)
    topv, topi = jax.lax.top_k(routing_probs, MAX_E)
    mask = dyn[:, None] > jnp.arange(MAX_E)[None, :]
    selected_weights = jnp.where(mask, topv, 0.0).reshape(B_, S_, MAX_E)
    selected_indices = jnp.where(mask, topi, 0).astype(jnp.int64).reshape(B_, S_, MAX_E)
    return selected_weights, selected_indices, confidence, router_logits

if __name__ == "__main__":
    import jax
    _d = setup_inputs()
    print(jax.jit(kernel)(*tuple(_d.values())))

</pallas_src>

<mosaic_0001>
#map = affine_map<(d0, d1) -> (0, 0)>
module attributes {stable_mosaic.version = 14 : i64} {
  func.func @_sc_sort_body(%arg0: i32, %arg1: i32, %arg2: memref<1024x128xf32, #tpu.memory_space<hbm>>, %arg3: memref<1024x128xf32, #tpu.memory_space<hbm>>, %arg4: memref<1024x128xf32, #tpu.memory_space<hbm>>, %arg5: memref<1024x128xi32, #tpu.memory_space<hbm>>, %arg6: memref<32x128xf32, #tpu.memory_space<vmem>>, %arg7: memref<32x128xf32, #tpu.memory_space<vmem>>, %arg8: memref<32x128xf32, #tpu.memory_space<vmem>>, %arg9: memref<32x128xi32, #tpu.memory_space<vmem>>) attributes {dimension_semantics = [#tpu.dimension_semantics<core_parallel>, #tpu.dimension_semantics<subcore_parallel>], iteration_bounds = array<i64: 2, 16>, scalar_prefetch = 0 : i64, scratch_operands = 4 : i64, tpu.core_type = #tpu.core_type<sc_vector_subcore>, window_params = [{transform_indices = #map}, {transform_indices = #map}, {transform_indices = #map}, {transform_indices = #map}]} {
    %mul3A = arith.constant 2 : i32
    %mul3A_0 = arith.muli %arg1, %mul3A : i32
    %add3A = arith.addi %mul3A_0, %arg0 : i32
    %mul3A_1 = arith.constant 32 : i32
    %mul3A_2 = arith.muli %add3A, %mul3A_1 : i32
    "tpu.region"() ({
      %run_scoped3A = tpu.sem_alloc : memref<!tpu.dma_semaphore, #tpu.memory_space<semaphore_mem>>
      %dma_start3A = arith.constant 0 : i32
      %dma_start3A_113 = tpu.memref_slice %arg2[%mul3A_2, %dma_start3A] : memref<1024x128xf32, #tpu.memory_space<hbm>> -> memref<32x128xf32, #tpu.memory_space<hbm>>
      %dma_start3A_114 = arith.constant 0 : i32
      %dma_start3A_115 = tpu.memref_slice %arg2[%mul3A_2, %dma_start3A_114] : memref<1024x128xf32, #tpu.memory_space<hbm>> -> memref<32x128xf32, #tpu.memory_space<hbm>>
      tpu.enqueue_dma source(%dma_start3A_115 : memref<32x128xf32, #tpu.memory_space<hbm>>) target(%arg6 : memref<32x128xf32, #tpu.memory_space<vmem>>) target_semaphore(%run_scoped3A : memref<!tpu.dma_semaphore, #tpu.memory_space<semaphore_mem>>)
      %dma_wait3A = arith.constant 0 : i32
      %dma_wait3A_116 = tpu.memref_slice %arg2[%mul3A_2, %dma_wait3A] : memref<1024x128xf32, #tpu.memory_space<hbm>> -> memref<32x128xf32, #tpu.memory_space<hbm>>
      %dma_wait3A_117 = arith.constant 0 : i32
      %dma_wait3A_118 = tpu.memref_slice %arg2[%mul3A_2, %dma_wait3A_117] : memref<1024x128xf32, #tpu.memory_space<hbm>> -> memref<32x128xf32, #tpu.memory_space<hbm>>
      tpu.wait_dma2 semaphore(%run_scoped3A : memref<!tpu.dma_semaphore, #tpu.memory_space<semaphore_mem>>) src(%dma_wait3A_118 : memref<32x128xf32, #tpu.memory_space<hbm>>) dst(%arg6 : memref<32x128xf32, #tpu.memory_space<vmem>>)
      tpu.yield
    }) : () -> ()
    "tpu.region"() ({
      %run_scoped3A = tpu.sem_alloc : memref<!tpu.dma_semaphore, #tpu.memory_space<semaphore_mem>>
      %dma_start3A = arith.constant 0 : i32
      %dma_start3A_113 = tpu.memref_slice %arg3[%mul3A_2, %dma_start3A] : memref<1024x128xf32, #tpu.memory_space<hbm>> -> memref<32x128xf32, #tpu.memory_space<hbm>>
      %dma_start3A_114 = arith.constant 0 : i32
      %dma_start3A_115 = tpu.memref_slice %arg3[%mul3A_2, %dma_start3A_114] : memref<1024x128xf32, #tpu.memory_space<hbm>> -> memref<32x128xf32, #tpu.memory_space<hbm>>
      tpu.enqueue_dma source(%dma_start3A_115 : memref<32x128xf32, #tpu.memory_space<hbm>>) target(%arg7 : memref<32x128xf32, #tpu.memory_space<vmem>>) target_semaphore(%run_scoped3A : memref<!tpu.dma_semaphore, #tpu.memory_space<semaphore_mem>>)
      %dma_wait3A = arith.constant 0 : i32
      %dma_wait3A_116 = tpu.memref_slice %arg3[%mul3A_2, %dma_wait3A] : memref<1024x128xf32, #tpu.memory_space<hbm>> -> memref<32x128xf32, #tpu.memory_space<hbm>>
      %dma_wait3A_117 = arith.constant 0 : i32
      %dma_wait3A_118 = tpu.memref_slice %arg3[%mul3A_2, %dma_wait3A_117] : memref<1024x128xf32, #tpu.memory_space<hbm>> -> memref<32x128xf32, #tpu.memory_space<hbm>>
      tpu.wait_dma2 semaphore(%run_scoped3A : memref<!tpu.dma_semaphore, #tpu.memory_space<semaphore_mem>>) src(%dma_wait3A_118 : memref<32x128xf32, #tpu.memory_space<hbm>>) dst(%arg7 : memref<32x128xf32, #tpu.memory_space<vmem>>)
      tpu.yield
    }) : () -> ()
    %iota3A = tpu.iota {dimensions = array<i32: 0>} : vector<16xi32>
    %add3A_3 = arith.constant 8 : i32
    %add3A_4 = vector.broadcast %add3A_3 : i32 to vector<16xi32>
    %add3A_5 = arith.addi %iota3A, %add3A_4 : vector<16xi32>
    %jit3A = arith.constant 16 : i32
    %eq3A = arith.constant 0 : i32
    %eq3A_6 = arith.cmpi eq, %jit3A, %eq3A : i32
    %jit3A_7 = arith.constant 1 : i32
    %select_n3A = arith.select %eq3A_6, %jit3A_7, %jit3A : i32
    %rem3A = vector.broadcast %select_n3A : i32 to vector<16xi32>
    %rem3A_8 = arith.remsi %add3A_5, %rem3A : vector<16xi32>
    %ne3A = arith.constant 0 : i32
    %ne3A_9 = vector.broadcast %ne3A : i32 to vector<16xi32>
    %ne3A_10 = arith.cmpi ne, %rem3A_8, %ne3A_9 : vector<16xi32>
    %lt3A = arith.constant 0 : i32
    %lt3A_11 = vector.broadcast %lt3A : i32 to vector<16xi32>
    %lt3A_12 = arith.cmpi slt, %rem3A_8, %lt3A_11 : vector<16xi32>
    %lt3A_13 = arith.constant 0 : i32
    %lt3A_14 = arith.cmpi slt, %select_n3A, %lt3A_13 : i32
    %ne3A_15 = vector.broadcast %lt3A_14 : i1 to vector<16xi1>
    %ne3A_16 = vector.broadcast %ne3A_15 : vector<16xi1> to vector<16xi1>
    %ne3A_17 = arith.xori %lt3A_12, %ne3A_16 : vector<16xi1>
    %and3A = arith.andi %ne3A_17, %ne3A_10 : vector<16xi1>
    %add3A_18 = vector.broadcast %select_n3A : i32 to vector<16xi32>
    %add3A_19 = arith.addi %rem3A_8, %add3A_18 : vector<16xi32>
    %select_n3A_20 = arith.select %and3A, %add3A_19, %rem3A_8 : vector<16xi1>, vector<16xi32>
    %add3A_21 = arith.constant 4 : i32
    %add3A_22 = vector.broadcast %add3A_21 : i32 to vector<16xi32>
    %add3A_23 = arith.addi %iota3A, %add3A_22 : vector<16xi32>
    %jit3A_24 = arith.constant 16 : i32
    %eq3A_25 = arith.constant 0 : i32
    %eq3A_26 = arith.cmpi eq, %jit3A_24, %eq3A_25 : i32
    %jit3A_27 = arith.constant 1 : i32
    %select_n3A_28 = arith.select %eq3A_26, %jit3A_27, %jit3A_24 : i32
    %rem3A_29 = vector.broadcast %select_n3A_28 : i32 to vector<16xi32>
    %rem3A_30 = arith.remsi %add3A_23, %rem3A_29 : vector<16xi32>
    %ne3A_31 = arith.constant 0 : i32
    %ne3A_32 = vector.broadcast %ne3A_31 : i32 to vector<16xi32>
    %ne3A_33 = arith.cmpi ne, %rem3A_30, %ne3A_32 : vector<16xi32>
    %lt3A_34 = arith.constant 0 : i32
    %lt3A_35 = vector.broadcast %lt3A_34 : i32 to vector<16xi32>
    %lt3A_36 = arith.cmpi slt, %rem3A_30, %lt3A_35 : vector<16xi32>
    %lt3A_37 = arith.constant 0 : i32
    %lt3A_38 = arith.cmpi slt, %select_n3A_28, %lt3A_37 : i32
    %ne3A_39 = vector.broadcast %lt3A_38 : i1 to vector<16xi1>
    %ne3A_40 = vector.broadcast %ne3A_39 : vector<16xi1> to vector<16xi1>
    %ne3A_41 = arith.xori %lt3A_36, %ne3A_40 : vector<16xi1>
    %and3A_42 = arith.andi %ne3A_41, %ne3A_33 : vector<16xi1>
    %add3A_43 = vector.broadcast %select_n3A_28 : i32 to vector<16xi32>
    %add3A_44 = arith.addi %rem3A_30, %add3A_43 : vector<16xi32>
    %select_n3A_45 = arith.select %and3A_42, %add3A_44, %rem3A_30 : vector<16xi1>, vector<16xi32>
    %add3A_46 = arith.constant 2 : i32
    %add3A_47 = vector.broadcast %add3A_46 : i32 to vector<16xi32>
    %add3A_48 = arith.addi %iota3A, %add3A_47 : vector<16xi32>
    %jit3A_49 = arith.constant 16 : i32
    %eq3A_50 = arith.constant 0 : i32
    %eq3A_51 = arith.cmpi eq, %jit3A_49, %eq3A_50 : i32
    %jit3A_52 = arith.constant 1 : i32
    %select_n3A_53 = arith.select %eq3A_51, %jit3A_52, %jit3A_49 : i32
    %rem3A_54 = vector.broadcast %select_n3A_53 : i32 to vector<16xi32>
    %rem3A_55 = arith.remsi %add3A_48, %rem3A_54 : vector<16xi32>
    %ne3A_56 = arith.constant 0 : i32
    %ne3A_57 = vector.broadcast %ne3A_56 : i32 to vector<16xi32>
    %ne3A_58 = arith.cmpi ne, %rem3A_55, %ne3A_57 : vector<16xi32>
    %lt3A_59 = arith.constant 0 : i32
    %lt3A_60 = vector.broadcast %lt3A_59 : i32 to vector<16xi32>
    %lt3A_61 = arith.cmpi slt, %rem3A_55, %lt3A_60 : vector<16xi32>
    %lt3A_62 = arith.constant 0 : i32
    %lt3A_63 = arith.cmpi slt, %select_n3A_53, %lt3A_62 : i32
    %ne3A_64 = vector.broadcast %lt3A_63 : i1 to vector<16xi1>
    %ne3A_65 = vector.broadcast %ne3A_64 : vector<16xi1> to vector<16xi1>
    %ne3A_66 = arith.xori %lt3A_61, %ne3A_65 : vector<16xi1>
    %and3A_67 = arith.andi %ne3A_66, %ne3A_58 : vector<16xi1>
    %add3A_68 = vector.broadcast %select_n3A_53 : i32 to vector<16xi32>
    %add3A_69 = arith.addi %rem3A_55, %add3A_68 : vector<16xi32>
    %select_n3A_70 = arith.select %and3A_67, %add3A_69, %rem3A_55 : vector<16xi1>, vector<16xi32>
    %add3A_71 = arith.constant 1 : i32
    %add3A_72 = vector.broadcast %add3A_71 : i32 to vector<16xi32>
    %add3A_73 = arith.addi %iota3A, %add3A_72 : vector<16xi32>
    %jit3A_74 = arith.constant 16 : i32
    %eq3A_75 = arith.constant 0 : i32
    %eq3A_76 = arith.cmpi eq, %jit3A_74, %eq3A_75 : i32
    %jit3A_77 = arith.constant 1 : i32
    %select_n3A_78 = arith.select %eq3A_76, %jit3A_77, %jit3A_74 : i32
    %rem3A_79 = vector.broadcast %select_n3A_78 : i32 to vector<16xi32>
    %rem3A_80 = arith.remsi %add3A_73, %rem3A_79 : vector<16xi32>
    %ne3A_81 = arith.constant 0 : i32
    %ne3A_82 = vector.broadcast %ne3A_81 : i32 to vector<16xi32>
    %ne3A_83 = arith.cmpi ne, %rem3A_80, %ne3A_82 : vector<16xi32>
    %lt3A_84 = arith.constant 0 : i32
    %lt3A_85 = vector.broadcast %lt3A_84 : i32 to vector<16xi32>
    %lt3A_86 = arith.cmpi slt, %rem3A_80, %lt3A_85 : vector<16xi32>
    %lt3A_87 = arith.constant 0 : i32
    %lt3A_88 = arith.cmpi slt, %select_n3A_78, %lt3A_87 : i32
    %ne3A_89 = vector.broadcast %lt3A_88 : i1 to vector<16xi1>
    %ne3A_90 = vector.broadcast %ne3A_89 : vector<16xi1> to vector<16xi1>
    %ne3A_91 = arith.xori %lt3A_86, %ne3A_90 : vector<16xi1>
    %and3A_92 = arith.andi %ne3A_91, %ne3A_83 : vector<16xi1>
    %add3A_93 = vector.broadcast %select_n3A_78 : i32 to vector<16xi32>
    %add3A_94 = arith.addi %rem3A_80, %add3A_93 : vector<16xi32>
    %select_n3A_95 = arith.select %and3A_92, %add3A_94, %rem3A_80 : vector<16xi1>, vector<16xi32>
    %eq3A_96 = arith.constant 0 : i32
    %eq3A_97 = vector.broadcast %eq3A_96 : i32 to vector<16xi32>
    %eq3A_98 = arith.cmpi eq, %iota3A, %eq3A_97 : vector<16xi32>
    %eq3A_99 = arith.constant 1 : i32
    %eq3A_100 = vector.broadcast %eq3A_99 : i32 to vector<16xi32>
    %eq3A_101 = arith.cmpi eq, %iota3A, %eq3A_100 : vector<16xi32>
    %eq3A_102 = arith.constant 2 : i32
    %eq3A_103 = vector.broadcast %eq3A_102 : i32 to vector<16xi32>
    %eq3A_104 = arith.cmpi eq, %iota3A, %eq3A_103 : vector<16xi32>
    %eq3A_105 = arith.constant 3 : i32
    %eq3A_106 = vector.broadcast %eq3A_105 : i32 to vector<16xi32>
    %eq3A_107 = arith.cmpi eq, %iota3A, %eq3A_106 : vector<16xi32>
    %sub3A = arith.subi %iota3A, %iota3A : vector<16xi32>
    %scan3A = arith.constant 0 : i32
    %scan3A_108 = arith.constant 0 : i32
    %scan3A_109 = arith.constant 32 : i32
    %scan3A_110 = arith.addi %scan3A_108, %scan3A_109 : i32
    %scan3A_111 = arith.constant 1 : i32
    scf.for %scan3A_113 = %scan3A_108 to %scan3A_110 step %scan3A_111  : i32 {
      %get3A = arith.index_cast %scan3A_113 : i32 to index
      %get3A_114 = arith.constant 0 : index
      %get3A_115 = tpu.vector_load %arg6[%get3A, %get3A_114] {strides = array<i32>} : memref<32x128xf32, #tpu.memory_space<vmem>>, vector<1x16xf32>,
      %get3A_116 = vector.shape_cast %get3A_115 : vector<1x16xf32> to vector<16xf32>
      %get3A_117 = arith.index_cast %scan3A_113 : i32 to index
      %get3A_118 = arith.constant 0 : index
      %get3A_119 = tpu.vector_load %arg7[%get3A_117, %get3A_118] {strides = array<i32>} : memref<32x128xf32, #tpu.memory_space<vmem>>, vector<1x16xf32>,
      %get3A_120 = vector.shape_cast %get3A_119 : vector<1x16xf32> to vector<16xf32>
      %mul3A_121 = arith.constant 0.000000e+00 : f32
      %mul3A_122 = vector.broadcast %mul3A_121 : f32 to vector<16xf32>
      %mul3A_123 = arith.mulf %get3A_116, %mul3A_122 : vector<16xf32>
      %broadcast_in_dim3A = vector.shape_cast %select_n3A_20 : vector<16xi32> to vector<16x1xi32>
      %gather3A = vector.shape_cast %broadcast_in_dim3A : vector<16x1xi32> to vector<16xi32>
      %gather3A_124 = tpu.dynamic_gather %get3A_116[%gather3A] in [0] : vector<16xf32>, vector<16xi32> -> vector<16xf32>
      %max3A = arith.maximumf %get3A_116, %gather3A_124 : vector<16xf32>
      %broadcast_in_dim3A_125 = vector.shape_cast %select_n3A_45 : vector<16xi32> to vector<16x1xi32>
      %gather3A_126 = vector.shape_cast %broadcast_in_dim3A_125 : vector<16x1xi32> to vector<16xi32>
      %gather3A_127 = tpu.dynamic_gather %max3A[%gather3A_126] in [0] : vector<16xf32>, vector<16xi32> -> vector<16xf32>
      %max3A_128 = arith.maximumf %max3A, %gather3A_127 : vector<16xf32>
      %broadcast_in_dim3A_129 = vector.shape_cast %select_n3A_70 : vector<16xi32> to vector<16x1xi32>
      %gather3A_130 = vector.shape_cast %broadcast_in_dim3A_129 : vector<16x1xi32> to vector<16xi32>
      %gather3A_131 = tpu.dynamic_gather %max3A_128[%gather3A_130] in [0] : vector<16xf32>, vector<16xi32> -> vector<16xf32>
      %max3A_132 = arith.maximumf %max3A_128, %gather3A_131 : vector<16xf32>
      %broadcast_in_dim3A_133 = vector.shape_cast %select_n3A_95 : vector<16xi32> to vector<16x1xi32>
      %gather3A_134 = vector.shape_cast %broadcast_in_dim3A_133 : vector<16x1xi32> to vector<16xi32>
      %gather3A_135 = tpu.dynamic_gather %max3A_132[%gather3A_134] in [0] : vector<16xf32>, vector<16xi32> -> vector<16xf32>
      %max3A_136 = arith.maximumf %max3A_132, %gather3A_135 : vector<16xf32>
      %eq3A_137 = arith.cmpf oeq, %get3A_116, %max3A_136 : vector<16xf32>
      %jit3A_138 = arith.constant 16 : i32
      %broadcast_in_dim3A_139 = vector.broadcast %jit3A_138 : i32 to vector<16xi32>
      %select_n3A_140 = arith.select %eq3A_137, %iota3A, %broadcast_in_dim3A_139 : vector<16xi1>, vector<16xi32>
      %broadcast_in_dim3A_141 = vector.shape_cast %select_n3A_20 : vector<16xi32> to vector<16x1xi32>
      %gather3A_142 = vector.shape_cast %broadcast_in_dim3A_141 : vector<16x1xi32> to vector<16xi32>
      %gather3A_143 = tpu.dynamic_gather %select_n3A_140[%gather3A_142] in [0] : vector<16xi32>, vector<16xi32> -> vector<16xi32>
      %min3A = arith.minsi %select_n3A_140, %gather3A_143 : vector<16xi32>
      %broadcast_in_dim3A_144 = vector.shape_cast %select_n3A_45 : vector<16xi32> to vector<16x1xi32>
      %gather3A_145 = vector.shape_cast %broadcast_in_dim3A_144 : vector<16x1xi32> to vector<16xi32>
      %gather3A_146 = tpu.dynamic_gather %min3A[%gather3A_145] in [0] : vector<16xi32>, vector<16xi32> -> vector<16xi32>
      %min3A_147 = arith.minsi %min3A, %gather3A_146 : vector<16xi32>
      %broadcast_in_dim3A_148 = vector.shape_cast %select_n3A_70 : vector<16xi32> to vector<16x1xi32>
      %gather3A_149 = vector.shape_cast %broadcast_in_dim3A_148 : vector<16x1xi32> to vector<16xi32>
      %gather3A_150 = tpu.dynamic_gather %min3A_147[%gather3A_149] in [0] : vector<16xi32>, vector<16xi32> -> vector<16xi32>
      %min3A_151 = arith.minsi %min3A_147, %gather3A_150 : vector<16xi32>
      %broadcast_in_dim3A_152 = vector.shape_cast %select_n3A_95 : vector<16xi32> to vector<16x1xi32>
      %gather3A_153 = vector.shape_cast %broadcast_in_dim3A_152 : vector<16x1xi32> to vector<16xi32>
      %gather3A_154 = tpu.dynamic_gather %min3A_151[%gather3A_153] in [0] : vector<16xi32>, vector<16xi32> -> vector<16xi32>
      %min3A_155 = arith.minsi %min3A_151, %gather3A_154 : vector<16xi32>
      %select_n3A_156 = arith.select %eq3A_98, %max3A_136, %mul3A_123 : vector<16xi1>, vector<16xf32>
      %select_n3A_157 = arith.select %eq3A_98, %min3A_155, %sub3A : vector<16xi1>, vector<16xi32>
      %eq3A_158 = arith.cmpi eq, %iota3A, %min3A_155 : vector<16xi32>
      %jit3A_159 = arith.constant -1.000000e+30 : f32
      %broadcast_in_dim3A_160 = vector.broadcast %jit3A_159 : f32 to vector<16xf32>
      %select_n3A_161 = arith.select %eq3A_158, %broadcast_in_dim3A_160, %get3A_116 : vector<16xi1>, vector<16xf32>
      %broadcast_in_dim3A_162 = vector.shape_cast %select_n3A_20 : vector<16xi32> to vector<16x1xi32>
      %gather3A_163 = vector.shape_cast %broadcast_in_dim3A_162 : vector<16x1xi32> to vector<16xi32>
      %gather3A_164 = tpu.dynamic_gather %select_n3A_161[%gather3A_163] in [0] : vector<16xf32>, vector<16xi32> -> vector<16xf32>
      %max3A_165 = arith.maximumf %select_n3A_161, %gather3A_164 : vector<16xf32>
      %broadcast_in_dim3A_166 = vector.shape_cast %select_n3A_45 : vector<16xi32> to vector<16x1xi32>
      %gather3A_167 = vector.shape_cast %broadcast_in_dim3A_166 : vector<16x1xi32> to vector<16xi32>
      %gather3A_168 = tpu.dynamic_gather %max3A_165[%gather3A_167] in [0] : vector<16xf32>, vector<16xi32> -> vector<16xf32>
      %max3A_169 = arith.maximumf %max3A_165, %gather3A_168 : vector<16xf32>
      %broadcast_in_dim3A_170 = vector.shape_cast %select_n3A_70 : vector<16xi32> to vector<16x1xi32>
      %gather3A_171 = vector.shape_cast %broadcast_in_dim3A_170 : vector<16x1xi32> to vector<16xi32>
      %gather3A_172 = tpu.dynamic_gather %max3A_169[%gather3A_171] in [0] : vector<16xf32>, vector<16xi32> -> vector<16xf32>
      %max3A_173 = arith.maximumf %max3A_169, %gather3A_172 : vector<16xf32>
      %broadcast_in_dim3A_174 = vector.shape_cast %select_n3A_95 : vector<16xi32> to vector<16x1xi32>
      %gather3A_175 = vector.shape_cast %broadcast_in_dim3A_174 : vector<16x1xi32> to vector<16xi32>
      %gather3A_176 = tpu.dynamic_gather %max3A_173[%gather3A_175] in [0] : vector<16xf32>, vector<16xi32> -> vector<16xf32>
      %max3A_177 = arith.maximumf %max3A_173, %gather3A_176 : vector<16xf32>
      %eq3A_178 = arith.cmpf oeq, %select_n3A_161, %max3A_177 : vector<16xf32>
      %jit3A_179 = arith.constant 16 : i32
      %broadcast_in_dim3A_180 = vector.broadcast %jit3A_179 : i32 to vector<16xi32>
      %select_n3A_181 = arith.select %eq3A_178, %iota3A, %broadcast_in_dim3A_180 : vector<16xi1>, vector<16xi32>
      %broadcast_in_dim3A_182 = vector.shape_cast %select_n3A_20 : vector<16xi32> to vector<16x1xi32>
      %gather3A_183 = vector.shape_cast %broadcast_in_dim3A_182 : vector<16x1xi32> to vector<16xi32>
      %gather3A_184 = tpu.dynamic_gather %select_n3A_181[%gather3A_183] in [0] : vector<16xi32>, vector<16xi32> -> vector<16xi32>
      %min3A_185 = arith.minsi %select_n3A_181, %gather3A_184 : vector<16xi32>
      %broadcast_in_dim3A_186 = vector.shape_cast %select_n3A_45 : vector<16xi32> to vector<16x1xi32>
      %gather3A_187 = vector.shape_cast %broadcast_in_dim3A_186 : vector<16x1xi32> to vector<16xi32>
      %gather3A_188 = tpu.dynamic_gather %min3A_185[%gather3A_187] in [0] : vector<16xi32>, vector<16xi32> -> vector<16xi32>
      %min3A_189 = arith.minsi %min3A_185, %gather3A_188 : vector<16xi32>
      %broadcast_in_dim3A_190 = vector.shape_cast %select_n3A_70 : vector<16xi32> to vector<16x1xi32>
      %gather3A_191 = vector.shape_cast %broadcast_in_dim3A_190 : vector<16x1xi32> to vector<16xi32>
      %gather3A_192 = tpu.dynamic_gather %min3A_189[%gather3A_191] in [0] : vector<16xi32>, vector<16xi32> -> vector<16xi32>
      %min3A_193 = arith.minsi %min3A_189, %gather3A_192 : vector<16xi32>
      %broadcast_in_dim3A_194 = vector.shape_cast %select_n3A_95 : vector<16xi32> to vector<16x1xi32>
      %gather3A_195 = vector.shape_cast %broadcast_in_dim3A_194 : vector<16x1xi32> to vector<16xi32>
      %gather3A_196 = tpu.dynamic_gather %min3A_193[%gather3A_195] in [0] : vector<16xi32>, vector<16xi32> -> vector<16xi32>
      %min3A_197 = arith.minsi %min3A_193, %gather3A_196 : vector<16xi32>
      %select_n3A_198 = arith.select %eq3A_101, %max3A_177, %select_n3A_156 : vector<16xi1>, vector<16xf32>
      %select_n3A_199 = arith.select %eq3A_101, %min3A_197, %select_n3A_157 : vector<16xi1>, vector<16xi32>
      %eq3A_200 = arith.cmpi eq, %iota3A, %min3A_197 : vector<16xi32>
      %jit3A_201 = arith.constant -1.000000e+30 : f32
      %broadcast_in_dim3A_202 = vector.broadcast %jit3A_201 : f32 to vector<16xf32>
      %select_n3A_203 = arith.select %eq3A_200, %broadcast_in_dim3A_202, %select_n3A_161 : vector<16xi1>, vector<16xf32>
      %broadcast_in_dim3A_204 = vector.shape_cast %select_n3A_20 : vector<16xi32> to vector<16x1xi32>
      %gather3A_205 = vector.shape_cast %broadcast_in_dim3A_204 : vector<16x1xi32> to vector<16xi32>
      %gather3A_206 = tpu.dynamic_gather %select_n3A_203[%gather3A_205] in [0] : vector<16xf32>, vector<16xi32> -> vector<16xf32>
      %max3A_207 = arith.maximumf %select_n3A_203, %gather3A_206 : vector<16xf32>
      %broadcast_in_dim3A_208 = vector.shape_cast %select_n3A_45 : vector<16xi32> to vector<16x1xi32>
      %gather3A_209 = vector.shape_cast %broadcast_in_dim3A_208 : vector<16x1xi32> to vector<16xi32>
      %gather3A_210 = tpu.dynamic_gather %max3A_207[%gather3A_209] in [0] : vector<16xf32>, vector<16xi32> -> vector<16xf32>
      %max3A_211 = arith.maximumf %max3A_207, %gather3A_210 : vector<16xf32>
      %broadcast_in_dim3A_212 = vector.shape_cast %select_n3A_70 : vector<16xi32> to vector<16x1xi32>
      %gather3A_213 = vector.shape_cast %broadcast_in_dim3A_212 : vector<16x1xi32> to vector<16xi32>
      %gather3A_214 = tpu.dynamic_gather %max3A_211[%gather3A_213] in [0] : vector<16xf32>, vector<16xi32> -> vector<16xf32>
      %max3A_215 = arith.maximumf %max3A_211, %gather3A_214 : vector<16xf32>
      %broadcast_in_dim3A_216 = vector.shape_cast %select_n3A_95 : vector<16xi32> to vector<16x1xi32>
      %gather3A_217 = vector.shape_cast %broadcast_in_dim3A_216 : vector<16x1xi32> to vector<16xi32>
      %gather3A_218 = tpu.dynamic_gather %max3A_215[%gather3A_217] in [0] : vector<16xf32>, vector<16xi32> -> vector<16xf32>
      %max3A_219 = arith.maximumf %max3A_215, %gather3A_218 : vector<16xf32>
      %eq3A_220 = arith.cmpf oeq, %select_n3A_203, %max3A_219 : vector<16xf32>
      %jit3A_221 = arith.constant 16 : i32
      %broadcast_in_dim3A_222 = vector.broadcast %jit3A_221 : i32 to vector<16xi32>
      %select_n3A_223 = arith.select %eq3A_220, %iota3A, %broadcast_in_dim3A_222 : vector<16xi1>, vector<16xi32>
      %broadcast_in_dim3A_224 = vector.shape_cast %select_n3A_20 : vector<16xi32> to vector<16x1xi32>
      %gather3A_225 = vector.shape_cast %broadcast_in_dim3A_224 : vector<16x1xi32> to vector<16xi32>
      %gather3A_226 = tpu.dynamic_gather %select_n3A_223[%gather3A_225] in [0] : vector<16xi32>, vector<16xi32> -> vector<16xi32>
      %min3A_227 = arith.minsi %select_n3A_223, %gather3A_226 : vector<16xi32>
      %broadcast_in_dim3A_228 = vector.shape_cast %select_n3A_45 : vector<16xi32> to vector<16x1xi32>
      %gather3A_229 = vector.shape_cast %broadcast_in_dim3A_228 : vector<16x1xi32> to vector<16xi32>
      %gather3A_230 = tpu.dynamic_gather %min3A_227[%gather3A_229] in [0] : vector<16xi32>, vector<16xi32> -> vector<16xi32>
      %min3A_231 = arith.minsi %min3A_227, %gather3A_230 : vector<16xi32>
      %broadcast_in_dim3A_232 = vector.shape_cast %select_n3A_70 : vector<16xi32> to vector<16x1xi32>
      %gather3A_233 = vector.shape_cast %broadcast_in_dim3A_232 : vector<16x1xi32> to vector<16xi32>
      %gather3A_234 = tpu.dynamic_gather %min3A_231[%gather3A_233] in [0] : vector<16xi32>, vector<16xi32> -> vector<16xi32>
      %min3A_235 = arith.minsi %min3A_231, %gather3A_234 : vector<16xi32>
      %broadcast_in_dim3A_236 = vector.shape_cast %select_n3A_95 : vector<16xi32> to vector<16x1xi32>
      %gather3A_237 = vector.shape_cast %broadcast_in_dim3A_236 : vector<16x1xi32> to vector<16xi32>
      %gather3A_238 = tpu.dynamic_gather %min3A_235[%gather3A_237] in [0] : vector<16xi32>, vector<16xi32> -> vector<16xi32>
      %min3A_239 = arith.minsi %min3A_235, %gather3A_238 : vector<16xi32>
      %select_n3A_240 = arith.select %eq3A_104, %max3A_219, %select_n3A_198 : vector<16xi1>, vector<16xf32>
      %select_n3A_241 = arith.select %eq3A_104, %min3A_239, %select_n3A_199 : vector<16xi1>, vector<16xi32>
      %eq3A_242 = arith.cmpi eq, %iota3A, %min3A_239 : vector<16xi32>
      %jit3A_243 = arith.constant -1.000000e+30 : f32
      %broadcast_in_dim3A_244 = vector.broadcast %jit3A_243 : f32 to vector<16xf32>
      %select_n3A_245 = arith.select %eq3A_242, %broadcast_in_dim3A_244, %select_n3A_203 : vector<16xi1>, vector<16xf32>
      %broadcast_in_dim3A_246 = vector.shape_cast %select_n3A_20 : vector<16xi32> to vector<16x1xi32>
      %gather3A_247 = vector.shape_cast %broadcast_in_dim3A_246 : vector<16x1xi32> to vector<16xi32>
      %gather3A_248 = tpu.dynamic_gather %select_n3A_245[%gather3A_247] in [0] : vector<16xf32>, vector<16xi32> -> vector<16xf32>
      %max3A_249 = arith.maximumf %select_n3A_245, %gather3A_248 : vector<16xf32>
      %broadcast_in_dim3A_250 = vector.shape_cast %select_n3A_45 : vector<16xi32> to vector<16x1xi32>
      %gather3A_251 = vector.shape_cast %broadcast_in_dim3A_250 : vector<16x1xi32> to vector<16xi32>
      %gather3A_252 = tpu.dynamic_gather %max3A_249[%gather3A_251] in [0] : vector<16xf32>, vector<16xi32> -> vector<16xf32>
      %max3A_253 = arith.maximumf %max3A_249, %gather3A_252 : vector<16xf32>
      %broadcast_in_dim3A_254 = vector.shape_cast %select_n3A_70 : vector<16xi32> to vector<16x1xi32>
      %gather3A_255 = vector.shape_cast %broadcast_in_dim3A_254 : vector<16x1xi32> to vector<16xi32>
      %gather3A_256 = tpu.dynamic_gather %max3A_253[%gather3A_255] in [0] : vector<16xf32>, vector<16xi32> -> vector<16xf32>
      %max3A_257 = arith.maximumf %max3A_253, %gather3A_256 : vector<16xf32>
      %broadcast_in_dim3A_258 = vector.shape_cast %select_n3A_95 : vector<16xi32> to vector<16x1xi32>
      %gather3A_259 = vector.shape_cast %broadcast_in_dim3A_258 : vector<16x1xi32> to vector<16xi32>
      %gather3A_260 = tpu.dynamic_gather %max3A_257[%gather3A_259] in [0] : vector<16xf32>, vector<16xi32> -> vector<16xf32>
      %max3A_261 = arith.maximumf %max3A_257, %gather3A_260 : vector<16xf32>
      %eq3A_262 = arith.cmpf oeq, %select_n3A_245, %max3A_261 : vector<16xf32>
      %jit3A_263 = arith.constant 16 : i32
      %broadcast_in_dim3A_264 = vector.broadcast %jit3A_263 : i32 to vector<16xi32>
      %select_n3A_265 = arith.select %eq3A_262, %iota3A, %broadcast_in_dim3A_264 : vector<16xi1>, vector<16xi32>
      %broadcast_in_dim3A_266 = vector.shape_cast %select_n3A_20 : vector<16xi32> to vector<16x1xi32>
      %gather3A_267 = vector.shape_cast %broadcast_in_dim3A_266 : vector<16x1xi32> to vector<16xi32>
      %gather3A_268 = tpu.dynamic_gather %select_n3A_265[%gather3A_267] in [0] : vector<16xi32>, vector<16xi32> -> vector<16xi32>
      %min3A_269 = arith.minsi %select_n3A_265, %gather3A_268 : vector<16xi32>
      %broadcast_in_dim3A_270 = vector.shape_cast %select_n3A_45 : vector<16xi32> to vector<16x1xi32>
      %gather3A_271 = vector.shape_cast %broadcast_in_dim3A_270 : vector<16x1xi32> to vector<16xi32>
      %gather3A_272 = tpu.dynamic_gather %min3A_269[%gather3A_271] in [0] : vector<16xi32>, vector<16xi32> -> vector<16xi32>
      %min3A_273 = arith.minsi %min3A_269, %gather3A_272 : vector<16xi32>
      %broadcast_in_dim3A_274 = vector.shape_cast %select_n3A_70 : vector<16xi32> to vector<16x1xi32>
      %gather3A_275 = vector.shape_cast %broadcast_in_dim3A_274 : vector<16x1xi32> to vector<16xi32>
      %gather3A_276 = tpu.dynamic_gather %min3A_273[%gather3A_275] in [0] : vector<16xi32>, vector<16xi32> -> vector<16xi32>
      %min3A_277 = arith.minsi %min3A_273, %gather3A_276 : vector<16xi32>
      %broadcast_in_dim3A_278 = vector.shape_cast %select_n3A_95 : vector<16xi32> to vector<16x1xi32>
      %gather3A_279 = vector.shape_cast %broadcast_in_dim3A_278 : vector<16x1xi32> to vector<16xi32>
      %gather3A_280 = tpu.dynamic_gather %min3A_277[%gather3A_279] in [0] : vector<16xi32>, vector<16xi32> -> vector<16xi32>
      %min3A_281 = arith.minsi %min3A_277, %gather3A_280 : vector<16xi32>
      %select_n3A_282 = arith.select %eq3A_107, %max3A_261, %select_n3A_240 : vector<16xi1>, vector<16xf32>
      %select_n3A_283 = arith.select %eq3A_107, %min3A_281, %select_n3A_241 : vector<16xi1>, vector<16xi32>
      %eq3A_284 = arith.cmpi eq, %iota3A, %min3A_281 : vector<16xi32>
      %jit3A_285 = arith.constant -1.000000e+30 : f32
      %broadcast_in_dim3A_286 = vector.broadcast %jit3A_285 : f32 to vector<16xf32>
      %select_n3A_287 = arith.select %eq3A_284, %broadcast_in_dim3A_286, %select_n3A_245 : vector<16xi1>, vector<16xf32>
      %mul3A_288 = arith.mulf %select_n3A_282, %get3A_120 : vector<16xf32>
      %swap3A = arith.index_cast %scan3A_113 : i32 to index
      %swap3A_289 = arith.constant 0 : index
      %swap3A_290 = tpu.vector_load %arg8[%swap3A, %swap3A_289] {strides = array<i32>} : memref<32x128xf32, #tpu.memory_space<vmem>>, vector<1x16xf32>,
      %swap3A_291 = vector.shape_cast %swap3A_290 : vector<1x16xf32> to vector<16xf32>
      %swap3A_292 = vector.shape_cast %mul3A_288 : vector<16xf32> to vector<1x16xf32>
      tpu.vector_store %arg8[%swap3A, %swap3A_289], %swap3A_292 {strides = array<i32>} : memref<32x128xf32, #tpu.memory_space<vmem>>, vector<1x16xf32>,
      %gt3A = arith.constant 5.000000e-01 : f32
      %gt3A_293 = vector.broadcast %gt3A : f32 to vector<16xf32>
      %gt3A_294 = arith.cmpf ogt, %get3A_120, %gt3A_293 : vector<16xf32>
      %jit3A_295 = arith.constant 0 : i32
      %broadcast_in_dim3A_296 = vector.broadcast %jit3A_295 : i32 to vector<16xi32>
      %select_n3A_297 = arith.select %gt3A_294, %select_n3A_283, %broadcast_in_dim3A_296 : vector<16xi1>, vector<16xi32>
      %swap3A_298 = arith.index_cast %scan3A_113 : i32 to index
      %swap3A_299 = arith.constant 0 : index
      %swap3A_300 = tpu.vector_load %arg9[%swap3A_298, %swap3A_299] {strides = array<i32>} : memref<32x128xi32, #tpu.memory_space<vmem>>, vector<1x16xi32>,
      %swap3A_301 = vector.shape_cast %swap3A_300 : vector<1x16xi32> to vector<16xi32>
      %swap3A_302 = vector.shape_cast %select_n3A_297 : vector<16xi32> to vector<1x16xi32>
      tpu.vector_store %arg9[%swap3A_298, %swap3A_299], %swap3A_302 {strides = array<i32>} : memref<32x128xi32, #tpu.memory_space<vmem>>, vector<1x16xi32>,
      %get3A_303 = arith.index_cast %scan3A_113 : i32 to index
      %get3A_304 = arith.constant 16 : index
      %get3A_305 = tpu.vector_load %arg6[%get3A_303, %get3A_304] {strides = array<i32>} : memref<32x128xf32, #tpu.memory_space<vmem>>, vector<1x16xf32>,
      %get3A_306 = vector.shape_cast %get3A_305 : vector<1x16xf32> to vector<16xf32>
      %get3A_307 = arith.index_cast %scan3A_113 : i32 to index
      %get3A_308 = arith.constant 16 : index
      %get3A_309 = tpu.vector_load %arg7[%get3A_307, %get3A_308] {strides = array<i32>} : memref<32x128xf32, #tpu.memory_space<vmem>>, vector<1x16xf32>,
      %get3A_310 = vector.shape_cast %get3A_309 : vector<1x16xf32> to vector<16xf32>
      %mul3A_311 = arith.constant 0.000000e+00 : f32
      %mul3A_312 = vector.broadcast %mul3A_311 : f32 to vector<16xf32>
      %mul3A_313 = arith.mulf %get3A_306, %mul3A_312 : vector<16xf32>
      %broadcast_in_dim3A_314 = vector.shape_cast %select_n3A_20 : vector<16xi32> to vector<16x1xi32>
      %gather3A_315 = vector.shape_cast %broadcast_in_dim3A_314 : vector<16x1xi32> to vector<16xi32>
      %gather3A_316 = tpu.dynamic_gather %get3A_306[%gather3A_315] in [0] : vector<16xf32>, vector<16xi32> -> vector<16xf32>
      %max3A_317 = arith.maximumf %get3A_306, %gather3A_316 : vector<16xf32>
      %broadcast_in_dim3A_318 = vector.shape_cast %select_n3A_45 : vector<16xi32> to vector<16x1xi32>
      %gather3A_319 = vector.shape_cast %broadcast_in_dim3A_318 : vector<16x1xi32> to vector<16xi32>
      %gather3A_320 = tpu.dynamic_gather %max3A_317[%gather3A_319] in [0] : vector<16xf32>, vector<16xi32> -> vector<16xf32>
      %max3A_321 = arith.maximumf %max3A_317, %gather3A_320 : vector<16xf32>
      %broadcast_in_dim3A_322 = vector.shape_cast %select_n3A_70 : vector<16xi32> to vector<16x1xi32>
      %gather3A_323 = vector.shape_cast %broadcast_in_dim3A_322 : vector<16x1xi32> to vector<16xi32>
      %gather3A_324 = tpu.dynamic_gather %max3A_321[%gather3A_323] in [0] : vector<16xf32>, vector<16xi32> -> vector<16xf32>
      %max3A_325 = arith.maximumf %max3A_321, %gather3A_324 : vector<16xf32>
      %broadcast_in_dim3A_326 = vector.shape_cast %select_n3A_95 : vector<16xi32> to vector<16x1xi32>
      %gather3A_327 = vector.shape_cast %broadcast_in_dim3A_326 : vector<16x1xi32> to vector<16xi32>
      %gather3A_328 = tpu.dynamic_gather %max3A_325[%gather3A_327] in [0] : vector<16xf32>, vector<16xi32> -> vector<16xf32>
      %max3A_329 = arith.maximumf %max3A_325, %gather3A_328 : vector<16xf32>
      %eq3A_330 = arith.cmpf oeq, %get3A_306, %max3A_329 : vector<16xf32>
      %jit3A_331 = arith.constant 16 : i32
      %broadcast_in_dim3A_332 = vector.broadcast %jit3A_331 : i32 to vector<16xi32>
      %select_n3A_333 = arith.select %eq3A_330, %iota3A, %broadcast_in_dim3A_332 : vector<16xi1>, vector<16xi32>
      %broadcast_in_dim3A_334 = vector.shape_cast %select_n3A_20 : vector<16xi32> to vector<16x1xi32>
      %gather3A_335 = vector.shape_cast %broadcast_in_dim3A_334 : vector<16x1xi32> to vector<16xi32>
      %gather3A_336 = tpu.dynamic_gather %select_n3A_333[%gather3A_335] in [0] : vector<16xi32>, vector<16xi32> -> vector<16xi32>
      %min3A_337 = arith.minsi %select_n3A_333, %gather3A_336 : vector<16xi32>
      %broadcast_in_dim3A_338 = vector.shape_cast %select_n3A_45 : vector<16xi32> to vector<16x1xi32>
      %gather3A_339 = vector.shape_cast %broadcast_in_dim3A_338 : vector<16x1xi32> to vector<16xi32>
      %gather3A_340 = tpu.dynamic_gather %min3A_337[%gather3A_339] in [0] : vector<16xi32>, vector<16xi32> -> vector<16xi32>
      %min3A_341 = arith.minsi %min3A_337, %gather3A_340 : vector<16xi32>
      %broadcast_in_dim3A_342 = vector.shape_cast %select_n3A_70 : vector<16xi32> to vector<16x1xi32>
      %gather3A_343 = vector.shape_cast %broadcast_in_dim3A_342 : vector<16x1xi32> to vector<16xi32>
      %gather3A_344 = tpu.dynamic_gather %min3A_341[%gather3A_343] in [0] : vector<16xi32>, vector<16xi32> -> vector<16xi32>
      %min3A_345 = arith.minsi %min3A_341, %gather3A_344 : vector<16xi32>
      %broadcast_in_dim3A_346 = vector.shape_cast %select_n3A_95 : vector<16xi32> to vector<16x1xi32>
      %gather3A_347 = vector.shape_cast %broadcast_in_dim3A_346 : vector<16x1xi32> to vector<16xi32>
      %gather3A_348 = tpu.dynamic_gather %min3A_345[%gather3A_347] in [0] : vector<16xi32>, vector<16xi32> -> vector<16xi32>
      %min3A_349 = arith.minsi %min3A_345, %gather3A_348 : vector<16xi32>
      %select_n3A_350 = arith.select %eq3A_98, %max3A_329, %mul3A_313 : vector<16xi1>, vector<16xf32>
      %select_n3A_351 = arith.select %eq3A_98, %min3A_349, %sub3A : vector<16xi1>, vector<16xi32>
      %eq3A_352 = arith.cmpi eq, %iota3A, %min3A_349 : vector<16xi32>
      %jit3A_353 = arith.constant -1.000000e+30 : f32
      %broadcast_in_dim3A_354 = vector.broadcast %jit3A_353 : f32 to vector<16xf32>
      %select_n3A_355 = arith.select %eq3A_352, %broadcast_in_dim3A_354, %get3A_306 : vector<16xi1>, vector<16xf32>
      %broadcast_in_dim3A_356 = vector.shape_cast %select_n3A_20 : vector<16xi32> to vector<16x1xi32>
      %gather3A_357 = vector.shape_cast %broadcast_in_dim3A_356 : vector<16x1xi32> to vector<16xi32>
      %gather3A_358 = tpu.dynamic_gather %select_n3A_355[%gather3A_357] in [0] : vector<16xf32>, vector<16xi32> -> vector<16xf32>
      %max3A_359 = arith.maximumf %select_n3A_355, %gather3A_358 : vector<16xf32>
      %broadcast_in_dim3A_360 = vector.shape_cast %select_n3A_45 : vector<16xi32> to vector<16x1xi32>
      %gather3A_361 = vector.shape_cast %broadcast_in_dim3A_360 : vector<16x1xi32> to vector<16xi32>
      %gather3A_362 = tpu.dynamic_gather %max3A_359[%gather3A_361] in [0] : vector<16xf32>, vector<16xi32> -> vector<16xf32>
      %max3A_363 = arith.maximumf %max3A_359, %gather3A_362 : vector<16xf32>
      %broadcast_in_dim3A_364 = vector.shape_cast %select_n3A_70 : vector<16xi32> to vector<16x1xi32>
      %gather3A_365 = vector.shape_cast %broadcast_in_dim3A_364 : vector<16x1xi32> to vector<16xi32>
      %gather3A_366 = tpu.dynamic_gather %max3A_363[%gather3A_365] in [0] : vector<16xf32>, vector<16xi32> -> vector<16xf32>
      %max3A_367 = arith.maximumf %max3A_363, %gather3A_366 : vector<16xf32>
      %broadcast_in_dim3A_368 = vector.shape_cast %select_n3A_95 : vector<16xi32> to vector<16x1xi32>
      %gather3A_369 = vector.shape_cast %broadcast_in_dim3A_368 : vector<16x1xi32> to vector<16xi32>
      %gather3A_370 = tpu.dynamic_gather %max3A_367[%gather3A_369] in [0] : vector<16xf32>, vector<16xi32> -> vector<16xf32>
      %max3A_371 = arith.maximumf %max3A_367, %gather3A_370 : vector<16xf32>
      %eq3A_372 = arith.cmpf oeq, %select_n3A_355, %max3A_371 : vector<16xf32>
      %jit3A_373 = arith.constant 16 : i32
      %broadcast_in_dim3A_374 = vector.broadcast %jit3A_373 : i32 to vector<16xi32>
      %select_n3A_375 = arith.select %eq3A_372, %iota3A, %broadcast_in_dim3A_374 : vector<16xi1>, vector<16xi32>
      %broadcast_in_dim3A_376 = vector.shape_cast %select_n3A_20 : vector<16xi32> to vector<16x1xi32>
      %gather3A_377 = vector.shape_cast %broadcast_in_dim3A_376 : vector<16x1xi32> to vector<16xi32>
      %gather3A_378 = tpu.dynamic_gather %select_n3A_375[%gather3A_377] in [0] : vector<16xi32>, vector<16xi32> -> vector<16xi32>
      %min3A_379 = arith.minsi %select_n3A_375, %gather3A_378 : vector<16xi32>
      %broadcast_in_dim3A_380 = vector.shape_cast %select_n3A_45 : vector<16xi32> to vector<16x1xi32>
      %gather3A_381 = vector.shape_cast %broadcast_in_dim3A_380 : vector<16x1xi32> to vector<16xi32>
      %gather3A_382 = tpu.dynamic_gather %min3A_379[%gather3A_381] in [0] : vector<16xi32>, vector<16xi32> -> vector<16xi32>
      %min3A_383 = arith.minsi %min3A_379, %gather3A_382 : vector<16xi32>
      %broadcast_in_dim3A_384 = vector.shape_cast %select_n3A_70 : vector<16xi32> to vector<16x1xi32>
      %gather3A_385 = vector.shape_cast %broadcast_in_dim3A_384 : vector<16x1xi32> to vector<16xi32>
      %gather3A_386 = tpu.dynamic_gather %min3A_383[%gather3A_385] in [0] : vector<16xi32>, vector<16xi32> -> vector<16xi32>
      %min3A_387 = arith.minsi %min3A_383, %gather3A_386 : vector<16xi32>
      %broadcast_in_dim3A_388 = vector.shape_cast %select_n3A_95 : vector<16xi32> to vector<16x1xi32>
      %gather3A_389 = vector.shape_cast %broadcast_in_dim3A_388 : vector<16x1xi32> to vector<16xi32>
      %gather3A_390 = tpu.dynamic_gather %min3A_387[%gather3A_389] in [0] : vector<16xi32>, vector<16xi32> -> vector<16xi32>
      %min3A_391 = arith.minsi %min3A_387, %gather3A_390 : vector<16xi32>
      %select_n3A_392 = arith.select %eq3A_101, %max3A_371, %select_n3A_350 : vector<16xi1>, vector<16xf32>
      %select_n3A_393 = arith.select %eq3A_101, %min3A_391, %select_n3A_351 : vector<16xi1>, vector<16xi32>
      %eq3A_394 = arith.cmpi eq, %iota3A, %min3A_391 : vector<16xi32>
      %jit3A_395 = arith.constant -1.000000e+30 : f32
      %broadcast_in_dim3A_396 = vector.broadcast %jit3A_395 : f32 to vector<16xf32>
      %select_n3A_397 = arith.select %eq3A_394, %broadcast_in_dim3A_396, %select_n3A_355 : vector<16xi1>, vector<16xf32>
      %broadcast_in_dim3A_398 = vector.shape_cast %select_n3A_20 : vector<16xi32> to vector<16x1xi32>
      %gather3A_399 = vector.shape_cast %broadcast_in_dim3A_398 : vector<16x1xi32> to vector<16xi32>
      %gather3A_400 = tpu.dynamic_gather %select_n3A_397[%gather3A_399] in [0] : vector<16xf32>, vector<16xi32> -> vector<16xf32>
      %max3A_401 = arith.maximumf %select_n3A_397, %gather3A_400 : vector<16xf32>
      %broadcast_in_dim3A_402 = vector.shape_cast %select_n3A_45 : vector<16xi32> to vector<16x1xi32>
      %gather3A_403 = vector.shape_cast %broadcast_in_dim3A_402 : vector<16x1xi32> to vector<16xi32>
      %gather3A_404 = tpu.dynamic_gather %max3A_401[%gather3A_403] in [0] : vector<16xf32>, vector<16xi32> -> vector<16xf32>
      %max3A_405 = arith.maximumf %max3A_401, %gather3A_404 : vector<16xf32>
      %broadcast_in_dim3A_406 = vector.shape_cast %select_n3A_70 : vector<16xi32> to vector<16x1xi32>
      %gather3A_407 = vector.shape_cast %broadcast_in_dim3A_406 : vector<16x1xi32> to vector<16xi32>
      %gather3A_408 = tpu.dynamic_gather %max3A_405[%gather3A_407] in [0] : vector<16xf32>, vector<16xi32> -> vector<16xf32>
      %max3A_409 = arith.maximumf %max3A_405, %gather3A_408 : vector<16xf32>
      %broadcast_in_dim3A_410 = vector.shape_cast %select_n3A_95 : vector<16xi32> to vector<16x1xi32>
      %gather3A_411 = vector.shape_cast %broadcast_in_dim3A_410 : vector<16x1xi32> to vector<16xi32>
      %gather3A_412 = tpu.dynamic_gather %max3A_409[%gather3A_411] in [0] : vector<16xf32>, vector<16xi32> -> vector<16xf32>
      %max3A_413 = arith.maximumf %max3A_409, %gather3A_412 : vector<16xf32>
      %eq3A_414 = arith.cmpf oeq, %select_n3A_397, %max3A_413 : vector<16xf32>
      %jit3A_415 = arith.constant 16 : i32
      %broadcast_in_dim3A_416 = vector.broadcast %jit3A_415 : i32 to vector<16xi32>
      %select_n3A_417 = arith.select %eq3A_414, %iota3A, %broadcast_in_dim3A_416 : vector<16xi1>, vector<16xi32>
      %broadcast_in_dim3A_418 = vector.shape_cast %select_n3A_20 : vector<16xi32> to vector<16x1xi32>
      %gather3A_419 = vector.shape_cast %broadcast_in_dim3A_418 : vector<16x1xi32> to vector<16xi32>
      %gather3A_420 = tpu.dynamic_gather %select_n3A_417[%gather3A_419] in [0] : vector<16xi32>, vector<16xi32> -> vector<16xi32>
      %min3A_421 = arith.minsi %select_n3A_417, %gather3A_420 : vector<16xi32>
      %broadcast_in_dim3A_422 = vector.shape_cast %select_n3A_45 : vector<16xi32> to vector<16x1xi32>
      %gather3A_423 = vector.shape_cast %broadcast_in_dim3A_422 : vector<16x1xi32> to vector<16xi32>
      %gather3A_424 = tpu.dynamic_gather %min3A_421[%gather3A_423] in [0] : vector<16xi32>, vector<16xi32> -> vector<16xi32>
      %min3A_425 = arith.minsi %min3A_421, %gather3A_424 : vector<16xi32>
      %broadcast_in_dim3A_426 = vector.shape_cast %select_n3A_70 : vector<16xi32> to vector<16x1xi32>
      %gather3A_427 = vector.shape_cast %broadcast_in_dim3A_426 : vector<16x1xi32> to vector<16xi32>
      %gather3A_428 = tpu.dynamic_gather %min3A_425[%gather3A_427] in [0] : vector<16xi32>, vector<16xi32> -> vector<16xi32>
      %min3A_429 = arith.minsi %min3A_425, %gather3A_428 : vector<16xi32>
      %broadcast_in_dim3A_430 = vector.shape_cast %select_n3A_95 : vector<16xi32> to vector<16x1xi32>
      %gather3A_431 = vector.shape_cast %broadcast_in_dim3A_430 : vector<16x1xi32> to vector<16xi32>
      %gather3A_432 = tpu.dynamic_gather %min3A_429[%gather3A_431] in [0] : vector<16xi32>, vector<16xi32> -> vector<16xi32>
      %min3A_433 = arith.minsi %min3A_429, %gather3A_432 : vector<16xi32>
      %select_n3A_434 = arith.select %eq3A_104, %max3A_413, %select_n3A_392 : vector<16xi1>, vector<16xf32>
      %select_n3A_435 = arith.select %eq3A_104, %min3A_433, %select_n3A_393 : vector<16xi1>, vector<16xi32>
      %eq3A_436 = arith.cmpi eq, %iota3A, %min3A_433 : vector<16xi32>
      %jit3A_437 = arith.constant -1.000000e+30 : f32
      %broadcast_in_dim3A_438 = vector.broadcast %jit3A_437 : f32 to vector<16xf32>
      %select_n3A_439 = arith.select %eq3A_436, %broadcast_in_dim3A_438, %select_n3A_397 : vector<16xi1>, vector<16xf32>
      %broadcast_in_dim3A_440 = vector.shape_cast %select_n3A_20 : vector<16xi32> to vector<16x1xi32>
      %gather3A_441 = vector.shape_cast %broadcast_in_dim3A_440 : vector<16x1xi32> to vector<16xi32>
      %gather3A_442 = tpu.dynamic_gather %select_n3A_439[%gather3A_441] in [0] : vector<16xf32>, vector<16xi32> -> vector<16xf32>
      %max3A_443 = arith.maximumf %select_n3A_439, %gather3A_442 : vector<16xf32>
      %broadcast_in_dim3A_444 = vector.shape_cast %select_n3A_45 : vector<16xi32> to vector<16x1xi32>
      %gather3A_445 = vector.shape_cast %broadcast_in_dim3A_444 : vector<16x1xi32> to vector<16xi32>
      %gather3A_446 = tpu.dynamic_gather %max3A_443[%gather3A_445] in [0] : vector<16xf32>, vector<16xi32> -> vector<16xf32>
      %max3A_447 = arith.maximumf %max3A_443, %gather3A_446 : vector<16xf32>
      %broadcast_in_dim3A_448 = vector.shape_cast %select_n3A_70 : vector<16xi32> to vector<16x1xi32>
      %gather3A_449 = vector.shape_cast %broadcast_in_dim3A_448 : vector<16x1xi32> to vector<16xi32>
      %gather3A_450 = tpu.dynamic_gather %max3A_447[%gather3A_449] in [0] : vector<16xf32>, vector<16xi32> -> vector<16xf32>
      %max3A_451 = arith.maximumf %max3A_447, %gather3A_450 : vector<16xf32>
      %broadcast_in_dim3A_452 = vector.shape_cast %select_n3A_95 : vector<16xi32> to vector<16x1xi32>
      %gather3A_453 = vector.shape_cast %broadcast_in_dim3A_452 : vector<16x1xi32> to vector<16xi32>
      %gather3A_454 = tpu.dynamic_gather %max3A_451[%gather3A_453] in [0] : vector<16xf32>, vector<16xi32> -> vector<16xf32>
      %max3A_455 = arith.maximumf %max3A_451, %gather3A_454 : vector<16xf32>
      %eq3A_456 = arith.cmpf oeq, %select_n3A_439, %max3A_455 : vector<16xf32>
      %jit3A_457 = arith.constant 16 : i32
      %broadcast_in_dim3A_458 = vector.broadcast %jit3A_457 : i32 to vector<16xi32>
      %select_n3A_459 = arith.select %eq3A_456, %iota3A, %broadcast_in_dim3A_458 : vector<16xi1>, vector<16xi32>
      %broadcast_in_dim3A_460 = vector.shape_cast %select_n3A_20 : vector<16xi32> to vector<16x1xi32>
      %gather3A_461 = vector.shape_cast %broadcast_in_dim3A_460 : vector<16x1xi32> to vector<16xi32>
      %gather3A_462 = tpu.dynamic_gather %select_n3A_459[%gather3A_461] in [0] : vector<16xi32>, vector<16xi32> -> vector<16xi32>
      %min3A_463 = arith.minsi %select_n3A_459, %gather3A_462 : vector<16xi32>
      %broadcast_in_dim3A_464 = vector.shape_cast %select_n3A_45 : vector<16xi32> to vector<16x1xi32>
      %gather3A_465 = vector.shape_cast %broadcast_in_dim3A_464 : vector<16x1xi32> to vector<16xi32>
      %gather3A_466 = tpu.dynamic_gather %min3A_463[%gather3A_465] in [0] : vector<16xi32>, vector<16xi32> -> vector<16xi32>
      %min3A_467 = arith.minsi %min3A_463, %gather3A_466 : vector<16xi32>
      %broadcast_in_dim3A_468 = vector.shape_cast %select_n3A_70 : vector<16xi32> to vector<16x1xi32>
      %gather3A_469 = vector.shape_cast %broadcast_in_dim3A_468 : vector<16x1xi32> to vector<16xi32>
      %gather3A_470 = tpu.dynamic_gather %min3A_467[%gather3A_469] in [0] : vector<16xi32>, vector<16xi32> -> vector<16xi32>
      %min3A_471 = arith.minsi %min3A_467, %gather3A_470 : vector<16xi32>
      %broadcast_in_dim3A_472 = vector.shape_cast %select_n3A_95 : vector<16xi32> to vector<16x1xi32>
      %gather3A_473 = vector.shape_cast %broadcast_in_dim3A_472 : vector<16x1xi32> to vector<16xi32>
      %gather3A_474 = tpu.dynamic_gather %min3A_471[%gather3A_473] in [0] : vector<16xi32>, vector<16xi32> -> vector<16xi32>
      %min3A_475 = arith.minsi %min3A_471, %gather3A_474 : vector<16xi32>
      %select_n3A_476 = arith.select %eq3A_107, %max3A_455, %select_n3A_434 : vector<16xi1>, vector<16xf32>
      %select_n3A_477 = arith.select %eq3A_107, %min3A_475, %select_n3A_435 : vector<16xi1>, vector<16xi32>
      %eq3A_478 = arith.cmpi eq, %iota3A, %min3A_475 : vector<16xi32>
      %jit3A_479 = arith.constant -1.000000e+30 : f32
      %broadcast_in_dim3A_480 = vector.broadcast %jit3A_479 : f32 to vector<16xf32>
      %select_n3A_481 = arith.select %eq3A_478, %broadcast_in_dim3A_480, %select_n3A_439 : vector<16xi1>, vector<16xf32>
      %mul3A_482 = arith.mulf %select_n3A_476, %get3A_310 : vector<16xf32>
      %swap3A_483 = arith.index_cast %scan3A_113 : i32 to index
      %swap3A_484 = arith.constant 16 : index
      %swap3A_485 = tpu.vector_load %arg8[%swap3A_483, %swap3A_484] {strides = array<i32>} : memref<32x128xf32, #tpu.memory_space<vmem>>, vector<1x16xf32>,
      %swap3A_486 = vector.shape_cast %swap3A_485 : vector<1x16xf32> to vector<16xf32>
      %swap3A_487 = vector.shape_cast %mul3A_482 : vector<16xf32> to vector<1x16xf32>
      tpu.vector_store %arg8[%swap3A_483, %swap3A_484], %swap3A_487 {strides = array<i32>} : memref<32x128xf32, #tpu.memory_space<vmem>>, vector<1x16xf32>,
      %gt3A_488 = arith.constant 5.000000e-01 : f32
      %gt3A_489 = vector.broadcast %gt3A_488 : f32 to vector<16xf32>
      %gt3A_490 = arith.cmpf ogt, %get3A_310, %gt3A_489 : vector<16xf32>
      %jit3A_491 = arith.constant 0 : i32
      %broadcast_in_dim3A_492 = vector.broadcast %jit3A_491 : i32 to vector<16xi32>
      %select_n3A_493 = arith.select %gt3A_490, %select_n3A_477, %broadcast_in_dim3A_492 : vector<16xi1>, vector<16xi32>
      %swap3A_494 = arith.index_cast %scan3A_113 : i32 to index
      %swap3A_495 = arith.constant 16 : index
      %swap3A_496 = tpu.vector_load %arg9[%swap3A_494, %swap3A_495] {strides = array<i32>} : memref<32x128xi32, #tpu.memory_space<vmem>>, vector<1x16xi32>,
      %swap3A_497 = vector.shape_cast %swap3A_496 : vector<1x16xi32> to vector<16xi32>
      %swap3A_498 = vector.shape_cast %select_n3A_493 : vector<16xi32> to vector<1x16xi32>
      tpu.vector_store %arg9[%swap3A_494, %swap3A_495], %swap3A_498 {strides = array<i32>} : memref<32x128xi32, #tpu.memory_space<vmem>>, vector<1x16xi32>,
      %get3A_499 = arith.index_cast %scan3A_113 : i32 to index
      %get3A_500 = arith.constant 32 : index
      %get3A_501 = tpu.vector_load %arg6[%get3A_499, %get3A_500] {strides = array<i32>} : memref<32x128xf32, #tpu.memory_space<vmem>>, vector<1x16xf32>,
      %get3A_502 = vector.shape_cast %get3A_501 : vector<1x16xf32> to vector<16xf32>
      %get3A_503 = arith.index_cast %scan3A_113 : i32 to index
      %get3A_504 = arith.constant 32 : index
      %get3A_505 = tpu.vector_load %arg7[%get3A_503, %get3A_504] {strides = array<i32>} : memref<32x128xf32, #tpu.memory_space<vmem>>, vector<1x16xf32>,
      %get3A_506 = vector.shape_cast %get3A_505 : vector<1x16xf32> to vector<16xf32>
      %mul3A_507 = arith.constant 0.000000e+00 : f32
      %mul3A_508 = vector.broadcast %mul3A_507 : f32 to vector<16xf32>
      %mul3A_509 = arith.mulf %get3A_502, %mul3A_508 : vector<16xf32>
      %broadcast_in_dim3A_510 = vector.shape_cast %select_n3A_20 : vector<16xi32> to vector<16x1xi32>
      %gather3A_511 = vector.shape_cast %broadcast_in_dim3A_510 : vector<16x1xi32> to vector<16xi32>
      %gather3A_512 = tpu.dynamic_gather %get3A_502[%gather3A_511] in [0] : vector<16xf32>, vector<16xi32> -> vector<16xf32>
      %max3A_513 = arith.maximumf %get3A_502, %gather3A_512 : vector<16xf32>
      %broadcast_in_dim3A_514 = vector.shape_cast %select_n3A_45 : vector<16xi32> to vector<16x1xi32>
      %gather3A_515 = vector.shape_cast %broadcast_in_dim3A_514 : vector<16x1xi32> to vector<16xi32>
      %gather3A_516 = tpu.dynamic_gather %max3A_513[%gather3A_515] in [0] : vector<16xf32>, vector<16xi32> -> vector<16xf32>
      %max3A_517 = arith.maximumf %max3A_513, %gather3A_516 : vector<16xf32>
      %broadcast_in_dim3A_518 = vector.shape_cast %select_n3A_70 : vector<16xi32> to vector<16x1xi32>
      %gather3A_519 = vector.shape_cast %broadcast_in_dim3A_518 : vector<16x1xi32> to vector<16xi32>
      %gather3A_520 = tpu.dynamic_gather %max3A_517[%gather3A_519] in [0] : vector<16xf32>, vector<16xi32> -> vector<16xf32>
      %max3A_521 = arith.maximumf %max3A_517, %gather3A_520 : vector<16xf32>
      %broadcast_in_dim3A_522 = vector.shape_cast %select_n3A_95 : vector<16xi32> to vector<16x1xi32>
      %gather3A_523 = vector.shape_cast %broadcast_in_dim3A_522 : vector<16x1xi32> to vector<16xi32>
      %gather3A_524 = tpu.dynamic_gather %max3A_521[%gather3A_523] in [0] : vector<16xf32>, vector<16xi32> -> vector<16xf32>
      %max3A_525 = arith.maximumf %max3A_521, %gather3A_524 : vector<16xf32>
      %eq3A_526 = arith.cmpf oeq, %get3A_502, %max3A_525 : vector<16xf32>
      %jit3A_527 = arith.constant 16 : i32
      %broadcast_in_dim3A_528 = vector.broadcast %jit3A_527 : i32 to vector<16xi32>
      %select_n3A_529 = arith.select %eq3A_526, %iota3A, %broadcast_in_dim3A_528 : vector<16xi1>, vector<16xi32>
      %broadcast_in_dim3A_530 = vector.shape_cast %select_n3A_20 : vector<16xi32> to vector<16x1xi32>
      %gather3A_531 = vector.shape_cast %broadcast_in_dim3A_530 : vector<16x1xi32> to vector<16xi32>
      %gather3A_532 = tpu.dynamic_gather %select_n3A_529[%gather3A_531] in [0] : vector<16xi32>, vector<16xi32> -> vector<16xi32>
      %min3A_533 = arith.minsi %select_n3A_529, %gather3A_532 : vector<16xi32>
      %broadcast_in_dim3A_534 = vector.shape_cast %select_n3A_45 : vector<16xi32> to vector<16x1xi32>
      %gather3A_535 = vector.shape_cast %broadcast_in_dim3A_534 : vector<16x1xi32> to vector<16xi32>
      %gather3A_536 = tpu.dynamic_gather %min3A_533[%gather3A_535] in [0] : vector<16xi32>, vector<16xi32> -> vector<16xi32>
      %min3A_537 = arith.minsi %min3A_533, %gather3A_536 : vector<16xi32>
      %broadcast_in_dim3A_538 = vector.shape_cast %select_n3A_70 : vector<16xi32> to vector<16x1xi32>
      %gather3A_539 = vector.shape_cast %broadcast_in_dim3A_538 : vector<16x1xi32> to vector<16xi32>
      %gather3A_540 = tpu.dynamic_gather %min3A_537[%gather3A_539] in [0] : vector<16xi32>, vector<16xi32> -> vector<16xi32>
      %min3A_541 = arith.minsi %min3A_537, %gather3A_540 : vector<16xi32>
      %broadcast_in_dim3A_542 = vector.shape_cast %select_n3A_95 : vector<16xi32> to vector<16x1xi32>
      %gather3A_543 = vector.shape_cast %broadcast_in_dim3A_542 : vector<16x1xi32> to vector<16xi32>
      %gather3A_544 = tpu.dynamic_gather %min3A_541[%gather3A_543] in [0] : vector<16xi32>, vector<16xi32> -> vector<16xi32>
      %min3A_545 = arith.minsi %min3A_541, %gather3A_544 : vector<16xi32>
      %select_n3A_546 = arith.select %eq3A_98, %max3A_525, %mul3A_509 : vector<16xi1>, vector<16xf32>
      %select_n3A_547 = arith.select %eq3A_98, %min3A_545, %sub3A : vector<16xi1>, vector<16xi32>
      %eq3A_548 = arith.cmpi eq, %iota3A, %min3A_545 : vector<16xi32>
      %jit3A_549 = arith.constant -1.000000e+30 : f32
      %broadcast_in_dim3A_550 = vector.broadcast %jit3A_549 : f32 to vector<16xf32>
      %select_n3A_551 = arith.select %eq3A_548, %broadcast_in_dim3A_550, %get3A_502 : vector<16xi1>, vector<16xf32>
      %broadcast_in_dim3A_552 = vector.shape_cast %select_n3A_20 : vector<16xi32> to vector<16x1xi32>
      %gather3A_553 = vector.shape_cast %broadcast_in_dim3A_552 : vector<16x1xi32> to vector<16xi32>
      %gather3A_554 = tpu.dynamic_gather %select_n3A_551[%gather3A_553] in [0] : vector<16xf32>, vector<16xi32> -> vector<16xf32>
      %max3A_555 = arith.maximumf %select_n3A_551, %gather3A_554 : vector<16xf32>
      %broadcast_in_dim3A_556 = vector.shape_cast %select_n3A_45 : vector<16xi32> to vector<16x1xi32>
      %gather3A_557 = vector.shape_cast %broadcast_in_dim3A_556 : vector<16x1xi32> to vector<16xi32>
      %gather3A_558 = tpu.dynamic_gather %max3A_555[%gather3A_557] in [0] : vector<16xf32>, vector<16xi32> -> vector<16xf32>
      %max3A_559 = arith.maximumf %max3A_555, %gather3A_558 : vector<16xf32>
      %broadcast_in_dim3A_560 = vector.shape_cast %select_n3A_70 : vector<16xi32> to vector<16x1xi32>
      %gather3A_561 = vector.shape_cast %broadcast_in_dim3A_560 : vector<16x1xi32> to vector<16xi32>
      %gather3A_562 = tpu.dynamic_gather %max3A_559[%gather3A_561] in [0] : vector<16xf32>, vector<16xi32> -> vector<16xf32>
      %max3A_563 = arith.maximumf %max3A_559, %gather3A_562 : vector<16xf32>
      %broadcast_in_dim3A_564 = vector.shape_cast %select_n3A_95 : vector<16xi32> to vector<16x1xi32>
      %gather3A_565 = vector.shape_cast %broadcast_in_dim3A_564 : vector<16x1xi32> to vector<16xi32>
      %gather3A_566 = tpu.dynamic_gather %max3A_563[%gather3A_565] in [0] : vector<16xf32>, vector<16xi32> -> vector<16xf32>
      %max3A_567 = arith.maximumf %max3A_563, %gather3A_566 : vector<16xf32>
      %eq3A_568 = arith.cmpf oeq, %select_n3A_551, %max3A_567 : vector<16xf32>
      %jit3A_569 = arith.constant 16 : i32
      %broadcast_in_dim3A_570 = vector.broadcast %jit3A_569 : i32 to vector<16xi32>
      %select_n3A_571 = arith.select %eq3A_568, %iota3A, %broadcast_in_dim3A_570 : vector<16xi1>, vector<16xi32>
      %broadcast_in_dim3A_572 = vector.shape_cast %select_n3A_20 : vector<16xi32> to vector<16x1xi32>
      %gather3A_573 = vector.shape_cast %broadcast_in_dim3A_572 : vector<16x1xi32> to vector<16xi32>
      %gather3A_574 = tpu.dynamic_gather %select_n3A_571[%gather3A_573] in [0] : vector<16xi32>, vector<16xi32> -> vector<16xi32>
      %min3A_575 = arith.minsi %select_n3A_571, %gather3A_574 : vector<16xi32>
      %broadcast_in_dim3A_576 = vector.shape_cast %select_n3A_45 : vector<16xi32> to vector<16x1xi32>
      %gather3A_577 = vector.shape_cast %broadcast_in_dim3A_576 : vector<16x1xi32> to vector<16xi32>
      %gather3A_578 = tpu.dynamic_gather %min3A_575[%gather3A_577] in [0] : vector<16xi32>, vector<16xi32> -> vector<16xi32>
      %min3A_579 = arith.minsi %min3A_575, %gather3A_578 : vector<16xi32>
      %broadcast_in_dim3A_580 = vector.shape_cast %select_n3A_70 : vector<16xi32> to vector<16x1xi32>
      %gather3A_581 = vector.shape_cast %broadcast_in_dim3A_580 : vector<16x1xi32> to vector<16xi32>
      %gather3A_582 = tpu.dynamic_gather %min3A_579[%gather3A_581] in [0] : vector<16xi32>, vector<16xi32> -> vector<16xi32>
      %min3A_583 = arith.minsi %min3A_579, %gather3A_582 : vector<16xi32>
      %broadcast_in_dim3A_584 = vector.shape_cast %select_n3A_95 : vector<16xi32> to vector<16x1xi32>
      %gather3A_585 = vector.shape_cast %broadcast_in_dim3A_584 : vector<16x1xi32> to vector<16xi32>
      %gather3A_586 = tpu.dynamic_gather %min3A_583[%gather3A_585] in [0] : vector<16xi32>, vector<16xi32> -> vector<16xi32>
      %min3A_587 = arith.minsi %min3A_583, %gather3A_586 : vector<16xi32>
      %select_n3A_588 = arith.select %eq3A_101, %max3A_567, %select_n3A_546 : vector<16xi1>, vector<16xf32>
      %select_n3A_589 = arith.select %eq3A_101, %min3A_587, %select_n3A_547 : vector<16xi1>, vector<16xi32>
      %eq3A_590 = arith.cmpi eq, %iota3A, %min3A_587 : vector<16xi32>
      %jit3A_591 = arith.constant -1.000000e+30 : f32
      %broadcast_in_dim3A_592 = vector.broadcast %jit3A_591 : f32 to vector<16xf32>
      %select_n3A_593 = arith.select %eq3A_590, %broadcast_in_dim3A_592, %select_n3A_551 : vector<16xi1>, vector<16xf32>
      %broadcast_in_dim3A_594 = vector.shape_cast %select_n3A_20 : vector<16xi32> to vector<16x1xi32>
      %gather3A_595 = vector.shape_cast %broadcast_in_dim3A_594 : vector<16x1xi32> to vector<16xi32>
      %gather3A_596 = tpu.dynamic_gather %select_n3A_593[%gather3A_595] in [0] : vector<16xf32>, vector<16xi32> -> vector<16xf32>
      %max3A_597 = arith.maximumf %select_n3A_593, %gather3A_596 : vector<16xf32>
      %broadcast_in_dim3A_598 = vector.shape_cast %select_n3A_45 : vector<16xi32> to vector<16x1xi32>
      %gather3A_599 = vector.shape_cast %broadcast_in_dim3A_598 : vector<16x1xi32> to vector<16xi32>
      %gather3A_600 = tpu.dynamic_gather %max3A_597[%gather3A_599] in [0] : vector<16xf32>, vector<16xi32> -> vector<16xf32>
      %max3A_601 = arith.maximumf %max3A_597, %gather3A_600 : vector<16xf32>
      %broadcast_in_dim3A_602 = vector.shape_cast %select_n3A_70 : vector<16xi32> to vector<16x1xi32>
      %gather3A_603 = vector.shape_cast %broadcast_in_dim3A_602 : vector<16x1xi32> to vector<16xi32>
      %gather3A_604 = tpu.dynamic_gather %max3A_601[%gather3A_603] in [0] : vector<16xf32>, vector<16xi32> -> vector<16xf32>
      %max3A_605 = arith.maximumf %max3A_601, %gather3A_604 : vector<16xf32>
      %broadcast_in_dim3A_606 = vector.shape_cast %select_n3A_95 : vector<16xi32> to vector<16x1xi32>
      %gather3A_607 = vector.shape_cast %broadcast_in_dim3A_606 : vector<16x1xi32> to vector<16xi32>
      %gather3A_608 = tpu.dynamic_gather %max3A_605[%gather3A_607] in [0] : vector<16xf32>, vector<16xi32> -> vector<16xf32>
      %max3A_609 = arith.maximumf %max3A_605, %gather3A_608 : vector<16xf32>
      %eq3A_610 = arith.cmpf oeq, %select_n3A_593, %max3A_609 : vector<16xf32>
      %jit3A_611 = arith.constant 16 : i32
      %broadcast_in_dim3A_612 = vector.broadcast %jit3A_611 : i32 to vector<16xi32>
      %select_n3A_613 = arith.select %eq3A_610, %iota3A, %broadcast_in_dim3A_612 : vector<16xi1>, vector<16xi32>
      %broadcast_in_dim3A_614 = vector.shape_cast %select_n3A_20 : vector<16xi32> to vector<16x1xi32>
      %gather3A_615 = vector.shape_cast %broadcast_in_dim3A_614 : vector<16x1xi32> to vector<16xi32>
      %gather3A_616 = tpu.dynamic_gather %select_n3A_613[%gather3A_615] in [0] : vector<16xi32>, vector<16xi32> -> vector<16xi32>
      %min3A_617 = arith.minsi %select_n3A_613, %gather3A_616 : vector<16xi32>
      %broadcast_in_dim3A_618 = vector.shape_cast %select_n3A_45 : vector<16xi32> to vector<16x1xi32>
      %gather3A_619 = vector.shape_cast %broadcast_in_dim3A_618 : vector<16x1xi32> to vector<16xi32>
      %gather3A_620 = tpu.dynamic_gather %min3A_617[%gather3A_619] in [0] : vector<16xi32>, vector<16xi32> -> vector<16xi32>
      %min3A_621 = arith.minsi %min3A_617, %gather3A_620 : vector<16xi32>
      %broadcast_in_dim3A_622 = vector.shape_cast %select_n3A_70 : vector<16xi32> to vector<16x1xi32>
      %gather3A_623 = vector.shape_cast %broadcast_in_dim3A_622 : vector<16x1xi32> to vector<16xi32>
      %gather3A_624 = tpu.dynamic_gather %min3A_621[%gather3A_623] in [0] : vector<16xi32>, vector<16xi32> -> vector<16xi32>
      %min3A_625 = arith.minsi %min3A_621, %gather3A_624 : vector<16xi32>
      %broadcast_in_dim3A_626 = vector.shape_cast %select_n3A_95 : vector<16xi32> to vector<16x1xi32>
      %gather3A_627 = vector.shape_cast %broadcast_in_dim3A_626 : vector<16x1xi32> to vector<16xi32>
      %gather3A_628 = tpu.dynamic_gather %min3A_625[%gather3A_627] in [0] : vector<16xi32>, vector<16xi32> -> vector<16xi32>
      %min3A_629 = arith.minsi %min3A_625, %gather3A_628 : vector<16xi32>
      %select_n3A_630 = arith.select %eq3A_104, %max3A_609, %select_n3A_588 : vector<16xi1>, vector<16xf32>
      %select_n3A_631 = arith.select %eq3A_104, %min3A_629, %select_n3A_589 : vector<16xi1>, vector<16xi32>
      %eq3A_632 = arith.cmpi eq, %iota3A, %min3A_629 : vector<16xi32>
      %jit3A_633 = arith.constant -1.000000e+30 : f32
      %broadcast_in_dim3A_634 = vector.broadcast %jit3A_633 : f32 to vector<16xf32>
      %select_n3A_635 = arith.select %eq3A_632, %broadcast_in_dim3A_634, %select_n3A_593 : vector<16xi1>, vector<16xf32>
      %broadcast_in_dim3A_636 = vector.shape_cast %select_n3A_20 : vector<16xi32> to vector<16x1xi32>
      %gather3A_637 = vector.shape_cast %broadcast_in_dim3A_636 : vector<16x1xi32> to vector<16xi32>
      %gather3A_638 = tpu.dynamic_gather %select_n3A_635[%gather3A_637] in [0] : vector<16xf32>, vector<16xi32> -> vector<16xf32>
      %max3A_639 = arith.maximumf %select_n3A_635, %gather3A_638 : vector<16xf32>
      %broadcast_in_dim3A_640 = vector.shape_cast %select_n3A_45 : vector<16xi32> to vector<16x1xi32>
      %gather3A_641 = vector.shape_cast %broadcast_in_dim3A_640 : vector<16x1xi32> to vector<16xi32>
      %gather3A_642 = tpu.dynamic_gather %max3A_639[%gather3A_641] in [0] : vector<16xf32>, vector<16xi32> -> vector<16xf32>
      %max3A_643 = arith.maximumf %max3A_639, %gather3A_642 : vector<16xf32>
      %broadcast_in_dim3A_644 = vector.shape_cast %select_n3A_70 : vector<16xi32> to vector<16x1xi32>
      %gather3A_645 = vector.shape_cast %broadcast_in_dim3A_644 : vector<16x1xi32> to vector<16xi32>
      %gather3A_646 = tpu.dynamic_gather %max3A_643[%gather3A_645] in [0] : vector<16xf32>, vector<16xi32> -> vector<16xf32>
      %max3A_647 = arith.maximumf %max3A_643, %gather3A_646 : vector<16xf32>
      %broadcast_in_dim3A_648 = vector.shape_cast %select_n3A_95 : vector<16xi32> to vector<16x1xi32>
      %gather3A_649 = vector.shape_cast %broadcast_in_dim3A_648 : vector<16x1xi32> to vector<16xi32>
      %gather3A_650 = tpu.dynamic_gather %max3A_647[%gather3A_649] in [0] : vector<16xf32>, vector<16xi32> -> vector<16xf32>
      %max3A_651 = arith.maximumf %max3A_647, %gather3A_650 : vector<16xf32>
      %eq3A_652 = arith.cmpf oeq, %select_n3A_635, %max3A_651 : vector<16xf32>
      %jit3A_653 = arith.constant 16 : i32
      %broadcast_in_dim3A_654 = vector.broadcast %jit3A_653 : i32 to vector<16xi32>
      %select_n3A_655 = arith.select %eq3A_652, %iota3A, %broadcast_in_dim3A_654 : vector<16xi1>, vector<16xi32>
      %broadcast_in_dim3A_656 = vector.shape_cast %select_n3A_20 : vector<16xi32> to vector<16x1xi32>
      %gather3A_657 = vector.shape_cast %broadcast_in_dim3A_656 : vector<16x1xi32> to vector<16xi32>
      %gather3A_658 = tpu.dynamic_gather %select_n3A_655[%gather3A_657] in [0] : vector<16xi32>, vector<16xi32> -> vector<16xi32>
      %min3A_659 = arith.minsi %select_n3A_655, %gather3A_658 : vector<16xi32>
      %broadcast_in_dim3A_660 = vector.shape_cast %select_n3A_45 : vector<16xi32> to vector<16x1xi32>
      %gather3A_661 = vector.shape_cast %broadcast_in_dim3A_660 : vector<16x1xi32> to vector<16xi32>
      %gather3A_662 = tpu.dynamic_gather %min3A_659[%gather3A_661] in [0] : vector<16xi32>, vector<16xi32> -> vector<16xi32>
      %min3A_663 = arith.minsi %min3A_659, %gather3A_662 : vector<16xi32>
      %broadcast_in_dim3A_664 = vector.shape_cast %select_n3A_70 : vector<16xi32> to vector<16x1xi32>
      %gather3A_665 = vector.shape_cast %broadcast_in_dim3A_664 : vector<16x1xi32> to vector<16xi32>
      %gather3A_666 = tpu.dynamic_gather %min3A_663[%gather3A_665] in [0] : vector<16xi32>, vector<16xi32> -> vector<16xi32>
      %min3A_667 = arith.minsi %min3A_663, %gather3A_666 : vector<16xi32>
      %broadcast_in_dim3A_668 = vector.shape_cast %select_n3A_95 : vector<16xi32> to vector<16x1xi32>
      %gather3A_669 = vector.shape_cast %broadcast_in_dim3A_668 : vector<16x1xi32> to vector<16xi32>
      %gather3A_670 = tpu.dynamic_gather %min3A_667[%gather3A_669] in [0] : vector<16xi32>, vector<16xi32> -> vector<16xi32>
      %min3A_671 = arith.minsi %min3A_667, %gather3A_670 : vector<16xi32>
      %select_n3A_672 = arith.select %eq3A_107, %max3A_651, %select_n3A_630 : vector<16xi1>, vector<16xf32>
      %select_n3A_673 = arith.select %eq3A_107, %min3A_671, %select_n3A_631 : vector<16xi1>, vector<16xi32>
      %eq3A_674 = arith.cmpi eq, %iota3A, %min3A_671 : vector<16xi32>
      %jit3A_675 = arith.constant -1.000000e+30 : f32
      %broadcast_in_dim3A_676 = vector.broadcast %jit3A_675 : f32 to vector<16xf32>
      %select_n3A_677 = arith.select %eq3A_674, %broadcast_in_dim3A_676, %select_n3A_635 : vector<16xi1>, vector<16xf32>
      %mul3A_678 = arith.mulf %select_n3A_672, %get3A_506 : vector<16xf32>
      %swap3A_679 = arith.index_cast %scan3A_113 : i32 to index
      %swap3A_680 = arith.constant 32 : index
      %swap3A_681 = tpu.vector_load %arg8[%swap3A_679, %swap3A_680] {strides = array<i32>} : memref<32x128xf32, #tpu.memory_space<vmem>>, vector<1x16xf32>,
      %swap3A_682 = vector.shape_cast %swap3A_681 : vector<1x16xf32> to vector<16xf32>
      %swap3A_683 = vector.shape_cast %mul3A_678 : vector<16xf32> to vector<1x16xf32>
      tpu.vector_store %arg8[%swap3A_679, %swap3A_680], %swap3A_683 {strides = array<i32>} : memref<32x128xf32, #tpu.memory_space<vmem>>, vector<1x16xf32>,
      %gt3A_684 = arith.constant 5.000000e-01 : f32
      %gt3A_685 = vector.broadcast %gt3A_684 : f32 to vector<16xf32>
      %gt3A_686 = arith.cmpf ogt, %get3A_506, %gt3A_685 : vector<16xf32>
      %jit3A_687 = arith.constant 0 : i32
      %broadcast_in_dim3A_688 = vector.broadcast %jit3A_687 : i32 to vector<16xi32>
      %select_n3A_689 = arith.select %gt3A_686, %select_n3A_673, %broadcast_in_dim3A_688 : vector<16xi1>, vector<16xi32>
      %swap3A_690 = arith.index_cast %scan3A_113 : i32 to index
      %swap3A_691 = arith.constant 32 : index
      %swap3A_692 = tpu.vector_load %arg9[%swap3A_690, %swap3A_691] {strides = array<i32>} : memref<32x128xi32, #tpu.memory_space<vmem>>, vector<1x16xi32>,
      %swap3A_693 = vector.shape_cast %swap3A_692 : vector<1x16xi32> to vector<16xi32>
      %swap3A_694 = vector.shape_cast %select_n3A_689 : vector<16xi32> to vector<1x16xi32>
      tpu.vector_store %arg9[%swap3A_690, %swap3A_691], %swap3A_694 {strides = array<i32>} : memref<32x128xi32, #tpu.memory_space<vmem>>, vector<1x16xi32>,
      %get3A_695 = arith.index_cast %scan3A_113 : i32 to index
      %get3A_696 = arith.constant 48 : index
      %get3A_697 = tpu.vector_load %arg6[%get3A_695, %get3A_696] {strides = array<i32>} : memref<32x128xf32, #tpu.memory_space<vmem>>, vector<1x16xf32>,
      %get3A_698 = vector.shape_cast %get3A_697 : vector<1x16xf32> to vector<16xf32>
      %get3A_699 = arith.index_cast %scan3A_113 : i32 to index
      %get3A_700 = arith.constant 48 : index
      %get3A_701 = tpu.vector_load %arg7[%get3A_699, %get3A_700] {strides = array<i32>} : memref<32x128xf32, #tpu.memory_space<vmem>>, vector<1x16xf32>,
      %get3A_702 = vector.shape_cast %get3A_701 : vector<1x16xf32> to vector<16xf32>
      %mul3A_703 = arith.constant 0.000000e+00 : f32
      %mul3A_704 = vector.broadcast %mul3A_703 : f32 to vector<16xf32>
      %mul3A_705 = arith.mulf %get3A_698, %mul3A_704 : vector<16xf32>
      %broadcast_in_dim3A_706 = vector.shape_cast %select_n3A_20 : vector<16xi32> to vector<16x1xi32>
      %gather3A_707 = vector.shape_cast %broadcast_in_dim3A_706 : vector<16x1xi32> to vector<16xi32>
      %gather3A_708 = tpu.dynamic_gather %get3A_698[%gather3A_707] in [0] : vector<16xf32>, vector<16xi32> -> vector<16xf32>
      %max3A_709 = arith.maximumf %get3A_698, %gather3A_708 : vector<16xf32>
      %broadcast_in_dim3A_710 = vector.shape_cast %select_n3A_45 : vector<16xi32> to vector<16x1xi32>
      %gather3A_711 = vector.shape_cast %broadcast_in_dim3A_710 : vector<16x1xi32> to vector<16xi32>
      %gather3A_712 = tpu.dynamic_gather %max3A_709[%gather3A_711] in [0] : vector<16xf32>, vector<16xi32> -> vector<16xf32>
      %max3A_713 = arith.maximumf %max3A_709, %gather3A_712 : vector<16xf32>
      %broadcast_in_dim3A_714 = vector.shape_cast %select_n3A_70 : vector<16xi32> to vector<16x1xi32>
      %gather3A_715 = vector.shape_cast %broadcast_in_dim3A_714 : vector<16x1xi32> to vector<16xi32>
      %gather3A_716 = tpu.dynamic_gather %max3A_713[%gather3A_715] in [0] : vector<16xf32>, vector<16xi32> -> vector<16xf32>
      %max3A_717 = arith.maximumf %max3A_713, %gather3A_716 : vector<16xf32>
      %broadcast_in_dim3A_718 = vector.shape_cast %select_n3A_95 : vector<16xi32> to vector<16x1xi32>
      %gather3A_719 = vector.shape_cast %broadcast_in_dim3A_718 : vector<16x1xi32> to vector<16xi32>
      %gather3A_720 = tpu.dynamic_gather %max3A_717[%gather3A_719] in [0] : vector<16xf32>, vector<16xi32> -> vector<16xf32>
      %max3A_721 = arith.maximumf %max3A_717, %gather3A_720 : vector<16xf32>
      %eq3A_722 = arith.cmpf oeq, %get3A_698, %max3A_721 : vector<16xf32>
      %jit3A_723 = arith.constant 16 : i32
      %broadcast_in_dim3A_724 = vector.broadcast %jit3A_723 : i32 to vector<16xi32>
      %select_n3A_725 = arith.select %eq3A_722, %iota3A, %broadcast_in_dim3A_724 : vector<16xi1>, vector<16xi32>
      %broadcast_in_dim3A_726 = vector.shape_cast %select_n3A_20 : vector<16xi32> to vector<16x1xi32>
      %gather3A_727 = vector.shape_cast %broadcast_in_dim3A_726 : vector<16x1xi32> to vector<16xi32>
      %gather3A_728 = tpu.dynamic_gather %select_n3A_725[%gather3A_727] in [0] : vector<16xi32>, vector<16xi32> -> vector<16xi32>
      %min3A_729 = arith.minsi %select_n3A_725, %gather3A_728 : vector<16xi32>
      %broadcast_in_dim3A_730 = vector.shape_cast %select_n3A_45 : vector<16xi32> to vector<16x1xi32>
      %gather3A_731 = vector.shape_cast %broadcast_in_dim3A_730 : vector<16x1xi32> to vector<16xi32>
      %gather3A_732 = tpu.dynamic_gather %min3A_729[%gather3A_731] in [0] : vector<16xi32>, vector<16xi32> -> vector<16xi32>
      %min3A_733 = arith.minsi %min3A_729, %gather3A_732 : vector<16xi32>
      %broadcast_in_dim3A_734 = vector.shape_cast %select_n3A_70 : vector<16xi32> to vector<16x1xi32>
      %gather3A_735 = vector.shape_cast %broadcast_in_dim3A_734 : vector<16x1xi32> to vector<16xi32>
      %gather3A_736 = tpu.dynamic_gather %min3A_733[%gather3A_735] in [0] : vector<16xi32>, vector<16xi32> -> vector<16xi32>
      %min3A_737 = arith.minsi %min3A_733, %gather3A_736 : vector<16xi32>
      %broadcast_in_dim3A_738 = vector.shape_cast %select_n3A_95 : vector<16xi32> to vector<16x1xi32>
      %gather3A_739 = vector.shape_cast %broadcast_in_dim3A_738 : vector<16x1xi32> to vector<16xi32>
      %gather3A_740 = tpu.dynamic_gather %min3A_737[%gather3A_739] in [0] : vector<16xi32>, vector<16xi32> -> vector<16xi32>
      %min3A_741 = arith.minsi %min3A_737, %gather3A_740 : vector<16xi32>
      %select_n3A_742 = arith.select %eq3A_98, %max3A_721, %mul3A_705 : vector<16xi1>, vector<16xf32>
      %select_n3A_743 = arith.select %eq3A_98, %min3A_741, %sub3A : vector<16xi1>, vector<16xi32>
      %eq3A_744 = arith.cmpi eq, %iota3A, %min3A_741 : vector<16xi32>
      %jit3A_745 = arith.constant -1.000000e+30 : f32
      %broadcast_in_dim3A_746 = vector.broadcast %jit3A_745 : f32 to vector<16xf32>
      %select_n3A_747 = arith.select %eq3A_744, %broadcast_in_dim3A_746, %get3A_698 : vector<16xi1>, vector<16xf32>
      %broadcast_in_dim3A_748 = vector.shape_cast %select_n3A_20 : vector<16xi32> to vector<16x1xi32>
      %gather3A_749 = vector.shape_cast %broadcast_in_dim3A_748 : vector<16x1xi32> to vector<16xi32>
      %gather3A_750 = tpu.dynamic_gather %select_n3A_747[%gather3A_749] in [0] : vector<16xf32>, vector<16xi32> -> vector<16xf32>
      %max3A_751 = arith.maximumf %select_n3A_747, %gather3A_750 : vector<16xf32>
      %broadcast_in_dim3A_752 = vector.shape_cast %select_n3A_45 : vector<16xi32> to vector<16x1xi32>
      %gather3A_753 = vector.shape_cast %broadcast_in_dim3A_752 : vector<16x1xi32> to vector<16xi32>
      %gather3A_754 = tpu.dynamic_gather %max3A_751[%gather3A_753] in [0] : vector<16xf32>, vector<16xi32> -> vector<16xf32>
      %max3A_755 = arith.maximumf %max3A_751, %gather3A_754 : vector<16xf32>
      %broadcast_in_dim3A_756 = vector.shape_cast %select_n3A_70 : vector<16xi32> to vector<16x1xi32>
      %gather3A_757 = vector.shape_cast %broadcast_in_dim3A_756 : vector<16x1xi32> to vector<16xi32>
      %gather3A_758 = tpu.dynamic_gather %max3A_755[%gather3A_757] in [0] : vector<16xf32>, vector<16xi32> -> vector<16xf32>
      %max3A_759 = arith.maximumf %max3A_755, %gather3A_758 : vector<16xf32>
      %broadcast_in_dim3A_760 = vector.shape_cast %select_n3A_95 : vector<16xi32> to vector<16x1xi32>
      %gather3A_761 = vector.shape_cast %broadcast_in_dim3A_760 : vector<16x1xi32> to vector<16xi32>
      %gather3A_762 = tpu.dynamic_gather %max3A_759[%gather3A_761] in [0] : vector<16xf32>, vector<16xi32> -> vector<16xf32>
      %max3A_763 = arith.maximumf %max3A_759, %gather3A_762 : vector<16xf32>
      %eq3A_764 = arith.cmpf oeq, %select_n3A_747, %max3A_763 : vector<16xf32>
      %jit3A_765 = arith.constant 16 : i32
      %broadcast_in_dim3A_766 = vector.broadcast %jit3A_765 : i32 to vector<16xi32>
      %select_n3A_767 = arith.select %eq3A_764, %iota3A, %broadcast_in_dim3A_766 : vector<16xi1>, vector<16xi32>
      %broadcast_in_dim3A_768 = vector.shape_cast %select_n3A_20 : vector<16xi32> to vector<16x1xi32>
      %gather3A_769 = vector.shape_cast %broadcast_in_dim3A_768 : vector<16x1xi32> to vector<16xi32>
      %gather3A_770 = tpu.dynamic_gather %select_n3A_767[%gather3A_769] in [0] : vector<16xi32>, vector<16xi32> -> vector<16xi32>
      %min3A_771 = arith.minsi %select_n3A_767, %gather3A_770 : vector<16xi32>
      %broadcast_in_dim3A_772 = vector.shape_cast %select_n3A_45 : vector<16xi32> to vector<16x1xi32>
      %gather3A_773 = vector.shape_cast %broadcast_in_dim3A_772 : vector<16x1xi32> to vector<16xi32>
      %gather3A_774 = tpu.dynamic_gather %min3A_771[%gather3A_773] in [0] : vector<16xi32>, vector<16xi32> -> vector<16xi32>
      %min3A_775 = arith.minsi %min3A_771, %gather3A_774 : vector<16xi32>
      %broadcast_in_dim3A_776 = vector.shape_cast %select_n3A_70 : vector<16xi32> to vector<16x1xi32>
      %gather3A_777 = vector.shape_cast %broadcast_in_dim3A_776 : vector<16x1xi32> to vector<16xi32>
      %gather3A_778 = tpu.dynamic_gather %min3A_775[%gather3A_777] in [0] : vector<16xi32>, vector<16xi32> -> vector<16xi32>
      %min3A_779 = arith.minsi %min3A_775, %gather3A_778 : vector<16xi32>
      %broadcast_in_dim3A_780 = vector.shape_cast %select_n3A_95 : vector<16xi32> to vector<16x1xi32>
      %gather3A_781 = vector.shape_cast %broadcast_in_dim3A_780 : vector<16x1xi32> to vector<16xi32>
      %gather3A_782 = tpu.dynamic_gather %min3A_779[%gather3A_781] in [0] : vector<16xi32>, vector<16xi32> -> vector<16xi32>
      %min3A_783 = arith.minsi %min3A_779, %gather3A_782 : vector<16xi32>
      %select_n3A_784 = arith.select %eq3A_101, %max3A_763, %select_n3A_742 : vector<16xi1>, vector<16xf32>
      %select_n3A_785 = arith.select %eq3A_101, %min3A_783, %select_n3A_743 : vector<16xi1>, vector<16xi32>
      %eq3A_786 = arith.cmpi eq, %iota3A, %min3A_783 : vector<16xi32>
      %jit3A_787 = arith.constant -1.000000e+30 : f32
      %broadcast_in_dim3A_788 = vector.broadcast %jit3A_787 : f32 to vector<16xf32>
      %select_n3A_789 = arith.select %eq3A_786, %broadcast_in_dim3A_788, %select_n3A_747 : vector<16xi1>, vector<16xf32>
      %broadcast_in_dim3A_790 = vector.shape_cast %select_n3A_20 : vector<16xi32> to vector<16x1xi32>
      %gather3A_791 = vector.shape_cast %broadcast_in_dim3A_790 : vector<16x1xi32> to vector<16xi32>
      %gather3A_792 = tpu.dynamic_gather %select_n3A_789[%gather3A_791] in [0] : vector<16xf32>, vector<16xi32> -> vector<16xf32>
      %max3A_793 = arith.maximumf %select_n3A_789, %gather3A_792 : vector<16xf32>
      %broadcast_in_dim3A_794 = vector.shape_cast %select_n3A_45 : vector<16xi32> to vector<16x1xi32>
      %gather3A_795 = vector.shape_cast %broadcast_in_dim3A_794 : vector<16x1xi32> to vector<16xi32>
      %gather3A_796 = tpu.dynamic_gather %max3A_793[%gather3A_795] in [0] : vector<16xf32>, vector<16xi32> -> vector<16xf32>
      %max3A_797 = arith.maximumf %max3A_793, %gather3A_796 : vector<16xf32>
      %broadcast_in_dim3A_798 = vector.shape_cast %select_n3A_70 : vector<16xi32> to vector<16x1xi32>
      %gather3A_799 = vector.shape_cast %broadcast_in_dim3A_798 : vector<16x1xi32> to vector<16xi32>
      %gather3A_800 = tpu.dynamic_gather %max3A_797[%gather3A_799] in [0] : vector<16xf32>, vector<16xi32> -> vector<16xf32>
      %max3A_801 = arith.maximumf %max3A_797, %gather3A_800 : vector<16xf32>
      %broadcast_in_dim3A_802 = vector.shape_cast %select_n3A_95 : vector<16xi32> to vector<16x1xi32>
      %gather3A_803 = vector.shape_cast %broadcast_in_dim3A_802 : vector<16x1xi32> to vector<16xi32>
      %gather3A_804 = tpu.dynamic_gather %max3A_801[%gather3A_803] in [0] : vector<16xf32>, vector<16xi32> -> vector<16xf32>
      %max3A_805 = arith.maximumf %max3A_801, %gather3A_804 : vector<16xf32>
      %eq3A_806 = arith.cmpf oeq, %select_n3A_789, %max3A_805 : vector<16xf32>
      %jit3A_807 = arith.constant 16 : i32
      %broadcast_in_dim3A_808 = vector.broadcast %jit3A_807 : i32 to vector<16xi32>
      %select_n3A_809 = arith.select %eq3A_806, %iota3A, %broadcast_in_dim3A_808 : vector<16xi1>, vector<16xi32>
      %broadcast_in_dim3A_810 = vector.shape_cast %select_n3A_20 : vector<16xi32> to vector<16x1xi32>
      %gather3A_811 = vector.shape_cast %broadcast_in_dim3A_810 : vector<16x1xi32> to vector<16xi32>
      %gather3A_812 = tpu.dynamic_gather %select_n3A_809[%gather3A_811] in [0] : vector<16xi32>, vector<16xi32> -> vector<16xi32>
      %min3A_813 = arith.minsi %select_n3A_809, %gather3A_812 : vector<16xi32>
      %broadcast_in_dim3A_814 = vector.shape_cast %select_n3A_45 : vector<16xi32> to vector<16x1xi32>
      %gather3A_815 = vector.shape_cast %broadcast_in_dim3A_814 : vector<16x1xi32> to vector<16xi32>
      %gather3A_816 = tpu.dynamic_gather %min3A_813[%gather3A_815] in [0] : vector<16xi32>, vector<16xi32> -> vector<16xi32>
      %min3A_817 = arith.minsi %min3A_813, %gather3A_816 : vector<16xi32>
      %broadcast_in_dim3A_818 = vector.shape_cast %select_n3A_70 : vector<16xi32> to vector<16x1xi32>
      %gather3A_819 = vector.shape_cast %broadcast_in_dim3A_818 : vector<16x1xi32> to vector<16xi32>
      %gather3A_820 = tpu.dynamic_gather %min3A_817[%gather3A_819] in [0] : vector<16xi32>, vector<16xi32> -> vector<16xi32>
      %min3A_821 = arith.minsi %min3A_817, %gather3A_820 : vector<16xi32>
      %broadcast_in_dim3A_822 = vector.shape_cast %select_n3A_95 : vector<16xi32> to vector<16x1xi32>
      %gather3A_823 = vector.shape_cast %broadcast_in_dim3A_822 : vector<16x1xi32> to vector<16xi32>
      %gather3A_824 = tpu.dynamic_gather %min3A_821[%gather3A_823] in [0] : vector<16xi32>, vector<16xi32> -> vector<16xi32>
      %min3A_825 = arith.minsi %min3A_821, %gather3A_824 : vector<16xi32>
      %select_n3A_826 = arith.select %eq3A_104, %max3A_805, %select_n3A_784 : vector<16xi1>, vector<16xf32>
      %select_n3A_827 = arith.select %eq3A_104, %min3A_825, %select_n3A_785 : vector<16xi1>, vector<16xi32>
      %eq3A_828 = arith.cmpi eq, %iota3A, %min3A_825 : vector<16xi32>
      %jit3A_829 = arith.constant -1.000000e+30 : f32
      %broadcast_in_dim3A_830 = vector.broadcast %jit3A_829 : f32 to vector<16xf32>
      %select_n3A_831 = arith.select %eq3A_828, %broadcast_in_dim3A_830, %select_n3A_789 : vector<16xi1>, vector<16xf32>
      %broadcast_in_dim3A_832 = vector.shape_cast %select_n3A_20 : vector<16xi32> to vector<16x1xi32>
      %gather3A_833 = vector.shape_cast %broadcast_in_dim3A_832 : vector<16x1xi32> to vector<16xi32>
      %gather3A_834 = tpu.dynamic_gather %select_n3A_831[%gather3A_833] in [0] : vector<16xf32>, vector<16xi32> -> vector<16xf32>
      %max3A_835 = arith.maximumf %select_n3A_831, %gather3A_834 : vector<16xf32>
      %broadcast_in_dim3A_836 = vector.shape_cast %select_n3A_45 : vector<16xi32> to vector<16x1xi32>
      %gather3A_837 = vector.shape_cast %broadcast_in_dim3A_836 : vector<16x1xi32> to vector<16xi32>
      %gather3A_838 = tpu.dynamic_gather %max3A_835[%gather3A_837] in [0] : vector<16xf32>, vector<16xi32> -> vector<16xf32>
      %max3A_839 = arith.maximumf %max3A_835, %gather3A_838 : vector<16xf32>
      %broadcast_in_dim3A_840 = vector.shape_cast %select_n3A_70 : vector<16xi32> to vector<16x1xi32>
      %gather3A_841 = vector.shape_cast %broadcast_in_dim3A_840 : vector<16x1xi32> to vector<16xi32>
      %gather3A_842 = tpu.dynamic_gather %max3A_839[%gather3A_841] in [0] : vector<16xf32>, vector<16xi32> -> vector<16xf32>
      %max3A_843 = arith.maximumf %max3A_839, %gather3A_842 : vector<16xf32>
      %broadcast_in_dim3A_844 = vector.shape_cast %select_n3A_95 : vector<16xi32> to vector<16x1xi32>
      %gather3A_845 = vector.shape_cast %broadcast_in_dim3A_844 : vector<16x1xi32> to vector<16xi32>
      %gather3A_846 = tpu.dynamic_gather %max3A_843[%gather3A_845] in [0] : vector<16xf32>, vector<16xi32> -> vector<16xf32>
      %max3A_847 = arith.maximumf %max3A_843, %gather3A_846 : vector<16xf32>
      %eq3A_848 = arith.cmpf oeq, %select_n3A_831, %max3A_847 : vector<16xf32>
      %jit3A_849 = arith.constant 16 : i32
      %broadcast_in_dim3A_850 = vector.broadcast %jit3A_849 : i32 to vector<16xi32>
      %select_n3A_851 = arith.select %eq3A_848, %iota3A, %broadcast_in_dim3A_850 : vector<16xi1>, vector<16xi32>
      %broadcast_in_dim3A_852 = vector.shape_cast %select_n3A_20 : vector<16xi32> to vector<16x1xi32>
      %gather3A_853 = vector.shape_cast %broadcast_in_dim3A_852 : vector<16x1xi32> to vector<16xi32>
      %gather3A_854 = tpu.dynamic_gather %select_n3A_851[%gather3A_853] in [0] : vector<16xi32>, vector<16xi32> -> vector<16xi32>
      %min3A_855 = arith.minsi %select_n3A_851, %gather3A_854 : vector<16xi32>
      %broadcast_in_dim3A_856 = vector.shape_cast %select_n3A_45 : vector<16xi32> to vector<16x1xi32>
      %gather3A_857 = vector.shape_cast %broadcast_in_dim3A_856 : vector<16x1xi32> to vector<16xi32>
      %gather3A_858 = tpu.dynamic_gather %min3A_855[%gather3A_857] in [0] : vector<16xi32>, vector<16xi32> -> vector<16xi32>
      %min3A_859 = arith.minsi %min3A_855, %gather3A_858 : vector<16xi32>
      %broadcast_in_dim3A_860 = vector.shape_cast %select_n3A_70 : vector<16xi32> to vector<16x1xi32>
      %gather3A_861 = vector.shape_cast %broadcast_in_dim3A_860 : vector<16x1xi32> to vector<16xi32>
      %gather3A_862 = tpu.dynamic_gather %min3A_859[%gather3A_861] in [0] : vector<16xi32>, vector<16xi32> -> vector<16xi32>
      %min3A_863 = arith.minsi %min3A_859, %gather3A_862 : vector<16xi32>
      %broadcast_in_dim3A_864 = vector.shape_cast %select_n3A_95 : vector<16xi32> to vector<16x1xi32>
      %gather3A_865 = vector.shape_cast %broadcast_in_dim3A_864 : vector<16x1xi32> to vector<16xi32>
      %gather3A_866 = tpu.dynamic_gather %min3A_863[%gather3A_865] in [0] : vector<16xi32>, vector<16xi32> -> vector<16xi32>
      %min3A_867 = arith.minsi %min3A_863, %gather3A_866 : vector<16xi32>
      %select_n3A_868 = arith.select %eq3A_107, %max3A_847, %select_n3A_826 : vector<16xi1>, vector<16xf32>
      %select_n3A_869 = arith.select %eq3A_107, %min3A_867, %select_n3A_827 : vector<16xi1>, vector<16xi32>
      %eq3A_870 = arith.cmpi eq, %iota3A, %min3A_867 : vector<16xi32>
      %jit3A_871 = arith.constant -1.000000e+30 : f32
      %broadcast_in_dim3A_872 = vector.broadcast %jit3A_871 : f32 to vector<16xf32>
      %select_n3A_873 = arith.select %eq3A_870, %broadcast_in_dim3A_872, %select_n3A_831 : vector<16xi1>, vector<16xf32>
      %mul3A_874 = arith.mulf %select_n3A_868, %get3A_702 : vector<16xf32>
      %swap3A_875 = arith.index_cast %scan3A_113 : i32 to index
      %swap3A_876 = arith.constant 48 : index
      %swap3A_877 = tpu.vector_load %arg8[%swap3A_875, %swap3A_876] {strides = array<i32>} : memref<32x128xf32, #tpu.memory_space<vmem>>, vector<1x16xf32>,
      %swap3A_878 = vector.shape_cast %swap3A_877 : vector<1x16xf32> to vector<16xf32>
      %swap3A_879 = vector.shape_cast %mul3A_874 : vector<16xf32> to vector<1x16xf32>
      tpu.vector_store %arg8[%swap3A_875, %swap3A_876], %swap3A_879 {strides = array<i32>} : memref<32x128xf32, #tpu.memory_space<vmem>>, vector<1x16xf32>,
      %gt3A_880 = arith.constant 5.000000e-01 : f32
      %gt3A_881 = vector.broadcast %gt3A_880 : f32 to vector<16xf32>
      %gt3A_882 = arith.cmpf ogt, %get3A_702, %gt3A_881 : vector<16xf32>
      %jit3A_883 = arith.constant 0 : i32
      %broadcast_in_dim3A_884 = vector.broadcast %jit3A_883 : i32 to vector<16xi32>
      %select_n3A_885 = arith.select %gt3A_882, %select_n3A_869, %broadcast_in_dim3A_884 : vector<16xi1>, vector<16xi32>
      %swap3A_886 = arith.index_cast %scan3A_113 : i32 to index
      %swap3A_887 = arith.constant 48 : index
      %swap3A_888 = tpu.vector_load %arg9[%swap3A_886, %swap3A_887] {strides = array<i32>} : memref<32x128xi32, #tpu.memory_space<vmem>>, vector<1x16xi32>,
      %swap3A_889 = vector.shape_cast %swap3A_888 : vector<1x16xi32> to vector<16xi32>
      %swap3A_890 = vector.shape_cast %select_n3A_885 : vector<16xi32> to vector<1x16xi32>
      tpu.vector_store %arg9[%swap3A_886, %swap3A_887], %swap3A_890 {strides = array<i32>} : memref<32x128xi32, #tpu.memory_space<vmem>>, vector<1x16xi32>,
      %get3A_891 = arith.index_cast %scan3A_113 : i32 to index
      %get3A_892 = arith.constant 64 : index
      %get3A_893 = tpu.vector_load %arg6[%get3A_891, %get3A_892] {strides = array<i32>} : memref<32x128xf32, #tpu.memory_space<vmem>>, vector<1x16xf32>,
      %get3A_894 = vector.shape_cast %get3A_893 : vector<1x16xf32> to vector<16xf32>
      %get3A_895 = arith.index_cast %scan3A_113 : i32 to index
      %get3A_896 = arith.constant 64 : index
      %get3A_897 = tpu.vector_load %arg7[%get3A_895, %get3A_896] {strides = array<i32>} : memref<32x128xf32, #tpu.memory_space<vmem>>, vector<1x16xf32>,
      %get3A_898 = vector.shape_cast %get3A_897 : vector<1x16xf32> to vector<16xf32>
      %mul3A_899 = arith.constant 0.000000e+00 : f32
      %mul3A_900 = vector.broadcast %mul3A_899 : f32 to vector<16xf32>
      %mul3A_901 = arith.mulf %get3A_894, %mul3A_900 : vector<16xf32>
      %broadcast_in_dim3A_902 = vector.shape_cast %select_n3A_20 : vector<16xi32> to vector<16x1xi32>
      %gather3A_903 = vector.shape_cast %broadcast_in_dim3A_902 : vector<16x1xi32> to vector<16xi32>
      %gather3A_904 = tpu.dynamic_gather %get3A_894[%gather3A_903] in [0] : vector<16xf32>, vector<16xi32> -> vector<16xf32>
      %max3A_905 = arith.maximumf %get3A_894, %gather3A_904 : vector<16xf32>
      %broadcast_in_dim3A_906 = vector.shape_cast %select_n3A_45 : vector<16xi32> to vector<16x1xi32>
      %gather3A_907 = vector.shape_cast %broadcast_in_dim3A_906 : vector<16x1xi32> to vector<16xi32>
      %gather3A_908 = tpu.dynamic_gather %max3A_905[%gather3A_907] in [0] : vector<16xf32>, vector<16xi32> -> vector<16xf32>
      %max3A_909 = arith.maximumf %max3A_905, %gather3A_908 : vector<16xf32>
      %broadcast_in_dim3A_910 = vector.shape_cast %select_n3A_70 : vector<16xi32> to vector<16x1xi32>
      %gather3A_911 = vector.shape_cast %broadcast_in_dim3A_910 : vector<16x1xi32> to vector<16xi32>
      %gather3A_912 = tpu.dynamic_gather %max3A_909[%gather3A_911] in [0] : vector<16xf32>, vector<16xi32> -> vector<16xf32>
      %max3A_913 = arith.maximumf %max3A_909, %gather3A_912 : vector<16xf32>
      %broadcast_in_dim3A_914 = vector.shape_cast %select_n3A_95 : vector<16xi32> to vector<16x1xi32>
      %gather3A_915 = vector.shape_cast %broadcast_in_dim3A_914 : vector<16x1xi32> to vector<16xi32>
      %gather3A_916 = tpu.dynamic_gather %max3A_913[%gather3A_915] in [0] : vector<16xf32>, vector<16xi32> -> vector<16xf32>
      %max3A_917 = arith.maximumf %max3A_913, %gather3A_916 : vector<16xf32>
      %eq3A_918 = arith.cmpf oeq, %get3A_894, %max3A_917 : vector<16xf32>
      %jit3A_919 = arith.constant 16 : i32
      %broadcast_in_dim3A_920 = vector.broadcast %jit3A_919 : i32 to vector<16xi32>
      %select_n3A_921 = arith.select %eq3A_918, %iota3A, %broadcast_in_dim3A_920 : vector<16xi1>, vector<16xi32>
      %broadcast_in_dim3A_922 = vector.shape_cast %select_n3A_20 : vector<16xi32> to vector<16x1xi32>
      %gather3A_923 = vector.shape_cast %broadcast_in_dim3A_922 : vector<16x1xi32> to vector<16xi32>
      %gather3A_924 = tpu.dynamic_gather %select_n3A_921[%gather3A_923] in [0] : vector<16xi32>, vector<16xi32> -> vector<16xi32>
      %min3A_925 = arith.minsi %select_n3A_921, %gather3A_924 : vector<16xi32>
      %broadcast_in_dim3A_926 = vector.shape_cast %select_n3A_45 : vector<16xi32> to vector<16x1xi32>
      %gather3A_927 = vector.shape_cast %broadcast_in_dim3A_926 : vector<16x1xi32> to vector<16xi32>
      %gather3A_928 = tpu.dynamic_gather %min3A_925[%gather3A_927] in [0] : vector<16xi32>, vector<16xi32> -> vector<16xi32>
      %min3A_929 = arith.minsi %min3A_925, %gather3A_928 : vector<16xi32>
      %broadcast_in_dim3A_930 = vector.shape_cast %select_n3A_70 : vector<16xi32> to vector<16x1xi32>
      %gather3A_931 = vector.shape_cast %broadcast_in_dim3A_930 : vector<16x1xi32> to vector<16xi32>
      %gather3A_932 = tpu.dynamic_gather %min3A_929[%gather3A_931] in [0] : vector<16xi32>, vector<16xi32> -> vector<16xi32>
      %min3A_933 = arith.minsi %min3A_929, %gather3A_932 : vector<16xi32>
      %broadcast_in_dim3A_934 = vector.shape_cast %select_n3A_95 : vector<16xi32> to vector<16x1xi32>
      %gather3A_935 = vector.shape_cast %broadcast_in_dim3A_934 : vector<16x1xi32> to vector<16xi32>
      %gather3A_936 = tpu.dynamic_gather %min3A_933[%gather3A_935] in [0] : vector<16xi32>, vector<16xi32> -> vector<16xi32>
      %min3A_937 = arith.minsi %min3A_933, %gather3A_936 : vector<16xi32>
      %select_n3A_938 = arith.select %eq3A_98, %max3A_917, %mul3A_901 : vector<16xi1>, vector<16xf32>
      %select_n3A_939 = arith.select %eq3A_98, %min3A_937, %sub3A : vector<16xi1>, vector<16xi32>
      %eq3A_940 = arith.cmpi eq, %iota3A, %min3A_937 : vector<16xi32>
      %jit3A_941 = arith.constant -1.000000e+30 : f32
      %broadcast_in_dim3A_942 = vector.broadcast %jit3A_941 : f32 to vector<16xf32>
      %select_n3A_943 = arith.select %eq3A_940, %broadcast_in_dim3A_942, %get3A_894 : vector<16xi1>, vector<16xf32>
      %broadcast_in_dim3A_944 = vector.shape_cast %select_n3A_20 : vector<16xi32> to vector<16x1xi32>
      %gather3A_945 = vector.shape_cast %broadcast_in_dim3A_944 : vector<16x1xi32> to vector<16xi32>
      %gather3A_946 = tpu.dynamic_gather %select_n3A_943[%gather3A_945] in [0] : vector<16xf32>, vector<16xi32> -> vector<16xf32>
      %max3A_947 = arith.maximumf %select_n3A_943, %gather3A_946 : vector<16xf32>
      %broadcast_in_dim3A_948 = vector.shape_cast %select_n3A_45 : vector<16xi32> to vector<16x1xi32>
      %gather3A_949 = vector.shape_cast %broadcast_in_dim3A_948 : vector<16x1xi32> to vector<16xi32>
      %gather3A_950 = tpu.dynamic_gather %max3A_947[%gather3A_949] in [0] : vector<16xf32>, vector<16xi32> -> vector<16xf32>
      %max3A_951 = arith.maximumf %max3A_947, %gather3A_950 : vector<16xf32>
      %broadcast_in_dim3A_952 = vector.shape_cast %select_n3A_70 : vector<16xi32> to vector<16x1xi32>
      %gather3A_953 = vector.shape_cast %broadcast_in_dim3A_952 : vector<16x1xi32> to vector<16xi32>
      %gather3A_954 = tpu.dynamic_gather %max3A_951[%gather3A_953] in [0] : vector<16xf32>, vector<16xi32> -> vector<16xf32>
      %max3A_955 = arith.maximumf %max3A_951, %gather3A_954 : vector<16xf32>
      %broadcast_in_dim3A_956 = vector.shape_cast %select_n3A_95 : vector<16xi32> to vector<16x1xi32>
      %gather3A_957 = vector.shape_cast %broadcast_in_dim3A_956 : vector<16x1xi32> to vector<16xi32>
      %gather3A_958 = tpu.dynamic_gather %max3A_955[%gather3A_957] in [0] : vector<16xf32>, vector<16xi32> -> vector<16xf32>
      %max3A_959 = arith.maximumf %max3A_955, %gather3A_958 : vector<16xf32>
      %eq3A_960 = arith.cmpf oeq, %select_n3A_943, %max3A_959 : vector<16xf32>
      %jit3A_961 = arith.constant 16 : i32
      %broadcast_in_dim3A_962 = vector.broadcast %jit3A_961 : i32 to vector<16xi32>
      %select_n3A_963 = arith.select %eq3A_960, %iota3A, %broadcast_in_dim3A_962 : vector<16xi1>, vector<16xi32>
      %broadcast_in_dim3A_964 = vector.shape_cast %select_n3A_20 : vector<16xi32> to vector<16x1xi32>
      %gather3A_965 = vector.shape_cast %broadcast_in_dim3A_964 : vector<16x1xi32> to vector<16xi32>
      %gather3A_966 = tpu.dynamic_gather %select_n3A_963[%gather3A_965] in [0] : vector<16xi32>, vector<16xi32> -> vector<16xi32>
      %min3A_967 = arith.minsi %select_n3A_963, %gather3A_966 : vector<16xi32>
      %broadcast_in_dim3A_968 = vector.shape_cast %select_n3A_45 : vector<16xi32> to vector<16x1xi32>
      %gather3A_969 = vector.shape_cast %broadcast_in_dim3A_968 : vector<16x1xi32> to vector<16xi32>
      %gather3A_970 = tpu.dynamic_gather %min3A_967[%gather3A_969] in [0] : vector<16xi32>, vector<16xi32> -> vector<16xi32>
      %min3A_971 = arith.minsi %min3A_967, %gather3A_970 : vector<16xi32>
      %broadcast_in_dim3A_972 = vector.shape_cast %select_n3A_70 : vector<16xi32> to vector<16x1xi32>
      %gather3A_973 = vector.shape_cast %broadcast_in_dim3A_972 : vector<16x1xi32> to vector<16xi32>
      %gather3A_974 = tpu.dynamic_gather %min3A_971[%gather3A_973] in [0] : vector<16xi32>, vector<16xi32> -> vector<16xi32>
      %min3A_975 = arith.minsi %min3A_971, %gather3A_974 : vector<16xi32>
      %broadcast_in_dim3A_976 = vector.shape_cast %select_n3A_95 : vector<16xi32> to vector<16x1xi32>
      %gather3A_977 = vector.shape_cast %broadcast_in_dim3A_976 : vector<16x1xi32> to vector<16xi32>
      %gather3A_978 = tpu.dynamic_gather %min3A_975[%gather3A_977] in [0] : vector<16xi32>, vector<16xi32> -> vector<16xi32>
      %min3A_979 = arith.minsi %min3A_975, %gather3A_978 : vector<16xi32>
      %select_n3A_980 = arith.select %eq3A_101, %max3A_959, %select_n3A_938 : vector<16xi1>, vector<16xf32>
      %select_n3A_981 = arith.select %eq3A_101, %min3A_979, %select_n3A_939 : vector<16xi1>, vector<16xi32>
      %eq3A_982 = arith.cmpi eq, %iota3A, %min3A_979 : vector<16xi32>
      %jit3A_983 = arith.constant -1.000000e+30 : f32
      %broadcast_in_dim3A_984 = vector.broadcast %jit3A_983 : f32 to vector<16xf32>
      %select_n3A_985 = arith.select %eq3A_982, %broadcast_in_dim3A_984, %select_n3A_943 : vector<16xi1>, vector<16xf32>
      %broadcast_in_dim3A_986 = vector.shape_cast %select_n3A_20 : vector<16xi32> to vector<16x1xi32>
      %gather3A_987 = vector.shape_cast %broadcast_in_dim3A_986 : vector<16x1xi32> to vector<16xi32>
      %gather3A_988 = tpu.dynamic_gather %select_n3A_985[%gather3A_987] in [0] : vector<16xf32>, vector<16xi32> -> vector<16xf32>
      %max3A_989 = arith.maximumf %select_n3A_985, %gather3A_988 : vector<16xf32>
      %broadcast_in_dim3A_990 = vector.shape_cast %select_n3A_45 : vector<16xi32> to vector<16x1xi32>
      %gather3A_991 = vector.shape_cast %broadcast_in_dim3A_990 : vector<16x1xi32> to vector<16xi32>
      %gather3A_992 = tpu.dynamic_gather %max3A_989[%gather3A_991] in [0] : vector<16xf32>, vector<16xi32> -> vector<16xf32>
      %max3A_993 = arith.maximumf %max3A_989, %gather3A_992 : vector<16xf32>
      %broadcast_in_dim3A_994 = vector.shape_cast %select_n3A_70 : vector<16xi32> to vector<16x1xi32>
      %gather3A_995 = vector.shape_cast %broadcast_in_dim3A_994 : vector<16x1xi32> to vector<16xi32>
      %gather3A_996 = tpu.dynamic_gather %max3A_993[%gather3A_995] in [0] : vector<16xf32>, vector<16xi32> -> vector<16xf32>
      %max3A_997 = arith.maximumf %max3A_993, %gather3A_996 : vector<16xf32>
      %broadcast_in_dim3A_998 = vector.shape_cast %select_n3A_95 : vector<16xi32> to vector<16x1xi32>
      %gather3A_999 = vector.shape_cast %broadcast_in_dim3A_998 : vector<16x1xi32> to vector<16xi32>
      %gather3A_1000 = tpu.dynamic_gather %max3A_997[%gather3A_999] in [0] : vector<16xf32>, vector<16xi32> -> vector<16xf32>
      %max3A_1001 = arith.maximumf %max3A_997, %gather3A_1000 : vector<16xf32>
      %eq3A_1002 = arith.cmpf oeq, %select_n3A_985, %max3A_1001 : vector<16xf32>
      %jit3A_1003 = arith.constant 16 : i32
      %broadcast_in_dim3A_1004 = vector.broadcast %jit3A_1003 : i32 to vector<16xi32>
      %select_n3A_1005 = arith.select %eq3A_1002, %iota3A, %broadcast_in_dim3A_1004 : vector<16xi1>, vector<16xi32>
      %broadcast_in_dim3A_1006 = vector.shape_cast %select_n3A_20 : vector<16xi32> to vector<16x1xi32>
      %gather3A_1007 = vector.shape_cast %broadcast_in_dim3A_1006 : vector<16x1xi32> to vector<16xi32>
      %gather3A_1008 = tpu.dynamic_gather %select_n3A_1005[%gather3A_1007] in [0] : vector<16xi32>, vector<16xi32> -> vector<16xi32>
      %min3A_1009 = arith.minsi %select_n3A_1005, %gather3A_1008 : vector<16xi32>
      %broadcast_in_dim3A_1010 = vector.shape_cast %select_n3A_45 : vector<16xi32> to vector<16x1xi32>
      %gather3A_1011 = vector.shape_cast %broadcast_in_dim3A_1010 : vector<16x1xi32> to vector<16xi32>
      %gather3A_1012 = tpu.dynamic_gather %min3A_1009[%gather3A_1011] in [0] : vector<16xi32>, vector<16xi32> -> vector<16xi32>
      %min3A_1013 = arith.minsi %min3A_1009, %gather3A_1012 : vector<16xi32>
      %broadcast_in_dim3A_1014 = vector.shape_cast %select_n3A_70 : vector<16xi32> to vector<16x1xi32>
      %gather3A_1015 = vector.shape_cast %broadcast_in_dim3A_1014 : vector<16x1xi32> to vector<16xi32>
      %gather3A_1016 = tpu.dynamic_gather %min3A_1013[%gather3A_1015] in [0] : vector<16xi32>, vector<16xi32> -> vector<16xi32>
      %min3A_1017 = arith.minsi %min3A_1013, %gather3A_1016 : vector<16xi32>
      %broadcast_in_dim3A_1018 = vector.shape_cast %select_n3A_95 : vector<16xi32> to vector<16x1xi32>
      %gather3A_1019 = vector.shape_cast %broadcast_in_dim3A_1018 : vector<16x1xi32> to vector<16xi32>
      %gather3A_1020 = tpu.dynamic_gather %min3A_1017[%gather3A_1019] in [0] : vector<16xi32>, vector<16xi32> -> vector<16xi32>
      %min3A_1021 = arith.minsi %min3A_1017, %gather3A_1020 : vector<16xi32>
      %select_n3A_1022 = arith.select %eq3A_104, %max3A_1001, %select_n3A_980 : vector<16xi1>, vector<16xf32>
      %select_n3A_1023 = arith.select %eq3A_104, %min3A_1021, %select_n3A_981 : vector<16xi1>, vector<16xi32>
      %eq3A_1024 = arith.cmpi eq, %iota3A, %min3A_1021 : vector<16xi32>
      %jit3A_1025 = arith.constant -1.000000e+30 : f32
      %broadcast_in_dim3A_1026 = vector.broadcast %jit3A_1025 : f32 to vector<16xf32>
      %select_n3A_1027 = arith.select %eq3A_1024, %broadcast_in_dim3A_1026, %select_n3A_985 : vector<16xi1>, vector<16xf32>
      %broadcast_in_dim3A_1028 = vector.shape_cast %select_n3A_20 : vector<16xi32> to vector<16x1xi32>
      %gather3A_1029 = vector.shape_cast %broadcast_in_dim3A_1028 : vector<16x1xi32> to vector<16xi32>
      %gather3A_1030 = tpu.dynamic_gather %select_n3A_1027[%gather3A_1029] in [0] : vector<16xf32>, vector<16xi32> -> vector<16xf32>
      %max3A_1031 = arith.maximumf %select_n3A_1027, %gather3A_1030 : vector<16xf32>
      %broadcast_in_dim3A_1032 = vector.shape_cast %select_n3A_45 : vector<16xi32> to vector<16x1xi32>
      %gather3A_1033 = vector.shape_cast %broadcast_in_dim3A_1032 : vector<16x1xi32> to vector<16xi32>
      %gather3A_1034 = tpu.dynamic_gather %max3A_1031[%gather3A_1033] in [0] : vector<16xf32>, vector<16xi32> -> vector<16xf32>
      %max3A_1035 = arith.maximumf %max3A_1031, %gather3A_1034 : vector<16xf32>
      %broadcast_in_dim3A_1036 = vector.shape_cast %select_n3A_70 : vector<16xi32> to vector<16x1xi32>
      %gather3A_1037 = vector.shape_cast %broadcast_in_dim3A_1036 : vector<16x1xi32> to vector<16xi32>
      %gather3A_1038 = tpu.dynamic_gather %max3A_1035[%gather3A_1037] in [0] : vector<16xf32>, vector<16xi32> -> vector<16xf32>
      %max3A_1039 = arith.maximumf %max3A_1035, %gather3A_1038 : vector<16xf32>
      %broadcast_in_dim3A_1040 = vector.shape_cast %select_n3A_95 : vector<16xi32> to vector<16x1xi32>
      %gather3A_1041 = vector.shape_cast %broadcast_in_dim3A_1040 : vector<16x1xi32> to vector<16xi32>
      %gather3A_1042 = tpu.dynamic_gather %max3A_1039[%gather3A_1041] in [0] : vector<16xf32>, vector<16xi32> -> vector<16xf32>
      %max3A_1043 = arith.maximumf %max3A_1039, %gather3A_1042 : vector<16xf32>
      %eq3A_1044 = arith.cmpf oeq, %select_n3A_1027, %max3A_1043 : vector<16xf32>
      %jit3A_1045 = arith.constant 16 : i32
      %broadcast_in_dim3A_1046 = vector.broadcast %jit3A_1045 : i32 to vector<16xi32>
      %select_n3A_1047 = arith.select %eq3A_1044, %iota3A, %broadcast_in_dim3A_1046 : vector<16xi1>, vector<16xi32>
      %broadcast_in_dim3A_1048 = vector.shape_cast %select_n3A_20 : vector<16xi32> to vector<16x1xi32>
      %gather3A_1049 = vector.shape_cast %broadcast_in_dim3A_1048 : vector<16x1xi32> to vector<16xi32>
      %gather3A_1050 = tpu.dynamic_gather %select_n3A_1047[%gather3A_1049] in [0] : vector<16xi32>, vector<16xi32> -> vector<16xi32>
      %min3A_1051 = arith.minsi %select_n3A_1047, %gather3A_1050 : vector<16xi32>
      %broadcast_in_dim3A_1052 = vector.shape_cast %select_n3A_45 : vector<16xi32> to vector<16x1xi32>
      %gather3A_1053 = vector.shape_cast %broadcast_in_dim3A_1052 : vector<16x1xi32> to vector<16xi32>
      %gather3A_1054 = tpu.dynamic_gather %min3A_1051[%gather3A_1053] in [0] : vector<16xi32>, vector<16xi32> -> vector<16xi32>
      %min3A_1055 = arith.minsi %min3A_1051, %gather3A_1054 : vector<16xi32>
      %broadcast_in_dim3A_1056 = vector.shape_cast %select_n3A_70 : vector<16xi32> to vector<16x1xi32>
      %gather3A_1057 = vector.shape_cast %broadcast_in_dim3A_1056 : vector<16x1xi32> to vector<16xi32>
      %gather3A_1058 = tpu.dynamic_gather %min3A_1055[%gather3A_1057] in [0] : vector<16xi32>, vector<16xi32> -> vector<16xi32>
      %min3A_1059 = arith.minsi %min3A_1055, %gather3A_1058 : vector<16xi32>
      %broadcast_in_dim3A_1060 = vector.shape_cast %select_n3A_95 : vector<16xi32> to vector<16x1xi32>
      %gather3A_1061 = vector.shape_cast %broadcast_in_dim3A_1060 : vector<16x1xi32> to vector<16xi32>
      %gather3A_1062 = tpu.dynamic_gather %min3A_1059[%gather3A_1061] in [0] : vector<16xi32>, vector<16xi32> -> vector<16xi32>
      %min3A_1063 = arith.minsi %min3A_1059, %gather3A_1062 : vector<16xi32>
      %select_n3A_1064 = arith.select %eq3A_107, %max3A_1043, %select_n3A_1022 : vector<16xi1>, vector<16xf32>
      %select_n3A_1065 = arith.select %eq3A_107, %min3A_1063, %select_n3A_1023 : vector<16xi1>, vector<16xi32>
      %eq3A_1066 = arith.cmpi eq, %iota3A, %min3A_1063 : vector<16xi32>
      %jit3A_1067 = arith.constant -1.000000e+30 : f32
      %broadcast_in_dim3A_1068 = vector.broadcast %jit3A_1067 : f32 to vector<16xf32>
      %select_n3A_1069 = arith.select %eq3A_1066, %broadcast_in_dim3A_1068, %select_n3A_1027 : vector<16xi1>, vector<16xf32>
      %mul3A_1070 = arith.mulf %select_n3A_1064, %get3A_898 : vector<16xf32>
      %swap3A_1071 = arith.index_cast %scan3A_113 : i32 to index
      %swap3A_1072 = arith.constant 64 : index
      %swap3A_1073 = tpu.vector_load %arg8[%swap3A_1071, %swap3A_1072] {strides = array<i32>} : memref<32x128xf32, #tpu.memory_space<vmem>>, vector<1x16xf32>,
      %swap3A_1074 = vector.shape_cast %swap3A_1073 : vector<1x16xf32> to vector<16xf32>
      %swap3A_1075 = vector.shape_cast %mul3A_1070 : vector<16xf32> to vector<1x16xf32>
      tpu.vector_store %arg8[%swap3A_1071, %swap3A_1072], %swap3A_1075 {strides = array<i32>} : memref<32x128xf32, #tpu.memory_space<vmem>>, vector<1x16xf32>,
      %gt3A_1076 = arith.constant 5.000000e-01 : f32
      %gt3A_1077 = vector.broadcast %gt3A_1076 : f32 to vector<16xf32>
      %gt3A_1078 = arith.cmpf ogt, %get3A_898, %gt3A_1077 : vector<16xf32>
      %jit3A_1079 = arith.constant 0 : i32
      %broadcast_in_dim3A_1080 = vector.broadcast %jit3A_1079 : i32 to vector<16xi32>
      %select_n3A_1081 = arith.select %gt3A_1078, %select_n3A_1065, %broadcast_in_dim3A_1080 : vector<16xi1>, vector<16xi32>
      %swap3A_1082 = arith.index_cast %scan3A_113 : i32 to index
      %swap3A_1083 = arith.constant 64 : index
      %swap3A_1084 = tpu.vector_load %arg9[%swap3A_1082, %swap3A_1083] {strides = array<i32>} : memref<32x128xi32, #tpu.memory_space<vmem>>, vector<1x16xi32>,
      %swap3A_1085 = vector.shape_cast %swap3A_1084 : vector<1x16xi32> to vector<16xi32>
      %swap3A_1086 = vector.shape_cast %select_n3A_1081 : vector<16xi32> to vector<1x16xi32>
      tpu.vector_store %arg9[%swap3A_1082, %swap3A_1083], %swap3A_1086 {strides = array<i32>} : memref<32x128xi32, #tpu.memory_space<vmem>>, vector<1x16xi32>,
      %get3A_1087 = arith.index_cast %scan3A_113 : i32 to index
      %get3A_1088 = arith.constant 80 : index
      %get3A_1089 = tpu.vector_load %arg6[%get3A_1087, %get3A_1088] {strides = array<i32>} : memref<32x128xf32, #tpu.memory_space<vmem>>, vector<1x16xf32>,
      %get3A_1090 = vector.shape_cast %get3A_1089 : vector<1x16xf32> to vector<16xf32>
      %get3A_1091 = arith.index_cast %scan3A_113 : i32 to index
      %get3A_1092 = arith.constant 80 : index
      %get3A_1093 = tpu.vector_load %arg7[%get3A_1091, %get3A_1092] {strides = array<i32>} : memref<32x128xf32, #tpu.memory_space<vmem>>, vector<1x16xf32>,
      %get3A_1094 = vector.shape_cast %get3A_1093 : vector<1x16xf32> to vector<16xf32>
      %mul3A_1095 = arith.constant 0.000000e+00 : f32
      %mul3A_1096 = vector.broadcast %mul3A_1095 : f32 to vector<16xf32>
      %mul3A_1097 = arith.mulf %get3A_1090, %mul3A_1096 : vector<16xf32>
      %broadcast_in_dim3A_1098 = vector.shape_cast %select_n3A_20 : vector<16xi32> to vector<16x1xi32>
      %gather3A_1099 = vector.shape_cast %broadcast_in_dim3A_1098 : vector<16x1xi32> to vector<16xi32>
      %gather3A_1100 = tpu.dynamic_gather %get3A_1090[%gather3A_1099] in [0] : vector<16xf32>, vector<16xi32> -> vector<16xf32>
      %max3A_1101 = arith.maximumf %get3A_1090, %gather3A_1100 : vector<16xf32>
      %broadcast_in_dim3A_1102 = vector.shape_cast %select_n3A_45 : vector<16xi32> to vector<16x1xi32>
      %gather3A_1103 = vector.shape_cast %broadcast_in_dim3A_1102 : vector<16x1xi32> to vector<16xi32>
      %gather3A_1104 = tpu.dynamic_gather %max3A_1101[%gather3A_1103] in [0] : vector<16xf32>, vector<16xi32> -> vector<16xf32>
      %max3A_1105 = arith.maximumf %max3A_1101, %gather3A_1104 : vector<16xf32>
      %broadcast_in_dim3A_1106 = vector.shape_cast %select_n3A_70 : vector<16xi32> to vector<16x1xi32>
      %gather3A_1107 = vector.shape_cast %broadcast_in_dim3A_1106 : vector<16x1xi32> to vector<16xi32>
      %gather3A_1108 = tpu.dynamic_gather %max3A_1105[%gather3A_1107] in [0] : vector<16xf32>, vector<16xi32> -> vector<16xf32>
      %max3A_1109 = arith.maximumf %max3A_1105, %gather3A_1108 : vector<16xf32>
      %broadcast_in_dim3A_1110 = vector.shape_cast %select_n3A_95 : vector<16xi32> to vector<16x1xi32>
      %gather3A_1111 = vector.shape_cast %broadcast_in_dim3A_1110 : vector<16x1xi32> to vector<16xi32>
      %gather3A_1112 = tpu.dynamic_gather %max3A_1109[%gather3A_1111] in [0] : vector<16xf32>, vector<16xi32> -> vector<16xf32>
      %max3A_1113 = arith.maximumf %max3A_1109, %gather3A_1112 : vector<16xf32>
      %eq3A_1114 = arith.cmpf oeq, %get3A_1090, %max3A_1113 : vector<16xf32>
      %jit3A_1115 = arith.constant 16 : i32
      %broadcast_in_dim3A_1116 = vector.broadcast %jit3A_1115 : i32 to vector<16xi32>
      %select_n3A_1117 = arith.select %eq3A_1114, %iota3A, %broadcast_in_dim3A_1116 : vector<16xi1>, vector<16xi32>
      %broadcast_in_dim3A_1118 = vector.shape_cast %select_n3A_20 : vector<16xi32> to vector<16x1xi32>
      %gather3A_1119 = vector.shape_cast %broadcast_in_dim3A_1118 : vector<16x1xi32> to vector<16xi32>
      %gather3A_1120 = tpu.dynamic_gather %select_n3A_1117[%gather3A_1119] in [0] : vector<16xi32>, vector<16xi32> -> vector<16xi32>
      %min3A_1121 = arith.minsi %select_n3A_1117, %gather3A_1120 : vector<16xi32>
      %broadcast_in_dim3A_1122 = vector.shape_cast %select_n3A_45 : vector<16xi32> to vector<16x1xi32>
      %gather3A_1123 = vector.shape_cast %broadcast_in_dim3A_1122 : vector<16x1xi32> to vector<16xi32>
      %gather3A_1124 = tpu.dynamic_gather %min3A_1121[%gather3A_1123] in [0] : vector<16xi32>, vector<16xi32> -> vector<16xi32>
      %min3A_1125 = arith.minsi %min3A_1121, %gather3A_1124 : vector<16xi32>
      %broadcast_in_dim3A_1126 = vector.shape_cast %select_n3A_70 : vector<16xi32> to vector<16x1xi32>
      %gather3A_1127 = vector.shape_cast %broadcast_in_dim3A_1126 : vector<16x1xi32> to vector<16xi32>
      %gather3A_1128 = tpu.dynamic_gather %min3A_1125[%gather3A_1127] in [0] : vector<16xi32>, vector<16xi32> -> vector<16xi32>
      %min3A_1129 = arith.minsi %min3A_1125, %gather3A_1128 : vector<16xi32>
      %broadcast_in_dim3A_1130 = vector.shape_cast %select_n3A_95 : vector<16xi32> to vector<16x1xi32>
      %gather3A_1131 = vector.shape_cast %broadcast_in_dim3A_1130 : vector<16x1xi32> to vector<16xi32>
      %gather3A_1132 = tpu.dynamic_gather %min3A_1129[%gather3A_1131] in [0] : vector<16xi32>, vector<16xi32> -> vector<16xi32>
      %min3A_1133 = arith.minsi %min3A_1129, %gather3A_1132 : vector<16xi32>
      %select_n3A_1134 = arith.select %eq3A_98, %max3A_1113, %mul3A_1097 : vector<16xi1>, vector<16xf32>
      %select_n3A_1135 = arith.select %eq3A_98, %min3A_1133, %sub3A : vector<16xi1>, vector<16xi32>
      %eq3A_1136 = arith.cmpi eq, %iota3A, %min3A_1133 : vector<16xi32>
      %jit3A_1137 = arith.constant -1.000000e+30 : f32
      %broadcast_in_dim3A_1138 = vector.broadcast %jit3A_1137 : f32 to vector<16xf32>
      %select_n3A_1139 = arith.select %eq3A_1136, %broadcast_in_dim3A_1138, %get3A_1090 : vector<16xi1>, vector<16xf32>
      %broadcast_in_dim3A_1140 = vector.shape_cast %select_n3A_20 : vector<16xi32> to vector<16x1xi32>
      %gather3A_1141 = vector.shape_cast %broadcast_in_dim3A_1140 : vector<16x1xi32> to vector<16xi32>
      %gather3A_1142 = tpu.dynamic_gather %select_n3A_1139[%gather3A_1141] in [0] : vector<16xf32>, vector<16xi32> -> vector<16xf32>
      %max3A_1143 = arith.maximumf %select_n3A_1139, %gather3A_1142 : vector<16xf32>
      %broadcast_in_dim3A_1144 = vector.shape_cast %select_n3A_45 : vector<16xi32> to vector<16x1xi32>
      %gather3A_1145 = vector.shape_cast %broadcast_in_dim3A_1144 : vector<16x1xi32> to vector<16xi32>
      %gather3A_1146 = tpu.dynamic_gather %max3A_1143[%gather3A_1145] in [0] : vector<16xf32>, vector<16xi32> -> vector<16xf32>
      %max3A_1147 = arith.maximumf %max3A_1143, %gather3A_1146 : vector<16xf32>
      %broadcast_in_dim3A_1148 = vector.shape_cast %select_n3A_70 : vector<16xi32> to vector<16x1xi32>
      %gather3A_1149 = vector.shape_cast %broadcast_in_dim3A_1148 : vector<16x1xi32> to vector<16xi32>
      %gather3A_1150 = tpu.dynamic_gather %max3A_1147[%gather3A_1149] in [0] : vector<16xf32>, vector<16xi32> -> vector<16xf32>
      %max3A_1151 = arith.maximumf %max3A_1147, %gather3A_1150 : vector<16xf32>
      %broadcast_in_dim3A_1152 = vector.shape_cast %select_n3A_95 : vector<16xi32> to vector<16x1xi32>
      %gather3A_1153 = vector.shape_cast %broadcast_in_dim3A_1152 : vector<16x1xi32> to vector<16xi32>
      %gather3A_1154 = tpu.dynamic_gather %max3A_1151[%gather3A_1153] in [0] : vector<16xf32>, vector<16xi32> -> vector<16xf32>
      %max3A_1155 = arith.maximumf %max3A_1151, %gather3A_1154 : vector<16xf32>
      %eq3A_1156 = arith.cmpf oeq, %select_n3A_1139, %max3A_1155 : vector<16xf32>
      %jit3A_1157 = arith.constant 16 : i32
      %broadcast_in_dim3A_1158 = vector.broadcast %jit3A_1157 : i32 to vector<16xi32>
      %select_n3A_1159 = arith.select %eq3A_1156, %iota3A, %broadcast_in_dim3A_1158 : vector<16xi1>, vector<16xi32>
      %broadcast_in_dim3A_1160 = vector.shape_cast %select_n3A_20 : vector<16xi32> to vector<16x1xi32>
      %gather3A_1161 = vector.shape_cast %broadcast_in_dim3A_1160 : vector<16x1xi32> to vector<16xi32>
      %gather3A_1162 = tpu.dynamic_gather %select_n3A_1159[%gather3A_1161] in [0] : vector<16xi32>, vector<16xi32> -> vector<16xi32>
      %min3A_1163 = arith.minsi %select_n3A_1159, %gather3A_1162 : vector<16xi32>
      %broadcast_in_dim3A_1164 = vector.shape_cast %select_n3A_45 : vector<16xi32> to vector<16x1xi32>
      %gather3A_1165 = vector.shape_cast %broadcast_in_dim3A_1164 : vector<16x1xi32> to vector<16xi32>
      %gather3A_1166 = tpu.dynamic_gather %min3A_1163[%gather3A_1165] in [0] : vector<16xi32>, vector<16xi32> -> vector<16xi32>
      %min3A_1167 = arith.minsi %min3A_1163, %gather3A_1166 : vector<16xi32>
      %broadcast_in_dim3A_1168 = vector.shape_cast %select_n3A_70 : vector<16xi32> to vector<16x1xi32>
      %gather3A_1169 = vector.shape_cast %broadcast_in_dim3A_1168 : vector<16x1xi32> to vector<16xi32>
      %gather3A_1170 = tpu.dynamic_gather %min3A_1167[%gather3A_1169] in [0] : vector<16xi32>, vector<16xi32> -> vector<16xi32>
      %min3A_1171 = arith.minsi %min3A_1167, %gather3A_1170 : vector<16xi32>
      %broadcast_in_dim3A_1172 = vector.shape_cast %select_n3A_95 : vector<16xi32> to vector<16x1xi32>
      %gather3A_1173 = vector.shape_cast %broadcast_in_dim3A_1172 : vector<16x1xi32> to vector<16xi32>
      %gather3A_1174 = tpu.dynamic_gather %min3A_1171[%gather3A_1173] in [0] : vector<16xi32>, vector<16xi32> -> vector<16xi32>
      %min3A_1175 = arith.minsi %min3A_1171, %gather3A_1174 : vector<16xi32>
      %select_n3A_1176 = arith.select %eq3A_101, %max3A_1155, %select_n3A_1134 : vector<16xi1>, vector<16xf32>
      %select_n3A_1177 = arith.select %eq3A_101, %min3A_1175, %select_n3A_1135 : vector<16xi1>, vector<16xi32>
      %eq3A_1178 = arith.cmpi eq, %iota3A, %min3A_1175 : vector<16xi32>
      %jit3A_1179 = arith.constant -1.000000e+30 : f32
      %broadcast_in_dim3A_1180 = vector.broadcast %jit3A_1179 : f32 to vector<16xf32>
      %select_n3A_1181 = arith.select %eq3A_1178, %broadcast_in_dim3A_1180, %select_n3A_1139 : vector<16xi1>, vector<16xf32>
      %broadcast_in_dim3A_1182 = vector.shape_cast %select_n3A_20 : vector<16xi32> to vector<16x1xi32>
      %gather3A_1183 = vector.shape_cast %broadcast_in_dim3A_1182 : vector<16x1xi32> to vector<16xi32>
      %gather3A_1184 = tpu.dynamic_gather %select_n3A_1181[%gather3A_1183] in [0] : vector<16xf32>, vector<16xi32> -> vector<16xf32>
      %max3A_1185 = arith.maximumf %select_n3A_1181, %gather3A_1184 : vector<16xf32>
      %broadcast_in_dim3A_1186 = vector.shape_cast %select_n3A_45 : vector<16xi32> to vector<16x1xi32>
      %gather3A_1187 = vector.shape_cast %broadcast_in_dim3A_1186 : vector<16x1xi32> to vector<16xi32>
      %gather3A_1188 = tpu.dynamic_gather %max3A_1185[%gather3A_1187] in [0] : vector<16xf32>, vector<16xi32> -> vector<16xf32>
      %max3A_1189 = arith.maximumf %max3A_1185, %gather3A_1188 : vector<16xf32>
      %broadcast_in_dim3A_1190 = vector.shape_cast %select_n3A_70 : vector<16xi32> to vector<16x1xi32>
      %gather3A_1191 = vector.shape_cast %broadcast_in_dim3A_1190 : vector<16x1xi32> to vector<16xi32>
      %gather3A_1192 = tpu.dynamic_gather %max3A_1189[%gather3A_1191] in [0] : vector<16xf32>, vector<16xi32> -> vector<16xf32>
      %max3A_1193 = arith.maximumf %max3A_1189, %gather3A_1192 : vector<16xf32>
      %broadcast_in_dim3A_1194 = vector.shape_cast %select_n3A_95 : vector<16xi32> to vector<16x1xi32>
      %gather3A_1195 = vector.shape_cast %broadcast_in_dim3A_1194 : vector<16x1xi32> to vector<16xi32>
      %gather3A_1196 = tpu.dynamic_gather %max3A_1193[%gather3A_1195] in [0] : vector<16xf32>, vector<16xi32> -> vector<16xf32>
      %max3A_1197 = arith.maximumf %max3A_1193, %gather3A_1196 : vector<16xf32>
      %eq3A_1198 = arith.cmpf oeq, %select_n3A_1181, %max3A_1197 : vector<16xf32>
      %jit3A_1199 = arith.constant 16 : i32
      %broadcast_in_dim3A_1200 = vector.broadcast %jit3A_1199 : i32 to vector<16xi32>
      %select_n3A_1201 = arith.select %eq3A_1198, %iota3A, %broadcast_in_dim3A_1200 : vector<16xi1>, vector<16xi32>
      %broadcast_in_dim3A_1202 = vector.shape_cast %select_n3A_20 : vector<16xi32> to vector<16x1xi32>
      %gather3A_1203 = vector.shape_cast %broadcast_in_dim3A_1202 : vector<16x1xi32> to vector<16xi32>
      %gather3A_1204 = tpu.dynamic_gather %select_n3A_1201[%gather3A_1203] in [0] : vector<16xi32>, vector<16xi32> -> vector<16xi32>
      %min3A_1205 = arith.minsi %select_n3A_1201, %gather3A_1204 : vector<16xi32>
      %broadcast_in_dim3A_1206 = vector.shape_cast %select_n3A_45 : vector<16xi32> to vector<16x1xi32>
      %gather3A_1207 = vector.shape_cast %broadcast_in_dim3A_1206 : vector<16x1xi32> to vector<16xi32>
      %gather3A_1208 = tpu.dynamic_gather %min3A_1205[%gather3A_1207] in [0] : vector<16xi32>, vector<16xi32> -> vector<16xi32>
      %min3A_1209 = arith.minsi %min3A_1205, %gather3A_1208 : vector<16xi32>
      %broadcast_in_dim3A_1210 = vector.shape_cast %select_n3A_70 : vector<16xi32> to vector<16x1xi32>
      %gather3A_1211 = vector.shape_cast %broadcast_in_dim3A_1210 : vector<16x1xi32> to vector<16xi32>
      %gather3A_1212 = tpu.dynamic_gather %min3A_1209[%gather3A_1211] in [0] : vector<16xi32>, vector<16xi32> -> vector<16xi32>
      %min3A_1213 = arith.minsi %min3A_1209, %gather3A_1212 : vector<16xi32>
      %broadcast_in_dim3A_1214 = vector.shape_cast %select_n3A_95 : vector<16xi32> to vector<16x1xi32>
      %gather3A_1215 = vector.shape_cast %broadcast_in_dim3A_1214 : vector<16x1xi32> to vector<16xi32>
      %gather3A_1216 = tpu.dynamic_gather %min3A_1213[%gather3A_1215] in [0] : vector<16xi32>, vector<16xi32> -> vector<16xi32>
      %min3A_1217 = arith.minsi %min3A_1213, %gather3A_1216 : vector<16xi32>
      %select_n3A_1218 = arith.select %eq3A_104, %max3A_1197, %select_n3A_1176 : vector<16xi1>, vector<16xf32>
      %select_n3A_1219 = arith.select %eq3A_104, %min3A_1217, %select_n3A_1177 : vector<16xi1>, vector<16xi32>
      %eq3A_1220 = arith.cmpi eq, %iota3A, %min3A_1217 : vector<16xi32>
      %jit3A_1221 = arith.constant -1.000000e+30 : f32
      %broadcast_in_dim3A_1222 = vector.broadcast %jit3A_1221 : f32 to vector<16xf32>
      %select_n3A_1223 = arith.select %eq3A_1220, %broadcast_in_dim3A_1222, %select_n3A_1181 : vector<16xi1>, vector<16xf32>
      %broadcast_in_dim3A_1224 = vector.shape_cast %select_n3A_20 : vector<16xi32> to vector<16x1xi32>
      %gather3A_1225 = vector.shape_cast %broadcast_in_dim3A_1224 : vector<16x1xi32> to vector<16xi32>
      %gather3A_1226 = tpu.dynamic_gather %select_n3A_1223[%gather3A_1225] in [0] : vector<16xf32>, vector<16xi32> -> vector<16xf32>
      %max3A_1227 = arith.maximumf %select_n3A_1223, %gather3A_1226 : vector<16xf32>
      %broadcast_in_dim3A_1228 = vector.shape_cast %select_n3A_45 : vector<16xi32> to vector<16x1xi32>
      %gather3A_1229 = vector.shape_cast %broadcast_in_dim3A_1228 : vector<16x1xi32> to vector<16xi32>
      %gather3A_1230 = tpu.dynamic_gather %max3A_1227[%gather3A_1229] in [0] : vector<16xf32>, vector<16xi32> -> vector<16xf32>
      %max3A_1231 = arith.maximumf %max3A_1227, %gather3A_1230 : vector<16xf32>
      %broadcast_in_dim3A_1232 = vector.shape_cast %select_n3A_70 : vector<16xi32> to vector<16x1xi32>
      %gather3A_1233 = vector.shape_cast %broadcast_in_dim3A_1232 : vector<16x1xi32> to vector<16xi32>
      %gather3A_1234 = tpu.dynamic_gather %max3A_1231[%gather3A_1233] in [0] : vector<16xf32>, vector<16xi32> -> vector<16xf32>
      %max3A_1235 = arith.maximumf %max3A_1231, %gather3A_1234 : vector<16xf32>
      %broadcast_in_dim3A_1236 = vector.shape_cast %select_n3A_95 : vector<16xi32> to vector<16x1xi32>
      %gather3A_1237 = vector.shape_cast %broadcast_in_dim3A_1236 : vector<16x1xi32> to vector<16xi32>
      %gather3A_1238 = tpu.dynamic_gather %max3A_1235[%gather3A_1237] in [0] : vector<16xf32>, vector<16xi32> -> vector<16xf32>
      %max3A_1239 = arith.maximumf %max3A_1235, %gather3A_1238 : vector<16xf32>
      %eq3A_1240 = arith.cmpf oeq, %select_n3A_1223, %max3A_1239 : vector<16xf32>
      %jit3A_1241 = arith.constant 16 : i32
      %broadcast_in_dim3A_1242 = vector.broadcast %jit3A_1241 : i32 to vector<16xi32>
      %select_n3A_1243 = arith.select %eq3A_1240, %iota3A, %broadcast_in_dim3A_1242 : vector<16xi1>, vector<16xi32>
      %broadcast_in_dim3A_1244 = vector.shape_cast %select_n3A_20 : vector<16xi32> to vector<16x1xi32>
      %gather3A_1245 = vector.shape_cast %broadcast_in_dim3A_1244 : vector<16x1xi32> to vector<16xi32>
      %gather3A_1246 = tpu.dynamic_gather %select_n3A_1243[%gather3A_1245] in [0] : vector<16xi32>, vector<16xi32> -> vector<16xi32>
      %min3A_1247 = arith.minsi %select_n3A_1243, %gather3A_1246 : vector<16xi32>
      %broadcast_in_dim3A_1248 = vector.shape_cast %select_n3A_45 : vector<16xi32> to vector<16x1xi32>
      %gather3A_1249 = vector.shape_cast %broadcast_in_dim3A_1248 : vector<16x1xi32> to vector<16xi32>
      %gather3A_1250 = tpu.dynamic_gather %min3A_1247[%gather3A_1249] in [0] : vector<16xi32>, vector<16xi32> -> vector<16xi32>
      %min3A_1251 = arith.minsi %min3A_1247, %gather3A_1250 : vector<16xi32>
      %broadcast_in_dim3A_1252 = vector.shape_cast %select_n3A_70 : vector<16xi32> to vector<16x1xi32>
      %gather3A_1253 = vector.shape_cast %broadcast_in_dim3A_1252 : vector<16x1xi32> to vector<16xi32>
      %gather3A_1254 = tpu.dynamic_gather %min3A_1251[%gather3A_1253] in [0] : vector<16xi32>, vector<16xi32> -> vector<16xi32>
      %min3A_1255 = arith.minsi %min3A_1251, %gather3A_1254 : vector<16xi32>
      %broadcast_in_dim3A_1256 = vector.shape_cast %select_n3A_95 : vector<16xi32> to vector<16x1xi32>
      %gather3A_1257 = vector.shape_cast %broadcast_in_dim3A_1256 : vector<16x1xi32> to vector<16xi32>
      %gather3A_1258 = tpu.dynamic_gather %min3A_1255[%gather3A_1257] in [0] : vector<16xi32>, vector<16xi32> -> vector<16xi32>
      %min3A_1259 = arith.minsi %min3A_1255, %gather3A_1258 : vector<16xi32>
      %select_n3A_1260 = arith.select %eq3A_107, %max3A_1239, %select_n3A_1218 : vector<16xi1>, vector<16xf32>
      %select_n3A_1261 = arith.select %eq3A_107, %min3A_1259, %select_n3A_1219 : vector<16xi1>, vector<16xi32>
      %eq3A_1262 = arith.cmpi eq, %iota3A, %min3A_1259 : vector<16xi32>
      %jit3A_1263 = arith.constant -1.000000e+30 : f32
      %broadcast_in_dim3A_1264 = vector.broadcast %jit3A_1263 : f32 to vector<16xf32>
      %select_n3A_1265 = arith.select %eq3A_1262, %broadcast_in_dim3A_1264, %select_n3A_1223 : vector<16xi1>, vector<16xf32>
      %mul3A_1266 = arith.mulf %select_n3A_1260, %get3A_1094 : vector<16xf32>
      %swap3A_1267 = arith.index_cast %scan3A_113 : i32 to index
      %swap3A_1268 = arith.constant 80 : index
      %swap3A_1269 = tpu.vector_load %arg8[%swap3A_1267, %swap3A_1268] {strides = array<i32>} : memref<32x128xf32, #tpu.memory_space<vmem>>, vector<1x16xf32>,
      %swap3A_1270 = vector.shape_cast %swap3A_1269 : vector<1x16xf32> to vector<16xf32>
      %swap3A_1271 = vector.shape_cast %mul3A_1266 : vector<16xf32> to vector<1x16xf32>
      tpu.vector_store %arg8[%swap3A_1267, %swap3A_1268], %swap3A_1271 {strides = array<i32>} : memref<32x128xf32, #tpu.memory_space<vmem>>, vector<1x16xf32>,
      %gt3A_1272 = arith.constant 5.000000e-01 : f32
      %gt3A_1273 = vector.broadcast %gt3A_1272 : f32 to vector<16xf32>
      %gt3A_1274 = arith.cmpf ogt, %get3A_1094, %gt3A_1273 : vector<16xf32>
      %jit3A_1275 = arith.constant 0 : i32
      %broadcast_in_dim3A_1276 = vector.broadcast %jit3A_1275 : i32 to vector<16xi32>
      %select_n3A_1277 = arith.select %gt3A_1274, %select_n3A_1261, %broadcast_in_dim3A_1276 : vector<16xi1>, vector<16xi32>
      %swap3A_1278 = arith.index_cast %scan3A_113 : i32 to index
      %swap3A_1279 = arith.constant 80 : index
      %swap3A_1280 = tpu.vector_load %arg9[%swap3A_1278, %swap3A_1279] {strides = array<i32>} : memref<32x128xi32, #tpu.memory_space<vmem>>, vector<1x16xi32>,
      %swap3A_1281 = vector.shape_cast %swap3A_1280 : vector<1x16xi32> to vector<16xi32>
      %swap3A_1282 = vector.shape_cast %select_n3A_1277 : vector<16xi32> to vector<1x16xi32>
      tpu.vector_store %arg9[%swap3A_1278, %swap3A_1279], %swap3A_1282 {strides = array<i32>} : memref<32x128xi32, #tpu.memory_space<vmem>>, vector<1x16xi32>,
      %get3A_1283 = arith.index_cast %scan3A_113 : i32 to index
      %get3A_1284 = arith.constant 96 : index
      %get3A_1285 = tpu.vector_load %arg6[%get3A_1283, %get3A_1284] {strides = array<i32>} : memref<32x128xf32, #tpu.memory_space<vmem>>, vector<1x16xf32>,
      %get3A_1286 = vector.shape_cast %get3A_1285 : vector<1x16xf32> to vector<16xf32>
      %get3A_1287 = arith.index_cast %scan3A_113 : i32 to index
      %get3A_1288 = arith.constant 96 : index
      %get3A_1289 = tpu.vector_load %arg7[%get3A_1287, %get3A_1288] {strides = array<i32>} : memref<32x128xf32, #tpu.memory_space<vmem>>, vector<1x16xf32>,
      %get3A_1290 = vector.shape_cast %get3A_1289 : vector<1x16xf32> to vector<16xf32>
      %mul3A_1291 = arith.constant 0.000000e+00 : f32
      %mul3A_1292 = vector.broadcast %mul3A_1291 : f32 to vector<16xf32>
      %mul3A_1293 = arith.mulf %get3A_1286, %mul3A_1292 : vector<16xf32>
      %broadcast_in_dim3A_1294 = vector.shape_cast %select_n3A_20 : vector<16xi32> to vector<16x1xi32>
      %gather3A_1295 = vector.shape_cast %broadcast_in_dim3A_1294 : vector<16x1xi32> to vector<16xi32>
      %gather3A_1296 = tpu.dynamic_gather %get3A_1286[%gather3A_1295] in [0] : vector<16xf32>, vector<16xi32> -> vector<16xf32>
      %max3A_1297 = arith.maximumf %get3A_1286, %gather3A_1296 : vector<16xf32>
      %broadcast_in_dim3A_1298 = vector.shape_cast %select_n3A_45 : vector<16xi32> to vector<16x1xi32>
      %gather3A_1299 = vector.shape_cast %broadcast_in_dim3A_1298 : vector<16x1xi32> to vector<16xi32>
      %gather3A_1300 = tpu.dynamic_gather %max3A_1297[%gather3A_1299] in [0] : vector<16xf32>, vector<16xi32> -> vector<16xf32>
      %max3A_1301 = arith.maximumf %max3A_1297, %gather3A_1300 : vector<16xf32>
      %broadcast_in_dim3A_1302 = vector.shape_cast %select_n3A_70 : vector<16xi32> to vector<16x1xi32>
      %gather3A_1303 = vector.shape_cast %broadcast_in_dim3A_1302 : vector<16x1xi32> to vector<16xi32>
      %gather3A_1304 = tpu.dynamic_gather %max3A_1301[%gather3A_1303] in [0] : vector<16xf32>, vector<16xi32> -> vector<16xf32>
      %max3A_1305 = arith.maximumf %max3A_1301, %gather3A_1304 : vector<16xf32>
      %broadcast_in_dim3A_1306 = vector.shape_cast %select_n3A_95 : vector<16xi32> to vector<16x1xi32>
      %gather3A_1307 = vector.shape_cast %broadcast_in_dim3A_1306 : vector<16x1xi32> to vector<16xi32>
      %gather3A_1308 = tpu.dynamic_gather %max3A_1305[%gather3A_1307] in [0] : vector<16xf32>, vector<16xi32> -> vector<16xf32>
      %max3A_1309 = arith.maximumf %max3A_1305, %gather3A_1308 : vector<16xf32>
      %eq3A_1310 = arith.cmpf oeq, %get3A_1286, %max3A_1309 : vector<16xf32>
      %jit3A_1311 = arith.constant 16 : i32
      %broadcast_in_dim3A_1312 = vector.broadcast %jit3A_1311 : i32 to vector<16xi32>
      %select_n3A_1313 = arith.select %eq3A_1310, %iota3A, %broadcast_in_dim3A_1312 : vector<16xi1>, vector<16xi32>
      %broadcast_in_dim3A_1314 = vector.shape_cast %select_n3A_20 : vector<16xi32> to vector<16x1xi32>
      %gather3A_1315 = vector.shape_cast %broadcast_in_dim3A_1314 : vector<16x1xi32> to vector<16xi32>
      %gather3A_1316 = tpu.dynamic_gather %select_n3A_1313[%gather3A_1315] in [0] : vector<16xi32>, vector<16xi32> -> vector<16xi32>
      %min3A_1317 = arith.minsi %select_n3A_1313, %gather3A_1316 : vector<16xi32>
      %broadcast_in_dim3A_1318 = vector.shape_cast %select_n3A_45 : vector<16xi32> to vector<16x1xi32>
      %gather3A_1319 = vector.shape_cast %broadcast_in_dim3A_1318 : vector<16x1xi32> to vector<16xi32>
      %gather3A_1320 = tpu.dynamic_gather %min3A_1317[%gather3A_1319] in [0] : vector<16xi32>, vector<16xi32> -> vector<16xi32>
      %min3A_1321 = arith.minsi %min3A_1317, %gather3A_1320 : vector<16xi32>
      %broadcast_in_dim3A_1322 = vector.shape_cast %select_n3A_70 : vector<16xi32> to vector<16x1xi32>
      %gather3A_1323 = vector.shape_cast %broadcast_in_dim3A_1322 : vector<16x1xi32> to vector<16xi32>
      %gather3A_1324 = tpu.dynamic_gather %min3A_1321[%gather3A_1323] in [0] : vector<16xi32>, vector<16xi32> -> vector<16xi32>
      %min3A_1325 = arith.minsi %min3A_1321, %gather3A_1324 : vector<16xi32>
      %broadcast_in_dim3A_1326 = vector.shape_cast %select_n3A_95 : vector<16xi32> to vector<16x1xi32>
      %gather3A_1327 = vector.shape_cast %broadcast_in_dim3A_1326 : vector<16x1xi32> to vector<16xi32>
      %gather3A_1328 = tpu.dynamic_gather %min3A_1325[%gather3A_1327] in [0] : vector<16xi32>, vector<16xi32> -> vector<16xi32>
      %min3A_1329 = arith.minsi %min3A_1325, %gather3A_1328 : vector<16xi32>
      %select_n3A_1330 = arith.select %eq3A_98, %max3A_1309, %mul3A_1293 : vector<16xi1>, vector<16xf32>
      %select_n3A_1331 = arith.select %eq3A_98, %min3A_1329, %sub3A : vector<16xi1>, vector<16xi32>
      %eq3A_1332 = arith.cmpi eq, %iota3A, %min3A_1329 : vector<16xi32>
      %jit3A_1333 = arith.constant -1.000000e+30 : f32
      %broadcast_in_dim3A_1334 = vector.broadcast %jit3A_1333 : f32 to vector<16xf32>
      %select_n3A_1335 = arith.select %eq3A_1332, %broadcast_in_dim3A_1334, %get3A_1286 : vector<16xi1>, vector<16xf32>
      %broadcast_in_dim3A_1336 = vector.shape_cast %select_n3A_20 : vector<16xi32> to vector<16x1xi32>
      %gather3A_1337 = vector.shape_cast %broadcast_in_dim3A_1336 : vector<16x1xi32> to vector<16xi32>
      %gather3A_1338 = tpu.dynamic_gather %select_n3A_1335[%gather3A_1337] in [0] : vector<16xf32>, vector<16xi32> -> vector<16xf32>
      %max3A_1339 = arith.maximumf %select_n3A_1335, %gather3A_1338 : vector<16xf32>
      %broadcast_in_dim3A_1340 = vector.shape_cast %select_n3A_45 : vector<16xi32> to vector<16x1xi32>
      %gather3A_1341 = vector.shape_cast %broadcast_in_dim3A_1340 : vector<16x1xi32> to vector<16xi32>
      %gather3A_1342 = tpu.dynamic_gather %max3A_1339[%gather3A_1341] in [0] : vector<16xf32>, vector<16xi32> -> vector<16xf32>
      %max3A_1343 = arith.maximumf %max3A_1339, %gather3A_1342 : vector<16xf32>
      %broadcast_in_dim3A_1344 = vector.shape_cast %select_n3A_70 : vector<16xi32> to vector<16x1xi32>
      %gather3A_1345 = vector.shape_cast %broadcast_in_dim3A_1344 : vector<16x1xi32> to vector<16xi32>
      %gather3A_1346 = tpu.dynamic_gather %max3A_1343[%gather3A_1345] in [0] : vector<16xf32>, vector<16xi32> -> vector<16xf32>
      %max3A_1347 = arith.maximumf %max3A_1343, %gather3A_1346 : vector<16xf32>
      %broadcast_in_dim3A_1348 = vector.shape_cast %select_n3A_95 : vector<16xi32> to vector<16x1xi32>
      %gather3A_1349 = vector.shape_cast %broadcast_in_dim3A_1348 : vector<16x1xi32> to vector<16xi32>
      %gather3A_1350 = tpu.dynamic_gather %max3A_1347[%gather3A_1349] in [0] : vector<16xf32>, vector<16xi32> -> vector<16xf32>
      %max3A_1351 = arith.maximumf %max3A_1347, %gather3A_1350 : vector<16xf32>
      %eq3A_1352 = arith.cmpf oeq, %select_n3A_1335, %max3A_1351 : vector<16xf32>
      %jit3A_1353 = arith.constant 16 : i32
      %broadcast_in_dim3A_1354 = vector.broadcast %jit3A_1353 : i32 to vector<16xi32>
      %select_n3A_1355 = arith.select %eq3A_1352, %iota3A, %broadcast_in_dim3A_1354 : vector<16xi1>, vector<16xi32>
      %broadcast_in_dim3A_1356 = vector.shape_cast %select_n3A_20 : vector<16xi32> to vector<16x1xi32>
      %gather3A_1357 = vector.shape_cast %broadcast_in_dim3A_1356 : vector<16x1xi32> to vector<16xi32>
      %gather3A_1358 = tpu.dynamic_gather %select_n3A_1355[%gather3A_1357] in [0] : vector<16xi32>, vector<16xi32> -> vector<16xi32>
      %min3A_1359 = arith.minsi %select_n3A_1355, %gather3A_1358 : vector<16xi32>
      %broadcast_in_dim3A_1360 = vector.shape_cast %select_n3A_45 : vector<16xi32> to vector<16x1xi32>
      %gather3A_1361 = vector.shape_cast %broadcast_in_dim3A_1360 : vector<16x1xi32> to vector<16xi32>
      %gather3A_1362 = tpu.dynamic_gather %min3A_1359[%gather3A_1361] in [0] : vector<16xi32>, vector<16xi32> -> vector<16xi32>
      %min3A_1363 = arith.minsi %min3A_1359, %gather3A_1362 : vector<16xi32>
      %broadcast_in_dim3A_1364 = vector.shape_cast %select_n3A_70 : vector<16xi32> to vector<16x1xi32>
      %gather3A_1365 = vector.shape_cast %broadcast_in_dim3A_1364 : vector<16x1xi32> to vector<16xi32>
      %gather3A_1366 = tpu.dynamic_gather %min3A_1363[%gather3A_1365] in [0] : vector<16xi32>, vector<16xi32> -> vector<16xi32>
      %min3A_1367 = arith.minsi %min3A_1363, %gather3A_1366 : vector<16xi32>
      %broadcast_in_dim3A_1368 = vector.shape_cast %select_n3A_95 : vector<16xi32> to vector<16x1xi32>
      %gather3A_1369 = vector.shape_cast %broadcast_in_dim3A_1368 : vector<16x1xi32> to vector<16xi32>
      %gather3A_1370 = tpu.dynamic_gather %min3A_1367[%gather3A_1369] in [0] : vector<16xi32>, vector<16xi32> -> vector<16xi32>
      %min3A_1371 = arith.minsi %min3A_1367, %gather3A_1370 : vector<16xi32>
      %select_n3A_1372 = arith.select %eq3A_101, %max3A_1351, %select_n3A_1330 : vector<16xi1>, vector<16xf32>
      %select_n3A_1373 = arith.select %eq3A_101, %min3A_1371, %select_n3A_1331 : vector<16xi1>, vector<16xi32>
      %eq3A_1374 = arith.cmpi eq, %iota3A, %min3A_1371 : vector<16xi32>
      %jit3A_1375 = arith.constant -1.000000e+30 : f32
      %broadcast_in_dim3A_1376 = vector.broadcast %jit3A_1375 : f32 to vector<16xf32>
      %select_n3A_1377 = arith.select %eq3A_1374, %broadcast_in_dim3A_1376, %select_n3A_1335 : vector<16xi1>, vector<16xf32>
      %broadcast_in_dim3A_1378 = vector.shape_cast %select_n3A_20 : vector<16xi32> to vector<16x1xi32>
      %gather3A_1379 = vector.shape_cast %broadcast_in_dim3A_1378 : vector<16x1xi32> to vector<16xi32>
      %gather3A_1380 = tpu.dynamic_gather %select_n3A_1377[%gather3A_1379] in [0] : vector<16xf32>, vector<16xi32> -> vector<16xf32>
      %max3A_1381 = arith.maximumf %select_n3A_1377, %gather3A_1380 : vector<16xf32>
      %broadcast_in_dim3A_1382 = vector.shape_cast %select_n3A_45 : vector<16xi32> to vector<16x1xi32>
      %gather3A_1383 = vector.shape_cast %broadcast_in_dim3A_1382 : vector<16x1xi32> to vector<16xi32>
      %gather3A_1384 = tpu.dynamic_gather %max3A_1381[%gather3A_1383] in [0] : vector<16xf32>, vector<16xi32> -> vector<16xf32>
      %max3A_1385 = arith.maximumf %max3A_1381, %gather3A_1384 : vector<16xf32>
      %broadcast_in_dim3A_1386 = vector.shape_cast %select_n3A_70 : vector<16xi32> to vector<16x1xi32>
      %gather3A_1387 = vector.shape_cast %broadcast_in_dim3A_1386 : vector<16x1xi32> to vector<16xi32>
      %gather3A_1388 = tpu.dynamic_gather %max3A_1385[%gather3A_1387] in [0] : vector<16xf32>, vector<16xi32> -> vector<16xf32>
      %max3A_1389 = arith.maximumf %max3A_1385, %gather3A_1388 : vector<16xf32>
      %broadcast_in_dim3A_1390 = vector.shape_cast %select_n3A_95 : vector<16xi32> to vector<16x1xi32>
      %gather3A_1391 = vector.shape_cast %broadcast_in_dim3A_1390 : vector<16x1xi32> to vector<16xi32>
      %gather3A_1392 = tpu.dynamic_gather %max3A_1389[%gather3A_1391] in [0] : vector<16xf32>, vector<16xi32> -> vector<16xf32>
      %max3A_1393 = arith.maximumf %max3A_1389, %gather3A_1392 : vector<16xf32>
      %eq3A_1394 = arith.cmpf oeq, %select_n3A_1377, %max3A_1393 : vector<16xf32>
      %jit3A_1395 = arith.constant 16 : i32
      %broadcast_in_dim3A_1396 = vector.broadcast %jit3A_1395 : i32 to vector<16xi32>
      %select_n3A_1397 = arith.select %eq3A_1394, %iota3A, %broadcast_in_dim3A_1396 : vector<16xi1>, vector<16xi32>
      %broadcast_in_dim3A_1398 = vector.shape_cast %select_n3A_20 : vector<16xi32> to vector<16x1xi32>
      %gather3A_1399 = vector.shape_cast %broadcast_in_dim3A_1398 : vector<16x1xi32> to vector<16xi32>
      %gather3A_1400 = tpu.dynamic_gather %select_n3A_1397[%gather3A_1399] in [0] : vector<16xi32>, vector<16xi32> -> vector<16xi32>
      %min3A_1401 = arith.minsi %select_n3A_1397, %gather3A_1400 : vector<16xi32>
      %broadcast_in_dim3A_1402 = vector.shape_cast %select_n3A_45 : vector<16xi32> to vector<16x1xi32>
      %gather3A_1403 = vector.shape_cast %broadcast_in_dim3A_1402 : vector<16x1xi32> to vector<16xi32>
      %gather3A_1404 = tpu.dynamic_gather %min3A_1401[%gather3A_1403] in [0] : vector<16xi32>, vector<16xi32> -> vector<16xi32>
      %min3A_1405 = arith.minsi %min3A_1401, %gather3A_1404 : vector<16xi32>
      %broadcast_in_dim3A_1406 = vector.shape_cast %select_n3A_70 : vector<16xi32> to vector<16x1xi32>
      %gather3A_1407 = vector.shape_cast %broadcast_in_dim3A_1406 : vector<16x1xi32> to vector<16xi32>
      %gather3A_1408 = tpu.dynamic_gather %min3A_1405[%gather3A_1407] in [0] : vector<16xi32>, vector<16xi32> -> vector<16xi32>
      %min3A_1409 = arith.minsi %min3A_1405, %gather3A_1408 : vector<16xi32>
      %broadcast_in_dim3A_1410 = vector.shape_cast %select_n3A_95 : vector<16xi32> to vector<16x1xi32>
      %gather3A_1411 = vector.shape_cast %broadcast_in_dim3A_1410 : vector<16x1xi32> to vector<16xi32>
      %gather3A_1412 = tpu.dynamic_gather %min3A_1409[%gather3A_1411] in [0] : vector<16xi32>, vector<16xi32> -> vector<16xi32>
      %min3A_1413 = arith.minsi %min3A_1409, %gather3A_1412 : vector<16xi32>
      %select_n3A_1414 = arith.select %eq3A_104, %max3A_1393, %select_n3A_1372 : vector<16xi1>, vector<16xf32>
      %select_n3A_1415 = arith.select %eq3A_104, %min3A_1413, %select_n3A_1373 : vector<16xi1>, vector<16xi32>
      %eq3A_1416 = arith.cmpi eq, %iota3A, %min3A_1413 : vector<16xi32>
      %jit3A_1417 = arith.constant -1.000000e+30 : f32
      %broadcast_in_dim3A_1418 = vector.broadcast %jit3A_1417 : f32 to vector<16xf32>
      %select_n3A_1419 = arith.select %eq3A_1416, %broadcast_in_dim3A_1418, %select_n3A_1377 : vector<16xi1>, vector<16xf32>
      %broadcast_in_dim3A_1420 = vector.shape_cast %select_n3A_20 : vector<16xi32> to vector<16x1xi32>
      %gather3A_1421 = vector.shape_cast %broadcast_in_dim3A_1420 : vector<16x1xi32> to vector<16xi32>
      %gather3A_1422 = tpu.dynamic_gather %select_n3A_1419[%gather3A_1421] in [0] : vector<16xf32>, vector<16xi32> -> vector<16xf32>
      %max3A_1423 = arith.maximumf %select_n3A_1419, %gather3A_1422 : vector<16xf32>
      %broadcast_in_dim3A_1424 = vector.shape_cast %select_n3A_45 : vector<16xi32> to vector<16x1xi32>
      %gather3A_1425 = vector.shape_cast %broadcast_in_dim3A_1424 : vector<16x1xi32> to vector<16xi32>
      %gather3A_1426 = tpu.dynamic_gather %max3A_1423[%gather3A_1425] in [0] : vector<16xf32>, vector<16xi32> -> vector<16xf32>
      %max3A_1427 = arith.maximumf %max3A_1423, %gather3A_1426 : vector<16xf32>
      %broadcast_in_dim3A_1428 = vector.shape_cast %select_n3A_70 : vector<16xi32> to vector<16x1xi32>
      %gather3A_1429 = vector.shape_cast %broadcast_in_dim3A_1428 : vector<16x1xi32> to vector<16xi32>
      %gather3A_1430 = tpu.dynamic_gather %max3A_1427[%gather3A_1429] in [0] : vector<16xf32>, vector<16xi32> -> vector<16xf32>
      %max3A_1431 = arith.maximumf %max3A_1427, %gather3A_1430 : vector<16xf32>
      %broadcast_in_dim3A_1432 = vector.shape_cast %select_n3A_95 : vector<16xi32> to vector<16x1xi32>
      %gather3A_1433 = vector.shape_cast %broadcast_in_dim3A_1432 : vector<16x1xi32> to vector<16xi32>
      %gather3A_1434 = tpu.dynamic_gather %max3A_1431[%gather3A_1433] in [0] : vector<16xf32>, vector<16xi32> -> vector<16xf32>
      %max3A_1435 = arith.maximumf %max3A_1431, %gather3A_1434 : vector<16xf32>
      %eq3A_1436 = arith.cmpf oeq, %select_n3A_1419, %max3A_1435 : vector<16xf32>
      %jit3A_1437 = arith.constant 16 : i32
      %broadcast_in_dim3A_1438 = vector.broadcast %jit3A_1437 : i32 to vector<16xi32>
      %select_n3A_1439 = arith.select %eq3A_1436, %iota3A, %broadcast_in_dim3A_1438 : vector<16xi1>, vector<16xi32>
      %broadcast_in_dim3A_1440 = vector.shape_cast %select_n3A_20 : vector<16xi32> to vector<16x1xi32>
      %gather3A_1441 = vector.shape_cast %broadcast_in_dim3A_1440 : vector<16x1xi32> to vector<16xi32>
      %gather3A_1442 = tpu.dynamic_gather %select_n3A_1439[%gather3A_1441] in [0] : vector<16xi32>, vector<16xi32> -> vector<16xi32>
      %min3A_1443 = arith.minsi %select_n3A_1439, %gather3A_1442 : vector<16xi32>
      %broadcast_in_dim3A_1444 = vector.shape_cast %select_n3A_45 : vector<16xi32> to vector<16x1xi32>
      %gather3A_1445 = vector.shape_cast %broadcast_in_dim3A_1444 : vector<16x1xi32> to vector<16xi32>
      %gather3A_1446 = tpu.dynamic_gather %min3A_1443[%gather3A_1445] in [0] : vector<16xi32>, vector<16xi32> -> vector<16xi32>
      %min3A_1447 = arith.minsi %min3A_1443, %gather3A_1446 : vector<16xi32>
      %broadcast_in_dim3A_1448 = vector.shape_cast %select_n3A_70 : vector<16xi32> to vector<16x1xi32>
      %gather3A_1449 = vector.shape_cast %broadcast_in_dim3A_1448 : vector<16x1xi32> to vector<16xi32>
      %gather3A_1450 = tpu.dynamic_gather %min3A_1447[%gather3A_1449] in [0] : vector<16xi32>, vector<16xi32> -> vector<16xi32>
      %min3A_1451 = arith.minsi %min3A_1447, %gather3A_1450 : vector<16xi32>
      %broadcast_in_dim3A_1452 = vector.shape_cast %select_n3A_95 : vector<16xi32> to vector<16x1xi32>
      %gather3A_1453 = vector.shape_cast %broadcast_in_dim3A_1452 : vector<16x1xi32> to vector<16xi32>
      %gather3A_1454 = tpu.dynamic_gather %min3A_1451[%gather3A_1453] in [0] : vector<16xi32>, vector<16xi32> -> vector<16xi32>
      %min3A_1455 = arith.minsi %min3A_1451, %gather3A_1454 : vector<16xi32>
      %select_n3A_1456 = arith.select %eq3A_107, %max3A_1435, %select_n3A_1414 : vector<16xi1>, vector<16xf32>
      %select_n3A_1457 = arith.select %eq3A_107, %min3A_1455, %select_n3A_1415 : vector<16xi1>, vector<16xi32>
      %eq3A_1458 = arith.cmpi eq, %iota3A, %min3A_1455 : vector<16xi32>
      %jit3A_1459 = arith.constant -1.000000e+30 : f32
      %broadcast_in_dim3A_1460 = vector.broadcast %jit3A_1459 : f32 to vector<16xf32>
      %select_n3A_1461 = arith.select %eq3A_1458, %broadcast_in_dim3A_1460, %select_n3A_1419 : vector<16xi1>, vector<16xf32>
      %mul3A_1462 = arith.mulf %select_n3A_1456, %get3A_1290 : vector<16xf32>
      %swap3A_1463 = arith.index_cast %scan3A_113 : i32 to index
      %swap3A_1464 = arith.constant 96 : index
      %swap3A_1465 = tpu.vector_load %arg8[%swap3A_1463, %swap3A_1464] {strides = array<i32>} : memref<32x128xf32, #tpu.memory_space<vmem>>, vector<1x16xf32>,
      %swap3A_1466 = vector.shape_cast %swap3A_1465 : vector<1x16xf32> to vector<16xf32>
      %swap3A_1467 = vector.shape_cast %mul3A_1462 : vector<16xf32> to vector<1x16xf32>
      tpu.vector_store %arg8[%swap3A_1463, %swap3A_1464], %swap3A_1467 {strides = array<i32>} : memref<32x128xf32, #tpu.memory_space<vmem>>, vector<1x16xf32>,
      %gt3A_1468 = arith.constant 5.000000e-01 : f32
      %gt3A_1469 = vector.broadcast %gt3A_1468 : f32 to vector<16xf32>
      %gt3A_1470 = arith.cmpf ogt, %get3A_1290, %gt3A_1469 : vector<16xf32>
      %jit3A_1471 = arith.constant 0 : i32
      %broadcast_in_dim3A_1472 = vector.broadcast %jit3A_1471 : i32 to vector<16xi32>
      %select_n3A_1473 = arith.select %gt3A_1470, %select_n3A_1457, %broadcast_in_dim3A_1472 : vector<16xi1>, vector<16xi32>
      %swap3A_1474 = arith.index_cast %scan3A_113 : i32 to index
      %swap3A_1475 = arith.constant 96 : index
      %swap3A_1476 = tpu.vector_load %arg9[%swap3A_1474, %swap3A_1475] {strides = array<i32>} : memref<32x128xi32, #tpu.memory_space<vmem>>, vector<1x16xi32>,
      %swap3A_1477 = vector.shape_cast %swap3A_1476 : vector<1x16xi32> to vector<16xi32>
      %swap3A_1478 = vector.shape_cast %select_n3A_1473 : vector<16xi32> to vector<1x16xi32>
      tpu.vector_store %arg9[%swap3A_1474, %swap3A_1475], %swap3A_1478 {strides = array<i32>} : memref<32x128xi32, #tpu.memory_space<vmem>>, vector<1x16xi32>,
      %get3A_1479 = arith.index_cast %scan3A_113 : i32 to index
      %get3A_1480 = arith.constant 112 : index
      %get3A_1481 = tpu.vector_load %arg6[%get3A_1479, %get3A_1480] {strides = array<i32>} : memref<32x128xf32, #tpu.memory_space<vmem>>, vector<1x16xf32>,
      %get3A_1482 = vector.shape_cast %get3A_1481 : vector<1x16xf32> to vector<16xf32>
      %get3A_1483 = arith.index_cast %scan3A_113 : i32 to index
      %get3A_1484 = arith.constant 112 : index
      %get3A_1485 = tpu.vector_load %arg7[%get3A_1483, %get3A_1484] {strides = array<i32>} : memref<32x128xf32, #tpu.memory_space<vmem>>, vector<1x16xf32>,
      %get3A_1486 = vector.shape_cast %get3A_1485 : vector<1x16xf32> to vector<16xf32>
      %mul3A_1487 = arith.constant 0.000000e+00 : f32
      %mul3A_1488 = vector.broadcast %mul3A_1487 : f32 to vector<16xf32>
      %mul3A_1489 = arith.mulf %get3A_1482, %mul3A_1488 : vector<16xf32>
      %broadcast_in_dim3A_1490 = vector.shape_cast %select_n3A_20 : vector<16xi32> to vector<16x1xi32>
      %gather3A_1491 = vector.shape_cast %broadcast_in_dim3A_1490 : vector<16x1xi32> to vector<16xi32>
      %gather3A_1492 = tpu.dynamic_gather %get3A_1482[%gather3A_1491] in [0] : vector<16xf32>, vector<16xi32> -> vector<16xf32>
      %max3A_1493 = arith.maximumf %get3A_1482, %gather3A_1492 : vector<16xf32>
      %broadcast_in_dim3A_1494 = vector.shape_cast %select_n3A_45 : vector<16xi32> to vector<16x1xi32>
      %gather3A_1495 = vector.shape_cast %broadcast_in_dim3A_1494 : vector<16x1xi32> to vector<16xi32>
      %gather3A_1496 = tpu.dynamic_gather %max3A_1493[%gather3A_1495] in [0] : vector<16xf32>, vector<16xi32> -> vector<16xf32>
      %max3A_1497 = arith.maximumf %max3A_1493, %gather3A_1496 : vector<16xf32>
      %broadcast_in_dim3A_1498 = vector.shape_cast %select_n3A_70 : vector<16xi32> to vector<16x1xi32>
      %gather3A_1499 = vector.shape_cast %broadcast_in_dim3A_1498 : vector<16x1xi32> to vector<16xi32>
      %gather3A_1500 = tpu.dynamic_gather %max3A_1497[%gather3A_1499] in [0] : vector<16xf32>, vector<16xi32> -> vector<16xf32>
      %max3A_1501 = arith.maximumf %max3A_1497, %gather3A_1500 : vector<16xf32>
      %broadcast_in_dim3A_1502 = vector.shape_cast %select_n3A_95 : vector<16xi32> to vector<16x1xi32>
      %gather3A_1503 = vector.shape_cast %broadcast_in_dim3A_1502 : vector<16x1xi32> to vector<16xi32>
      %gather3A_1504 = tpu.dynamic_gather %max3A_1501[%gather3A_1503] in [0] : vector<16xf32>, vector<16xi32> -> vector<16xf32>
      %max3A_1505 = arith.maximumf %max3A_1501, %gather3A_1504 : vector<16xf32>
      %eq3A_1506 = arith.cmpf oeq, %get3A_1482, %max3A_1505 : vector<16xf32>
      %jit3A_1507 = arith.constant 16 : i32
      %broadcast_in_dim3A_1508 = vector.broadcast %jit3A_1507 : i32 to vector<16xi32>
      %select_n3A_1509 = arith.select %eq3A_1506, %iota3A, %broadcast_in_dim3A_1508 : vector<16xi1>, vector<16xi32>
      %broadcast_in_dim3A_1510 = vector.shape_cast %select_n3A_20 : vector<16xi32> to vector<16x1xi32>
      %gather3A_1511 = vector.shape_cast %broadcast_in_dim3A_1510 : vector<16x1xi32> to vector<16xi32>
      %gather3A_1512 = tpu.dynamic_gather %select_n3A_1509[%gather3A_1511] in [0] : vector<16xi32>, vector<16xi32> -> vector<16xi32>
      %min3A_1513 = arith.minsi %select_n3A_1509, %gather3A_1512 : vector<16xi32>
      %broadcast_in_dim3A_1514 = vector.shape_cast %select_n3A_45 : vector<16xi32> to vector<16x1xi32>
      %gather3A_1515 = vector.shape_cast %broadcast_in_dim3A_1514 : vector<16x1xi32> to vector<16xi32>
      %gather3A_1516 = tpu.dynamic_gather %min3A_1513[%gather3A_1515] in [0] : vector<16xi32>, vector<16xi32> -> vector<16xi32>
      %min3A_1517 = arith.minsi %min3A_1513, %gather3A_1516 : vector<16xi32>
      %broadcast_in_dim3A_1518 = vector.shape_cast %select_n3A_70 : vector<16xi32> to vector<16x1xi32>
      %gather3A_1519 = vector.shape_cast %broadcast_in_dim3A_1518 : vector<16x1xi32> to vector<16xi32>
      %gather3A_1520 = tpu.dynamic_gather %min3A_1517[%gather3A_1519] in [0] : vector<16xi32>, vector<16xi32> -> vector<16xi32>
      %min3A_1521 = arith.minsi %min3A_1517, %gather3A_1520 : vector<16xi32>
      %broadcast_in_dim3A_1522 = vector.shape_cast %select_n3A_95 : vector<16xi32> to vector<16x1xi32>
      %gather3A_1523 = vector.shape_cast %broadcast_in_dim3A_1522 : vector<16x1xi32> to vector<16xi32>
      %gather3A_1524 = tpu.dynamic_gather %min3A_1521[%gather3A_1523] in [0] : vector<16xi32>, vector<16xi32> -> vector<16xi32>
      %min3A_1525 = arith.minsi %min3A_1521, %gather3A_1524 : vector<16xi32>
      %select_n3A_1526 = arith.select %eq3A_98, %max3A_1505, %mul3A_1489 : vector<16xi1>, vector<16xf32>
      %select_n3A_1527 = arith.select %eq3A_98, %min3A_1525, %sub3A : vector<16xi1>, vector<16xi32>
      %eq3A_1528 = arith.cmpi eq, %iota3A, %min3A_1525 : vector<16xi32>
      %jit3A_1529 = arith.constant -1.000000e+30 : f32
      %broadcast_in_dim3A_1530 = vector.broadcast %jit3A_1529 : f32 to vector<16xf32>
      %select_n3A_1531 = arith.select %eq3A_1528, %broadcast_in_dim3A_1530, %get3A_1482 : vector<16xi1>, vector<16xf32>
      %broadcast_in_dim3A_1532 = vector.shape_cast %select_n3A_20 : vector<16xi32> to vector<16x1xi32>
      %gather3A_1533 = vector.shape_cast %broadcast_in_dim3A_1532 : vector<16x1xi32> to vector<16xi32>
      %gather3A_1534 = tpu.dynamic_gather %select_n3A_1531[%gather3A_1533] in [0] : vector<16xf32>, vector<16xi32> -> vector<16xf32>
      %max3A_1535 = arith.maximumf %select_n3A_1531, %gather3A_1534 : vector<16xf32>
      %broadcast_in_dim3A_1536 = vector.shape_cast %select_n3A_45 : vector<16xi32> to vector<16x1xi32>
      %gather3A_1537 = vector.shape_cast %broadcast_in_dim3A_1536 : vector<16x1xi32> to vector<16xi32>
      %gather3A_1538 = tpu.dynamic_gather %max3A_1535[%gather3A_1537] in [0] : vector<16xf32>, vector<16xi32> -> vector<16xf32>
      %max3A_1539 = arith.maximumf %max3A_1535, %gather3A_1538 : vector<16xf32>
      %broadcast_in_dim3A_1540 = vector.shape_cast %select_n3A_70 : vector<16xi32> to vector<16x1xi32>
      %gather3A_1541 = vector.shape_cast %broadcast_in_dim3A_1540 : vector<16x1xi32> to vector<16xi32>
      %gather3A_1542 = tpu.dynamic_gather %max3A_1539[%gather3A_1541] in [0] : vector<16xf32>, vector<16xi32> -> vector<16xf32>
      %max3A_1543 = arith.maximumf %max3A_1539, %gather3A_1542 : vector<16xf32>
      %broadcast_in_dim3A_1544 = vector.shape_cast %select_n3A_95 : vector<16xi32> to vector<16x1xi32>
      %gather3A_1545 = vector.shape_cast %broadcast_in_dim3A_1544 : vector<16x1xi32> to vector<16xi32>
      %gather3A_1546 = tpu.dynamic_gather %max3A_1543[%gather3A_1545] in [0] : vector<16xf32>, vector<16xi32> -> vector<16xf32>
      %max3A_1547 = arith.maximumf %max3A_1543, %gather3A_1546 : vector<16xf32>
      %eq3A_1548 = arith.cmpf oeq, %select_n3A_1531, %max3A_1547 : vector<16xf32>
      %jit3A_1549 = arith.constant 16 : i32
      %broadcast_in_dim3A_1550 = vector.broadcast %jit3A_1549 : i32 to vector<16xi32>
      %select_n3A_1551 = arith.select %eq3A_1548, %iota3A, %broadcast_in_dim3A_1550 : vector<16xi1>, vector<16xi32>
      %broadcast_in_dim3A_1552 = vector.shape_cast %select_n3A_20 : vector<16xi32> to vector<16x1xi32>
      %gather3A_1553 = vector.shape_cast %broadcast_in_dim3A_1552 : vector<16x1xi32> to vector<16xi32>
      %gather3A_1554 = tpu.dynamic_gather %select_n3A_1551[%gather3A_1553] in [0] : vector<16xi32>, vector<16xi32> -> vector<16xi32>
      %min3A_1555 = arith.minsi %select_n3A_1551, %gather3A_1554 : vector<16xi32>
      %broadcast_in_dim3A_1556 = vector.shape_cast %select_n3A_45 : vector<16xi32> to vector<16x1xi32>
      %gather3A_1557 = vector.shape_cast %broadcast_in_dim3A_1556 : vector<16x1xi32> to vector<16xi32>
      %gather3A_1558 = tpu.dynamic_gather %min3A_1555[%gather3A_1557] in [0] : vector<16xi32>, vector<16xi32> -> vector<16xi32>
      %min3A_1559 = arith.minsi %min3A_1555, %gather3A_1558 : vector<16xi32>
      %broadcast_in_dim3A_1560 = vector.shape_cast %select_n3A_70 : vector<16xi32> to vector<16x1xi32>
      %gather3A_1561 = vector.shape_cast %broadcast_in_dim3A_1560 : vector<16x1xi32> to vector<16xi32>
      %gather3A_1562 = tpu.dynamic_gather %min3A_1559[%gather3A_1561] in [0] : vector<16xi32>, vector<16xi32> -> vector<16xi32>
      %min3A_1563 = arith.minsi %min3A_1559, %gather3A_1562 : vector<16xi32>
      %broadcast_in_dim3A_1564 = vector.shape_cast %select_n3A_95 : vector<16xi32> to vector<16x1xi32>
      %gather3A_1565 = vector.shape_cast %broadcast_in_dim3A_1564 : vector<16x1xi32> to vector<16xi32>
      %gather3A_1566 = tpu.dynamic_gather %min3A_1563[%gather3A_1565] in [0] : vector<16xi32>, vector<16xi32> -> vector<16xi32>
      %min3A_1567 = arith.minsi %min3A_1563, %gather3A_1566 : vector<16xi32>
      %select_n3A_1568 = arith.select %eq3A_101, %max3A_1547, %select_n3A_1526 : vector<16xi1>, vector<16xf32>
      %select_n3A_1569 = arith.select %eq3A_101, %min3A_1567, %select_n3A_1527 : vector<16xi1>, vector<16xi32>
      %eq3A_1570 = arith.cmpi eq, %iota3A, %min3A_1567 : vector<16xi32>
      %jit3A_1571 = arith.constant -1.000000e+30 : f32
      %broadcast_in_dim3A_1572 = vector.broadcast %jit3A_1571 : f32 to vector<16xf32>
      %select_n3A_1573 = arith.select %eq3A_1570, %broadcast_in_dim3A_1572, %select_n3A_1531 : vector<16xi1>, vector<16xf32>
      %broadcast_in_dim3A_1574 = vector.shape_cast %select_n3A_20 : vector<16xi32> to vector<16x1xi32>
      %gather3A_1575 = vector.shape_cast %broadcast_in_dim3A_1574 : vector<16x1xi32> to vector<16xi32>
      %gather3A_1576 = tpu.dynamic_gather %select_n3A_1573[%gather3A_1575] in [0] : vector<16xf32>, vector<16xi32> -> vector<16xf32>
      %max3A_1577 = arith.maximumf %select_n3A_1573, %gather3A_1576 : vector<16xf32>
      %broadcast_in_dim3A_1578 = vector.shape_cast %select_n3A_45 : vector<16xi32> to vector<16x1xi32>
      %gather3A_1579 = vector.shape_cast %broadcast_in_dim3A_1578 : vector<16x1xi32> to vector<16xi32>
      %gather3A_1580 = tpu.dynamic_gather %max3A_1577[%gather3A_1579] in [0] : vector<16xf32>, vector<16xi32> -> vector<16xf32>
      %max3A_1581 = arith.maximumf %max3A_1577, %gather3A_1580 : vector<16xf32>
      %broadcast_in_dim3A_1582 = vector.shape_cast %select_n3A_70 : vector<16xi32> to vector<16x1xi32>
      %gather3A_1583 = vector.shape_cast %broadcast_in_dim3A_1582 : vector<16x1xi32> to vector<16xi32>
      %gather3A_1584 = tpu.dynamic_gather %max3A_1581[%gather3A_1583] in [0] : vector<16xf32>, vector<16xi32> -> vector<16xf32>
      %max3A_1585 = arith.maximumf %max3A_1581, %gather3A_1584 : vector<16xf32>
      %broadcast_in_dim3A_1586 = vector.shape_cast %select_n3A_95 : vector<16xi32> to vector<16x1xi32>
      %gather3A_1587 = vector.shape_cast %broadcast_in_dim3A_1586 : vector<16x1xi32> to vector<16xi32>
      %gather3A_1588 = tpu.dynamic_gather %max3A_1585[%gather3A_1587] in [0] : vector<16xf32>, vector<16xi32> -> vector<16xf32>
      %max3A_1589 = arith.maximumf %max3A_1585, %gather3A_1588 : vector<16xf32>
      %eq3A_1590 = arith.cmpf oeq, %select_n3A_1573, %max3A_1589 : vector<16xf32>
      %jit3A_1591 = arith.constant 16 : i32
      %broadcast_in_dim3A_1592 = vector.broadcast %jit3A_1591 : i32 to vector<16xi32>
      %select_n3A_1593 = arith.select %eq3A_1590, %iota3A, %broadcast_in_dim3A_1592 : vector<16xi1>, vector<16xi32>
      %broadcast_in_dim3A_1594 = vector.shape_cast %select_n3A_20 : vector<16xi32> to vector<16x1xi32>
      %gather3A_1595 = vector.shape_cast %broadcast_in_dim3A_1594 : vector<16x1xi32> to vector<16xi32>
      %gather3A_1596 = tpu.dynamic_gather %select_n3A_1593[%gather3A_1595] in [0] : vector<16xi32>, vector<16xi32> -> vector<16xi32>
      %min3A_1597 = arith.minsi %select_n3A_1593, %gather3A_1596 : vector<16xi32>
      %broadcast_in_dim3A_1598 = vector.shape_cast %select_n3A_45 : vector<16xi32> to vector<16x1xi32>
      %gather3A_1599 = vector.shape_cast %broadcast_in_dim3A_1598 : vector<16x1xi32> to vector<16xi32>
      %gather3A_1600 = tpu.dynamic_gather %min3A_1597[%gather3A_1599] in [0] : vector<16xi32>, vector<16xi32> -> vector<16xi32>
      %min3A_1601 = arith.minsi %min3A_1597, %gather3A_1600 : vector<16xi32>
      %broadcast_in_dim3A_1602 = vector.shape_cast %select_n3A_70 : vector<16xi32> to vector<16x1xi32>
      %gather3A_1603 = vector.shape_cast %broadcast_in_dim3A_1602 : vector<16x1xi32> to vector<16xi32>
      %gather3A_1604 = tpu.dynamic_gather %min3A_1601[%gather3A_1603] in [0] : vector<16xi32>, vector<16xi32> -> vector<16xi32>
      %min3A_1605 = arith.minsi %min3A_1601, %gather3A_1604 : vector<16xi32>
      %broadcast_in_dim3A_1606 = vector.shape_cast %select_n3A_95 : vector<16xi32> to vector<16x1xi32>
      %gather3A_1607 = vector.shape_cast %broadcast_in_dim3A_1606 : vector<16x1xi32> to vector<16xi32>
      %gather3A_1608 = tpu.dynamic_gather %min3A_1605[%gather3A_1607] in [0] : vector<16xi32>, vector<16xi32> -> vector<16xi32>
      %min3A_1609 = arith.minsi %min3A_1605, %gather3A_1608 : vector<16xi32>
      %select_n3A_1610 = arith.select %eq3A_104, %max3A_1589, %select_n3A_1568 : vector<16xi1>, vector<16xf32>
      %select_n3A_1611 = arith.select %eq3A_104, %min3A_1609, %select_n3A_1569 : vector<16xi1>, vector<16xi32>
      %eq3A_1612 = arith.cmpi eq, %iota3A, %min3A_1609 : vector<16xi32>
      %jit3A_1613 = arith.constant -1.000000e+30 : f32
      %broadcast_in_dim3A_1614 = vector.broadcast %jit3A_1613 : f32 to vector<16xf32>
      %select_n3A_1615 = arith.select %eq3A_1612, %broadcast_in_dim3A_1614, %select_n3A_1573 : vector<16xi1>, vector<16xf32>
      %broadcast_in_dim3A_1616 = vector.shape_cast %select_n3A_20 : vector<16xi32> to vector<16x1xi32>
      %gather3A_1617 = vector.shape_cast %broadcast_in_dim3A_1616 : vector<16x1xi32> to vector<16xi32>
      %gather3A_1618 = tpu.dynamic_gather %select_n3A_1615[%gather3A_1617] in [0] : vector<16xf32>, vector<16xi32> -> vector<16xf32>
      %max3A_1619 = arith.maximumf %select_n3A_1615, %gather3A_1618 : vector<16xf32>
      %broadcast_in_dim3A_1620 = vector.shape_cast %select_n3A_45 : vector<16xi32> to vector<16x1xi32>
      %gather3A_1621 = vector.shape_cast %broadcast_in_dim3A_1620 : vector<16x1xi32> to vector<16xi32>
      %gather3A_1622 = tpu.dynamic_gather %max3A_1619[%gather3A_1621] in [0] : vector<16xf32>, vector<16xi32> -> vector<16xf32>
      %max3A_1623 = arith.maximumf %max3A_1619, %gather3A_1622 : vector<16xf32>
      %broadcast_in_dim3A_1624 = vector.shape_cast %select_n3A_70 : vector<16xi32> to vector<16x1xi32>
      %gather3A_1625 = vector.shape_cast %broadcast_in_dim3A_1624 : vector<16x1xi32> to vector<16xi32>
      %gather3A_1626 = tpu.dynamic_gather %max3A_1623[%gather3A_1625] in [0] : vector<16xf32>, vector<16xi32> -> vector<16xf32>
      %max3A_1627 = arith.maximumf %max3A_1623, %gather3A_1626 : vector<16xf32>
      %broadcast_in_dim3A_1628 = vector.shape_cast %select_n3A_95 : vector<16xi32> to vector<16x1xi32>
      %gather3A_1629 = vector.shape_cast %broadcast_in_dim3A_1628 : vector<16x1xi32> to vector<16xi32>
      %gather3A_1630 = tpu.dynamic_gather %max3A_1627[%gather3A_1629] in [0] : vector<16xf32>, vector<16xi32> -> vector<16xf32>
      %max3A_1631 = arith.maximumf %max3A_1627, %gather3A_1630 : vector<16xf32>
      %eq3A_1632 = arith.cmpf oeq, %select_n3A_1615, %max3A_1631 : vector<16xf32>
      %jit3A_1633 = arith.constant 16 : i32
      %broadcast_in_dim3A_1634 = vector.broadcast %jit3A_1633 : i32 to vector<16xi32>
      %select_n3A_1635 = arith.select %eq3A_1632, %iota3A, %broadcast_in_dim3A_1634 : vector<16xi1>, vector<16xi32>
      %broadcast_in_dim3A_1636 = vector.shape_cast %select_n3A_20 : vector<16xi32> to vector<16x1xi32>
      %gather3A_1637 = vector.shape_cast %broadcast_in_dim3A_1636 : vector<16x1xi32> to vector<16xi32>
      %gather3A_1638 = tpu.dynamic_gather %select_n3A_1635[%gather3A_1637] in [0] : vector<16xi32>, vector<16xi32> -> vector<16xi32>
      %min3A_1639 = arith.minsi %select_n3A_1635, %gather3A_1638 : vector<16xi32>
      %broadcast_in_dim3A_1640 = vector.shape_cast %select_n3A_45 : vector<16xi32> to vector<16x1xi32>
      %gather3A_1641 = vector.shape_cast %broadcast_in_dim3A_1640 : vector<16x1xi32> to vector<16xi32>
      %gather3A_1642 = tpu.dynamic_gather %min3A_1639[%gather3A_1641] in [0] : vector<16xi32>, vector<16xi32> -> vector<16xi32>
      %min3A_1643 = arith.minsi %min3A_1639, %gather3A_1642 : vector<16xi32>
      %broadcast_in_dim3A_1644 = vector.shape_cast %select_n3A_70 : vector<16xi32> to vector<16x1xi32>
      %gather3A_1645 = vector.shape_cast %broadcast_in_dim3A_1644 : vector<16x1xi32> to vector<16xi32>
      %gather3A_1646 = tpu.dynamic_gather %min3A_1643[%gather3A_1645] in [0] : vector<16xi32>, vector<16xi32> -> vector<16xi32>
      %min3A_1647 = arith.minsi %min3A_1643, %gather3A_1646 : vector<16xi32>
      %broadcast_in_dim3A_1648 = vector.shape_cast %select_n3A_95 : vector<16xi32> to vector<16x1xi32>
      %gather3A_1649 = vector.shape_cast %broadcast_in_dim3A_1648 : vector<16x1xi32> to vector<16xi32>
      %gather3A_1650 = tpu.dynamic_gather %min3A_1647[%gather3A_1649] in [0] : vector<16xi32>, vector<16xi32> -> vector<16xi32>
      %min3A_1651 = arith.minsi %min3A_1647, %gather3A_1650 : vector<16xi32>
      %select_n3A_1652 = arith.select %eq3A_107, %max3A_1631, %select_n3A_1610 : vector<16xi1>, vector<16xf32>
      %select_n3A_1653 = arith.select %eq3A_107, %min3A_1651, %select_n3A_1611 : vector<16xi1>, vector<16xi32>
      %eq3A_1654 = arith.cmpi eq, %iota3A, %min3A_1651 : vector<16xi32>
      %jit3A_1655 = arith.constant -1.000000e+30 : f32
      %broadcast_in_dim3A_1656 = vector.broadcast %jit3A_1655 : f32 to vector<16xf32>
      %select_n3A_1657 = arith.select %eq3A_1654, %broadcast_in_dim3A_1656, %select_n3A_1615 : vector<16xi1>, vector<16xf32>
      %mul3A_1658 = arith.mulf %select_n3A_1652, %get3A_1486 : vector<16xf32>
      %swap3A_1659 = arith.index_cast %scan3A_113 : i32 to index
      %swap3A_1660 = arith.constant 112 : index
      %swap3A_1661 = tpu.vector_load %arg8[%swap3A_1659, %swap3A_1660] {strides = array<i32>} : memref<32x128xf32, #tpu.memory_space<vmem>>, vector<1x16xf32>,
      %swap3A_1662 = vector.shape_cast %swap3A_1661 : vector<1x16xf32> to vector<16xf32>
      %swap3A_1663 = vector.shape_cast %mul3A_1658 : vector<16xf32> to vector<1x16xf32>
      tpu.vector_store %arg8[%swap3A_1659, %swap3A_1660], %swap3A_1663 {strides = array<i32>} : memref<32x128xf32, #tpu.memory_space<vmem>>, vector<1x16xf32>,
      %gt3A_1664 = arith.constant 5.000000e-01 : f32
      %gt3A_1665 = vector.broadcast %gt3A_1664 : f32 to vector<16xf32>
      %gt3A_1666 = arith.cmpf ogt, %get3A_1486, %gt3A_1665 : vector<16xf32>
      %jit3A_1667 = arith.constant 0 : i32
      %broadcast_in_dim3A_1668 = vector.broadcast %jit3A_1667 : i32 to vector<16xi32>
      %select_n3A_1669 = arith.select %gt3A_1666, %select_n3A_1653, %broadcast_in_dim3A_1668 : vector<16xi1>, vector<16xi32>
      %swap3A_1670 = arith.index_cast %scan3A_113 : i32 to index
      %swap3A_1671 = arith.constant 112 : index
      %swap3A_1672 = tpu.vector_load %arg9[%swap3A_1670, %swap3A_1671] {strides = array<i32>} : memref<32x128xi32, #tpu.memory_space<vmem>>, vector<1x16xi32>,
      %swap3A_1673 = vector.shape_cast %swap3A_1672 : vector<1x16xi32> to vector<16xi32>
      %swap3A_1674 = vector.shape_cast %select_n3A_1669 : vector<16xi32> to vector<1x16xi32>
      tpu.vector_store %arg9[%swap3A_1670, %swap3A_1671], %swap3A_1674 {strides = array<i32>} : memref<32x128xi32, #tpu.memory_space<vmem>>, vector<1x16xi32>,
    }
    %scan3A_112 = arith.constant 32 : i32
    "tpu.region"() ({
      %run_scoped3A = tpu.sem_alloc : memref<!tpu.dma_semaphore, #tpu.memory_space<semaphore_mem>>
      %dma_start3A = arith.constant 0 : i32
      %dma_start3A_113 = tpu.memref_slice %arg4[%mul3A_2, %dma_start3A] : memref<1024x128xf32, #tpu.memory_space<hbm>> -> memref<32x128xf32, #tpu.memory_space<hbm>>
      %dma_start3A_114 = arith.constant 0 : i32
      %dma_start3A_115 = tpu.memref_slice %arg4[%mul3A_2, %dma_start3A_114] : memref<1024x128xf32, #tpu.memory_space<hbm>> -> memref<32x128xf32, #tpu.memory_space<hbm>>
      tpu.enqueue_dma source(%arg8 : memref<32x128xf32, #tpu.memory_space<vmem>>) target(%dma_start3A_115 : memref<32x128xf32, #tpu.memory_space<hbm>>) target_semaphore(%run_scoped3A : memref<!tpu.dma_semaphore, #tpu.memory_space<semaphore_mem>>)
      %dma_wait3A = arith.constant 0 : i32
      %dma_wait3A_116 = tpu.memref_slice %arg4[%mul3A_2, %dma_wait3A] : memref<1024x128xf32, #tpu.memory_space<hbm>> -> memref<32x128xf32, #tpu.memory_space<hbm>>
      %dma_wait3A_117 = arith.constant 0 : i32
      %dma_wait3A_118 = tpu.memref_slice %arg4[%mul3A_2, %dma_wait3A_117] : memref<1024x128xf32, #tpu.memory_space<hbm>> -> memref<32x128xf32, #tpu.memory_space<hbm>>
      tpu.wait_dma2 semaphore(%run_scoped3A : memref<!tpu.dma_semaphore, #tpu.memory_space<semaphore_mem>>) src(%arg8 : memref<32x128xf32, #tpu.memory_space<vmem>>) dst(%dma_wait3A_118 : memref<32x128xf32, #tpu.memory_space<hbm>>)
      tpu.yield
    }) : () -> ()
    "tpu.region"() ({
      %run_scoped3A = tpu.sem_alloc : memref<!tpu.dma_semaphore, #tpu.memory_space<semaphore_mem>>
      %dma_start3A = arith.constant 0 : i32
      %dma_start3A_113 = tpu.memref_slice %arg5[%mul3A_2, %dma_start3A] : memref<1024x128xi32, #tpu.memory_space<hbm>> -> memref<32x128xi32, #tpu.memory_space<hbm>>
      %dma_start3A_114 = arith.constant 0 : i32
      %dma_start3A_115 = tpu.memref_slice %arg5[%mul3A_2, %dma_start3A_114] : memref<1024x128xi32, #tpu.memory_space<hbm>> -> memref<32x128xi32, #tpu.memory_space<hbm>>
      tpu.enqueue_dma source(%arg9 : memref<32x128xi32, #tpu.memory_space<vmem>>) target(%dma_start3A_115 : memref<32x128xi32, #tpu.memory_space<hbm>>) target_semaphore(%run_scoped3A : memref<!tpu.dma_semaphore, #tpu.memory_space<semaphore_mem>>)
      %dma_wait3A = arith.constant 0 : i32
      %dma_wait3A_116 = tpu.memref_slice %arg5[%mul3A_2, %dma_wait3A] : memref<1024x128xi32, #tpu.memory_space<hbm>> -> memref<32x128xi32, #tpu.memory_space<hbm>>
      %dma_wait3A_117 = arith.constant 0 : i32
      %dma_wait3A_118 = tpu.memref_slice %arg5[%mul3A_2, %dma_wait3A_117] : memref<1024x128xi32, #tpu.memory_space<hbm>> -> memref<32x128xi32, #tpu.memory_space<hbm>>
      tpu.wait_dma2 semaphore(%run_scoped3A : memref<!tpu.dma_semaphore, #tpu.memory_space<semaphore_mem>>) src(%arg9 : memref<32x128xi32, #tpu.memory_space<vmem>>) dst(%dma_wait3A_118 : memref<32x128xi32, #tpu.memory_space<hbm>>)
      tpu.yield
    }) : () -> ()
    return
  }
}

module attributes {stable_mosaic.version = 14 : i64} {
  func.func @_moe_tc_body(%arg0: i32, %arg1: memref<512x2048xf32, #tpu.memory_space<vmem>>, %arg2: memref<1024x2048xf32, #tpu.memory_space<vmem>>, %arg3: memref<128x2048xf32, #tpu.memory_space<vmem>>, %arg4: memref<1x1024xf32, #tpu.memory_space<vmem>>, %arg5: memref<1x16xf32, #tpu.memory_space<vmem>>, %arg6: memref<128x1024xf32, #tpu.memory_space<vmem>>, %arg7: memref<1x1xf32, #tpu.memory_space<vmem>>, %arg8: memref<512x16xf32, #tpu.memory_space<vmem>>, %arg9: memref<512x16xf32, #tpu.memory_space<vmem>>, %arg10: memref<512x16xf32, #tpu.memory_space<vmem>>, %arg11: memref<512x1xf32, #tpu.memory_space<vmem>>) attributes {dimension_semantics = [#tpu.dimension_semantics<arbitrary>], iteration_bounds = array<i64: 16>, scalar_prefetch = 0 : i64, scratch_operands = 0 : i64, tpu.core_type = #tpu.core_type<tc>, window_params = [{transform_indices = @transform_0, window_bounds = array<i64: 512, 2048>}, {pipeline_mode = #tpu.pipeline_mode<synchronous>, transform_indices = @transform_1, window_bounds = array<i64: 1024, 2048>}, {pipeline_mode = #tpu.pipeline_mode<synchronous>, transform_indices = @transform_2, window_bounds = array<i64: 128, 2048>}, {pipeline_mode = #tpu.pipeline_mode<synchronous>, transform_indices = @transform_3, window_bounds = array<i64: 1, 1024>}, {pipeline_mode = #tpu.pipeline_mode<synchronous>, transform_indices = @transform_4, window_bounds = array<i64: 1, 16>}, {pipeline_mode = #tpu.pipeline_mode<synchronous>, transform_indices = @transform_5, window_bounds = array<i64: 128, 1024>}, {pipeline_mode = #tpu.pipeline_mode<synchronous>, transform_indices = @transform_6, window_bounds = array<i64: 1, 1>}, {transform_indices = @transform_7, window_bounds = array<i64: 512, 16>}, {transform_indices = @transform_8, window_bounds = array<i64: 512, 16>}, {transform_indices = @transform_9, window_bounds = array<i64: 512, 16>}, {transform_indices = @transform_10, window_bounds = array<i64: 512, 1>}]} {
    %get3A = arith.constant 0 : index
    %get3A_0 = arith.constant 0 : index
    %get3A_1 = vector.load %arg1[%get3A, %get3A_0] : memref<512x2048xf32, #tpu.memory_space<vmem>>, vector<512x2048xf32>
    %get3A_2 = arith.constant 0 : index
    %get3A_3 = arith.constant 0 : index
    %get3A_4 = vector.load %arg2[%get3A_2, %get3A_3] : memref<1024x2048xf32, #tpu.memory_space<vmem>>, vector<1024x2048xf32>
    %dot_general3A = arith.constant dense<0.000000e+00> : vector<512x1024xf32>
    %dot_general3A_5 = tpu.matmul %get3A_1, %get3A_4, %dot_general3A {dimension_numbers = #tpu.dot_dimension_numbers<[1], [1], [0], [0], [0, 0, 1, 0], [], []>, transpose_lhs_hint = false} : vector<512x2048xf32>, vector<1024x2048xf32>, vector<512x1024xf32> -> vector<512x1024xf32>
    %get3A_6 = arith.constant 0 : index
    %get3A_7 = arith.constant 0 : index
    %get3A_8 = vector.load %arg4[%get3A_6, %get3A_7] : memref<1x1024xf32, #tpu.memory_space<vmem>>, vector<1x1024xf32>
    %add3A = vector.broadcast %get3A_8 : vector<1x1024xf32> to vector<512x1024xf32>
    %add3A_9 = arith.addf %dot_general3A_5, %add3A : vector<512x1024xf32>
    %max3A = arith.constant 0.000000e+00 : f32
    %max3A_10 = vector.broadcast %max3A : f32 to vector<512x1024xf32>
    %max3A_11 = arith.maximumf %add3A_9, %max3A_10 : vector<512x1024xf32>
    %get3A_12 = arith.constant 0 : index
    %get3A_13 = arith.constant 0 : index
    %get3A_14 = vector.load %arg3[%get3A_12, %get3A_13] : memref<128x2048xf32, #tpu.memory_space<vmem>>, vector<128x2048xf32>
    %dot_general3A_15 = arith.constant dense<0.000000e+00> : vector<512x128xf32>
    %dot_general3A_16 = tpu.matmul %get3A_1, %get3A_14, %dot_general3A_15 {dimension_numbers = #tpu.dot_dimension_numbers<[1], [1], [0], [0], [0, 0, 1, 0], [], []>, transpose_lhs_hint = false} : vector<512x2048xf32>, vector<128x2048xf32>, vector<512x128xf32> -> vector<512x128xf32>
    %slice3A = vector.extract_strided_slice %dot_general3A_16 {offsets = [0, 0], sizes = [512, 16], strides = [1, 1]} : vector<512x128xf32> to vector<512x16xf32>
    %get3A_17 = arith.constant 0 : index
    %get3A_18 = arith.constant 0 : index
    %get3A_19 = vector.load %arg5[%get3A_17, %get3A_18] : memref<1x16xf32, #tpu.memory_space<vmem>>, vector<1x16xf32>
    %add3A_20 = vector.broadcast %get3A_19 : vector<1x16xf32> to vector<512x16xf32>
    %add3A_21 = arith.addf %slice3A, %add3A_20 : vector<512x16xf32>
    %swap3A = arith.constant 0 : index
    %swap3A_22 = arith.constant 0 : index
    %swap3A_23 = vector.load %arg8[%swap3A, %swap3A_22] : memref<512x16xf32, #tpu.memory_space<vmem>>, vector<512x16xf32>
    tpu.vector_store %arg8[%swap3A, %swap3A_22], %add3A_21 {strides = array<i32>} : memref<512x16xf32, #tpu.memory_space<vmem>>, vector<512x16xf32>,
    %reduce_max3A = arith.constant dense<0xFF800000> : vector<512xf32>
    %reduce_max3A_24 = vector.multi_reduction <maximumf>, %add3A_21, %reduce_max3A [1] : vector<512x16xf32> to vector<512xf32>
    %broadcast_in_dim3A = vector.shape_cast %reduce_max3A_24 : vector<512xf32> to vector<512x1xf32>
    %sub3A = vector.broadcast %broadcast_in_dim3A : vector<512x1xf32> to vector<512x16xf32>
    %sub3A_25 = arith.subf %add3A_21, %sub3A : vector<512x16xf32>
    %exp3A = math.exp %sub3A_25 : vector<512x16xf32>
    %reduce_sum3A = arith.constant dense<0.000000e+00> : vector<512xf32>
    %reduce_sum3A_26 = vector.multi_reduction <add>, %exp3A, %reduce_sum3A [1] : vector<512x16xf32> to vector<512xf32>
    %broadcast_in_dim3A_27 = vector.shape_cast %reduce_sum3A_26 : vector<512xf32> to vector<512x1xf32>
    %div3A = vector.broadcast %broadcast_in_dim3A_27 : vector<512x1xf32> to vector<512x16xf32>
    %div3A_28 = arith.divf %exp3A, %div3A : vector<512x16xf32>
    %swap3A_29 = arith.constant 0 : index
    %swap3A_30 = arith.constant 0 : index
    %swap3A_31 = vector.load %arg9[%swap3A_29, %swap3A_30] : memref<512x16xf32, #tpu.memory_space<vmem>>, vector<512x16xf32>
    tpu.vector_store %arg9[%swap3A_29, %swap3A_30], %div3A_28 {strides = array<i32>} : memref<512x16xf32, #tpu.memory_space<vmem>>, vector<512x16xf32>,
    %get3A_32 = arith.constant 0 : index
    %get3A_33 = arith.constant 0 : index
    %get3A_34 = vector.load %arg6[%get3A_32, %get3A_33] : memref<128x1024xf32, #tpu.memory_space<vmem>>, vector<128x1024xf32>
    %dot_general3A_35 = arith.constant dense<0.000000e+00> : vector<512x128xf32>
    %dot_general3A_36 = tpu.matmul %max3A_11, %get3A_34, %dot_general3A_35 {dimension_numbers = #tpu.dot_dimension_numbers<[1], [1], [0], [0], [0, 0, 1, 0], [], []>, transpose_lhs_hint = false} : vector<512x1024xf32>, vector<128x1024xf32>, vector<512x128xf32> -> vector<512x128xf32>
    %slice3A_37 = vector.extract_strided_slice %dot_general3A_36 {offsets = [0, 0], sizes = [512, 1], strides = [1, 1]} : vector<512x128xf32> to vector<512x1xf32>
    %get3A_38 = arith.constant 0 : index
    %get3A_39 = arith.constant 0 : index
    %get3A_40 = vector.load %arg7[%get3A_38, %get3A_39] : memref<1x1xf32, #tpu.memory_space<vmem>>, vector<1x1xf32>
    %add3A_41 = vector.broadcast %get3A_40 : vector<1x1xf32> to vector<512x1xf32>
    %add3A_42 = arith.addf %slice3A_37, %add3A_41 : vector<512x1xf32>
    %logistic3A = arith.negf %add3A_42 : vector<512x1xf32>
    %logistic3A_43 = math.exp %logistic3A : vector<512x1xf32>
    %logistic3A_44 = arith.constant 1.000000e+00 : f32
    %logistic3A_45 = vector.broadcast %logistic3A_44 : f32 to vector<512x1xf32>
    %logistic3A_46 = arith.addf %logistic3A_45, %logistic3A_43 : vector<512x1xf32>
    %logistic3A_47 = arith.divf %logistic3A_45, %logistic3A_46 : vector<512x1xf32>
    %swap3A_48 = arith.constant 0 : index
    %swap3A_49 = arith.constant 0 : index
    %swap3A_50 = vector.load %arg11[%swap3A_48, %swap3A_49] : memref<512x1xf32, #tpu.memory_space<vmem>>, vector<512x1xf32>
    tpu.vector_store %arg11[%swap3A_48, %swap3A_49], %logistic3A_47 {strides = array<i32>} : memref<512x1xf32, #tpu.memory_space<vmem>>, vector<512x1xf32>,
    %sub3A_51 = arith.constant 1.000000e+00 : f32
    %sub3A_52 = vector.broadcast %sub3A_51 : f32 to vector<512x1xf32>
    %sub3A_53 = arith.subf %sub3A_52, %logistic3A_47 : vector<512x1xf32>
    %mul3A = arith.constant 3.000000e+00 : f32
    %mul3A_54 = vector.broadcast %mul3A : f32 to vector<512x1xf32>
    %mul3A_55 = arith.mulf %mul3A_54, %sub3A_53 : vector<512x1xf32>
    %add3A_56 = arith.constant 1.000000e+00 : f32
    %add3A_57 = vector.broadcast %add3A_56 : f32 to vector<512x1xf32>
    %add3A_58 = arith.addf %add3A_57, %mul3A_55 : vector<512x1xf32>
    %round3A = math.roundeven %add3A_58 : vector<512x1xf32>
    %convert_element_type3A = arith.fptosi %round3A : vector<512x1xf32> to vector<512x1xi32>
    %jit3A = arith.constant 1 : i32
    %jit3A_59 = arith.constant 4 : i32
    %max3A_60 = vector.broadcast %jit3A : i32 to vector<512x1xi32>
    %max3A_61 = arith.maxsi %max3A_60, %convert_element_type3A : vector<512x1xi32>
    %min3A = vector.broadcast %jit3A_59 : i32 to vector<512x1xi32>
    %min3A_62 = arith.minsi %min3A, %max3A_61 : vector<512x1xi32>
    %iota3A = tpu.iota {dimensions = array<i32: 1>} : vector<512x16xi32>
    %lt3A = vector.broadcast %min3A_62 : vector<512x1xi32> to vector<512x16xi32>
    %lt3A_63 = arith.cmpi slt, %iota3A, %lt3A : vector<512x16xi32>
    %convert_element_type3A_64 = arith.extui %lt3A_63 : vector<512x16xi1> to vector<512x16xi32>
    %convert_element_type3A_65 = arith.sitofp %convert_element_type3A_64 : vector<512x16xi32> to vector<512x16xf32>
    %swap3A_66 = arith.constant 0 : index
    %swap3A_67 = arith.constant 0 : index
    %swap3A_68 = vector.load %arg10[%swap3A_66, %swap3A_67] : memref<512x16xf32, #tpu.memory_space<vmem>>, vector<512x16xf32>
    tpu.vector_store %arg10[%swap3A_66, %swap3A_67], %convert_element_type3A_65 {strides = array<i32>} : memref<512x16xf32, #tpu.memory_space<vmem>>, vector<512x16xf32>,
    return
  }
  func.func @transform_0(%arg0: i32) -> (i32, i32) {
    %c0_i32 = arith.constant 0 : i32
    %c0_i32_0 = arith.constant 0 : i32
    return %arg0, %c0_i32 : i32, i32
  }
  func.func @transform_1(%arg0: i32) -> (i32, i32) {
    %c0_i32 = arith.constant 0 : i32
    %c0_i32_0 = arith.constant 0 : i32
    %c0_i32_1 = arith.constant 0 : i32
    return %c0_i32, %c0_i32_0 : i32, i32
  }
  func.func @transform_2(%arg0: i32) -> (i32, i32) {
    %c0_i32 = arith.constant 0 : i32
    %c0_i32_0 = arith.constant 0 : i32
    %c0_i32_1 = arith.constant 0 : i32
    return %c0_i32, %c0_i32_0 : i32, i32
  }
  func.func @transform_3(%arg0: i32) -> (i32, i32) {
    %c0_i32 = arith.constant 0 : i32
    %c0_i32_0 = arith.constant 0 : i32
    %c0_i32_1 = arith.constant 0 : i32
    return %c0_i32, %c0_i32_0 : i32, i32
  }
  func.func @transform_4(%arg0: i32) -> (i32, i32) {
    %c0_i32 = arith.constant 0 : i32
    %c0_i32_0 = arith.constant 0 : i32
    %c0_i32_1 = arith.constant 0 : i32
    return %c0_i32, %c0_i32_0 : i32, i32
  }
  func.func @transform_5(%arg0: i32) -> (i32, i32) {
    %c0_i32 = arith.constant 0 : i32
    %c0_i32_0 = arith.constant 0 : i32
    %c0_i32_1 = arith.constant 0 : i32
    return %c0_i32, %c0_i32_0 : i32, i32
  }
  func.func @transform_6(%arg0: i32) -> (i32, i32) {
    %c0_i32 = arith.constant 0 : i32
    %c0_i32_0 = arith.constant 0 : i32
    %c0_i32_1 = arith.constant 0 : i32
    return %c0_i32, %c0_i32_0 : i32, i32
  }
  func.func @transform_7(%arg0: i32) -> (i32, i32) {
    %c0_i32 = arith.constant 0 : i32
    %c0_i32_0 = arith.constant 0 : i32
    return %arg0, %c0_i32 : i32, i32
  }
  func.func @transform_8(%arg0: i32) -> (i32, i32) {
    %c0_i32 = arith.constant 0 : i32
    %c0_i32_0 = arith.constant 0 : i32
    return %arg0, %c0_i32 : i32, i32
  }
  func.func @transform_9(%arg0: i32) -> (i32, i32) {
    %c0_i32 = arith.constant 0 : i32
    %c0_i32_0 = arith.constant 0 : i32
    return %arg0, %c0_i32 : i32, i32
  }
  func.func @transform_10(%arg0: i32) -> (i32, i32) {
    %c0_i32 = arith.constant 0 : i32
    %c0_i32_0 = arith.constant 0 : i32
    return %arg0, %c0_i32 : i32, i32
  }
}

</mosaic_0001>

<sc_bundles>
// kernel: kernel.4.cloned.1.call-start
scs
__scs_entry_jumppad:
0x0: {  	(pc) =	sbr.rel $0x88, $3  }
0x1: {  	(tag) =	ssettag $0x0;
	lr =	simm.s32 $0x1  }
0x2: {  	[smem:$0x3F9A] =	sst lr;
	_ =	strace $0xD0000000  }
0x3: {  	_ = 	snop  }
0x4: {  	_ = 	snop  }
0x5: {  	_ = 	snop  }
0x6: {  	_ = 	snop  }
0x7: {  	_ = 	snop  }
__scs_overlays_trampoline_lowered:
0x8: {  	[smem:$0x3FA9] =	sst s0  }
0x9: {  	[smem:$0x3FAA] =	sst s1  }
0xa: {  	[smem:$0x3FAB] =	sst s2  }
0xb: {  	[smem:$0x3FAC] =	sst s3  }
0xc: {  	[smem:$0x3FAD] =	sst s4  }
0xd: {  	[smem:$0x3FAE] =	sst s5  }
0xe: {  	[smem:$0x3FAF] =	sst s6  }
0xf: {  	[smem:$0x3FB0] =	sst s7  }
0x10: {  	[smem:$0x3FB1] =	sst s8  }
0x11: {  	[smem:$0x3FB2] =	sst s9;
	s0 =	simm.s32 @!p0 $0x0  }
0x12: {  	s1 =	sld [smem:$0x3F98];
	s0 =	simm.s32 @p0 $0x1  }
0x13: {  	[smem:$0x3FB3] =	sst s0;
	s0 =	simm.s32 @!p1 $0x0  }
0x14: {  	s2 =	sld [smem:$0x3F97];
	s0 =	simm.s32 @p1 $0x1  }
0x15: {  	[smem:$0x3FB4] =	sst s0;
	s0 =	simm.s32 @!p2 $0x0  }
0x16: {  	s3 =	sld [smem:$0x3FDB];
	s0 =	simm.s32 @p2 $0x1  }
0x17: {  	s4 =	simm.s32 $0x1BF5;
	[smem:$0x3FB6] =	sst s0  }
0x18: {  	s0 =	sld [smem:$0x3F99];
	_ =	swait.ge [sflag:s4], $0x0  }
0x19: {  	s7 =	sld [smem:$0x3F9A]  }
0x1a: {  	s8 =	sadd.s32 $0xFFFFE003, lr  }
0x1b: {  	s9 =	sadd.s32 $0xFFFFFEF7, lr;
	s5 =	simm.s32 $0xFFFFFFFF;
	p2 =	slt.u32 s8, $0xFFFFF086  }
0x1c: {  	p1 =	slt.u32 s9, $0xF7A;
	s5 =	simm.s32 @!p2 $0x0  }
0x1d: {  	s5 =	simm.s32 @p1 $0x1;
	p0 =	seq.s32 s7, s2  }
0x1e: {  	s7 =	smul.u32 @!p0 $0xF7A, s2;
	p2 =	seq.s32 @!p0 s5, $0x0  }
0x1f: {  	s9 =	smul.u32 $0xF7A, s1;
	s8 =	simm.s32 @!p0 $0x1BF5;
	p2 =	por !p2, p0  }
0x20: {  	[sflag:s8] =	ssyncset.s32 @!p0 $0xFFFFF086;
	s6 =	sadd.s32 @!p0 s3, s7;
	s7 =	simm.s32 @!p0 $0x108  }
0x21: {  	s3 =	sadd.s32 s3, s9;
	s6 =	sadd.s32 @!p0 $0x88, s6;
	s7 =	simm.s32 @p2 $0x1082  }
0x22: {  	[simem:s7], [sflag:s8] =	dma.local @!p0 [hbm:s6], $0xF7A  }
0x23: {  	s9 =	sor.u32 $0xD0000000, s2;
	s6 =	simm.s32 $0x108;
	_ =	swait.ge @!p0 [sflag:s8], $0x0  }
0x24: {  	s3 =	sadd.s32 $0x88, s3;
	s6 =	simm.s32 @!p1 $0x1082;
	[sflag:s4] =	ssyncset.s32 $0xFFFFF086  }
0x25: {  	[simem:s6], [sflag:s4] =	dma.local [hbm:s3], $0xF7A  }
0x26: {  	[smem:$0x3F9A] =	sst s1;
	(tag) =	ssettag s2;
	_ =	strace s9  }
0x27: {  	s1 =	sld [smem:$0x3FAA]  }
0x28: {  	s2 =	sld [smem:$0x3FAB]  }
0x29: {  	s4 =	sld [smem:$0x3FAD]  }
0x2a: {  	p0 =	seq.s32 s5, $0x0;
	s5 =	sld [smem:$0x3FAE]  }
0x2b: {  	s6 =	sld [smem:$0x3FAF]  }
0x2c: {  	s7 =	sld [smem:$0x3FB0]  }
0x2d: {  	s3 =	simm.s32 $0x108;
	s8 =	sld [smem:$0x3FB1]  }
0x2e: {  	s3 =	simm.s32 @!p0 $0x1082;
	s9 =	sld [smem:$0x3FB2]  }
0x2f: {  	lr =	sadd.s32 s0, s3;
	s0 =	sld [smem:$0x3FA9]  }
0x30: {  	s3 =	sld [smem:$0x3FAC]  }
0x31: {  	[smem:$0x3FB5] =	sst s10  }
0x32: {  	s10 =	sld [smem:$0x3FB3];
	_ =	sdelay $0x3  }
0x33: {  	p0 =	seq.s32 s10, $0x1;
	s10 =	sld [smem:$0x3FB5];
	_ =	sdelay $0x3  }
0x34: {  	[smem:$0x3FB5] =	sst s10  }
0x35: {  	s10 =	sld [smem:$0x3FB4];
	_ =	sdelay $0x3  }
0x36: {  	p1 =	seq.s32 s10, $0x1;
	s10 =	sld [smem:$0x3FB5];
	_ =	sdelay $0x3  }
0x37: {  	[smem:$0x3FB5] =	sst s10  }
0x38: {  	s10 =	sld [smem:$0x3FB6]  }
0x39: {  	_ = 	snop;
	(pc) =	sbr.ind lr, $3  }
0x3a: {  	_ = 	snop  }
0x3b: {  	_ = 	snop  }
0x3c: {  	p2 =	seq.s32 s10, $0x1;
	s10 =	sld [smem:$0x3FB5]  }
0x3d: {  	_ =	shalt  }
0x3e: {  	_ =	shalt  }
0x3f: {  	_ =	shalt  }
0x40: {  	_ =	shalt  }
0x41: {  	_ =	shalt  }
0x42: {  	_ =	shalt  }
0x43: {  	_ =	shalt  }
0x44: {  	_ =	shalt  }
0x45: {  	_ =	shalt  }
0x46: {  	_ =	shalt  }
0x47: {  	_ =	shalt  }
0x48: {  	_ =	shalt  }
0x49: {  	_ =	shalt  }
0x4a: {  	_ =	shalt  }
0x4b: {  	_ =	shalt  }
0x4c: {  	_ =	shalt  }
0x4d: {  	_ =	shalt  }
0x4e: {  	_ =	shalt  }
0x4f: {  	_ =	shalt  }
0x50: {  	_ =	shalt  }
0x51: {  	_ =	shalt  }
0x52: {  	_ =	shalt  }
0x53: {  	_ =	shalt  }
0x54: {  	_ =	shalt  }
0x55: {  	_ =	shalt  }
0x56: {  	_ =	shalt  }
0x57: {  	_ =	shalt  }
0x58: {  	_ =	shalt  }
0x59: {  	_ =	shalt  }
0x5a: {  	_ =	shalt  }
0x5b: {  	_ =	shalt  }
0x5c: {  	_ =	shalt  }
0x5d: {  	_ =	shalt  }
0x5e: {  	_ =	shalt  }
0x5f: {  	_ =	shalt  }
0x60: {  	_ =	shalt  }
0x61: {  	_ =	shalt  }
0x62: {  	_ =	shalt  }
0x63: {  	_ =	shalt  }
0x64: {  	_ =	shalt  }
0x65: {  	_ =	shalt  }
0x66: {  	_ =	shalt  }
0x67: {  	_ =	shalt  }
0x68: {  	_ =	shalt  }
0x69: {  	_ =	shalt  }
0x6a: {  	_ =	shalt  }
0x6b: {  	_ =	shalt  }
0x6c: {  	_ =	shalt  }
0x6d: {  	_ =	shalt  }
0x6e: {  	_ =	shalt  }
0x6f: {  	_ =	shalt  }
0x70: {  	_ =	shalt  }
0x71: {  	_ =	shalt  }
0x72: {  	_ =	shalt  }
0x73: {  	_ =	shalt  }
0x74: {  	_ =	shalt  }
0x75: {  	_ =	shalt  }
0x76: {  	_ =	shalt  }
0x77: {  	_ =	shalt  }
0x78: {  	_ =	shalt  }
0x79: {  	_ =	shalt  }
0x7a: {  	_ =	shalt  }
0x7b: {  	_ =	shalt  }
0x7c: {  	_ =	shalt  }
0x7d: {  	_ =	shalt  }
0x7e: {  	_ =	shalt  }
0x7f: {  	_ =	shalt  }
0x80: {  	_ =	shalt  }
0x81: {  	_ =	shalt  }
0x82: {  	_ =	shalt  }
0x83: {  	_ =	shalt  }
0x84: {  	_ =	shalt  }
0x85: {  	_ =	shalt  }
0x86: {  	_ =	shalt  }
0x87: {  	_ =	shalt  }
.Lfunc_end0:
.L_simem_size_0:
called_computation_lowered:
.L_overlay_start_0:
0x88: {  	s2 =	sld [smem:$0x3FD9]  }
0x89: {  	s3 =	sld [smem:$0x3FFE];
	_ =	sdelay $0x1  }
0x8a: {  	s1 =	srdreg.scid  }
0x8b: {  	s0 =	sand.u32 $0x1, s1  }
0x8c: {  	s16 =	sshll.u32 s0, $0xA;
	s2 =	sadd.s32 s3, s2  }
0x8d: {  	s2 =	sadd.s32 s2, s16  }
0x8e: {  	[smem:$0x3FC1] =	sst s2  }
0x8f: {  	_ = 	snop  }
0x90: {  	(tm) =	ssettm $0x1  }
0x91: {  	s17 =	sld [smem:$0x3FFB];
	_ =	sdelay $0x3  }
0x92: {  	_ =	strace s17  }
0x93: {  	s2 =	sld [smem:$0x3FFC];
	_ =	sdelay $0x3  }
0x94: {  	_ =	strace s2  }
0x95: {  	s2 =	sld [smem:$0x3FFD];
	_ =	sdelay $0x3  }
0x96: {  	_ =	strace s2  }
0x97: {  	_ =	strace $0x8FFFFFFF  }
0x98: {  	s18 =	sld [smem:$0x3FDB];
	_ =	sdelay $0x1  }
0x99: {  	s19 =	simm.s32 $_scs_section_size  }
0x9a: {  	s4 =	simm.s32 $_size__tile_overlayer_lowered;
	s5 =	simm.s32 $_tile_overlayer_lowered  }
0x9b: {  	s22 =	simm.s32 $0x1BFF;
	s21 =	sshll.u32 s5, $0x1;
	s2 =	sadd.s32 s19, s18  }
0x9c: {  	s6 =	simm.s32 $0x0;
	s20 =	sshll.u32 s4, $0x1;
	s4 =	sadd.s32 s21, s2  }
0x9d: {  	[timem:s6], [sflag:s22] =	dma.local [hbm:s4], s20  }
0x9e: {  	_ =	swait.ge [sflag:s22], s20  }
0x9f: {  	s3 =	ssub.s32 $0x0, s20;
	[sflag:s22] =	ssyncset.done $0x0  }
0xa0: {  	[sflag:s22] =	ssyncadd.s32 s3;
	_ =	sdelay $0x1  }
0xa1: {  	s23 =	simm.s32 $0x1B8B  }
0xa2: {  	_ =	swait.ge [sflag:s23], $0x1  }
0xa3: {  	[sflag:s23] =	ssyncset.done $0x0  }
0xa4: {  	s25 =	simm.s32 $0x1B8E;
	s24 =	sld [smem:$0x3FFE];
	[sflag:s23] =	ssyncadd.s32 $0xFFFFFFFF  }
0xa5: {  	s26 =	simm.s32 $execute0_lowered;
	[smem:$0x3FD2] =	sst s25  }
0xa6: {  	s4 =	sshll.u32 s26, $0x1;
	_ =	strace $0x80000046;
	[dreg:$0x1] =	wrdreg $0xFFFFFFFF  }
0xa7: {  	s28 =	simm.s32 $_size_execute0_lowered;
	s2 =	sadd.s32 s2, s4;
	[dreg:$0x0] =	wrdreg $0x0  }
0xa8: {  	s4 =	sshll.u32 s28, $0x1;
	[dreg:$0x2] =	wrdreg s2  }
0xa9: {  	[dreg:$0x3] =	wrdreg s4  }
0xaa: {  	[dreg:$0x4] =	wrdreg $0xC0  }
0xab: {  	_ =	task [dreg:s6], $0x5FFFF  }
0xac: {  	[dreg:$0x1] =	wrdreg $0xFFFFFFFF  }
0xad: {  	[dreg:$0x0] =	wrdreg $0x60  }
0xae: {  	[dreg:$0x2] =	wrdreg s24  }
0xaf: {  	[dreg:$0x3] =	wrdreg $0x9  }
0xb0: {  	_ =	task.clear_ibuf [dreg:s6], $0x4FFFF;
	_ =	strace $0x90000046  }
0xb1: {  	s29 =	simm.s32 $0x9;
	_ =	strace $0x80000048  }
0xb2: {  	_ =	swait.ge [sflag:s29], $0x1  }
0xb3: {  	[sflag:s29] =	ssyncadd.s32 $0xFFFFFFFF  }
0xb4: {  	_ =	strace $0x90000048  }
0xb5: {  	_ =	sfence  }
0xb6: {  	s30 =	sld [smem:$0x0];
	_ =	sdelay $0x2  }
0xb7: {  	s31 =	sshll.u32 s1, $0xD;
	s1 =	sshrl.u32 s1, $0x2  }
0xb8: {  	s3 =	sand.u32 $0x4000, s31;
	s1 =	sadd.s32 s1, s30  }
0xb9: {  	s0 =	sor.u32 s3, s0;
	s1 =	sshll.u32 s1, $0x11  }
0xba: {  	s0 =	sor.u32 s1, s0  }
0xbb: {  	s0 =	sadd.s32 $0x8F2B, s0  }
0xbc: {  	[sflag:s0] =	ssyncadd.remote.s32 $0x1  }
0xbd: {  	_ =	sfence.sel $0xFFFF  }
0xbe: {  	[dreg:$0x0] =	wrdreg $0xFFFFFFFF;
	(pc) =	sbr.abs _section_cstart, $3  }
0xbf: {  	[dreg:$0x1] =	wrdreg $0xFFFFFFFF  }
0xc0: {  	_ =	task.clear_ibuf [dreg:s6], $0x2FFFF;
	_ =	strace $0x9FFFFFFF  }
0xc1: {  	(tm) =	ssettm $0x7FFFFFFF  }
tec
execute0_lowered:
.L_overlay_start_1:
0x0: {  	(tag) =	ssettag $0x1  }
0x1: {  	v0 =	vimm.s32 $0x76543210  }
0x2: {  	v1 =	vimm.s32 $0xFEDCBA98;
	v2 =	vimm.s32 $0x3210FEDC;
	v3 =	vimm.s32 $0xBA987654  }
0x3: {  	v4 =	vimm.s32 $0x10FEDCBA;
	v5 =	vimm.s32 $0x98765432;
	v6 =	vimm.s32 $0xFEDCBA9  }
0x4: {  	v7 =	vimm.s32 $0x87654321;
	vm0 =	vmmov $0x1;
	vm1 =	vcmask $0x310  }
0x5: {  	s1 =	srdreg.scid;
	v0 =	vunpack.c.l.s4.s8 v0;
	v1 =	vunpack.c.l.s4.s8 v1;
	v2 =	vunpack.c.l.s4.s8 v2  }
0x6: {  	s3 =	rddreg [dreg:$0x0];
	s0 =	stileid.u32;
	s2 =	simm.s32 $0x0;
	v3 =	vunpack.c.l.s4.s8 v3;
	v4 =	vunpack.c.l.s4.s8 v4;
	v5 =	vunpack.c.l.s4.s8 v5  }
0x7: {  	s8 =	simm.s32 $0x1;
	s9 =	simm.s32 $0x1000;
	s10 =	simm.s32 $0x2000;
	v6 =	vunpack.c.l.s4.s8 v6;
	v7 =	vunpack.c.l.s4.s8 v7;
	v2 =	vunpack.c.0.s8.s32 v2  }
0x8: {  	s11 =	simm.s32 $0x3000;
	s12 =	simm.s32 $0x0;
	s4 =	sand.u32 $0x1, s1;
	v3 =	vunpack.c.0.s8.s32 v3;
	v4 =	vunpack.c.0.s8.s32 v4;
	v5 =	vunpack.c.0.s8.s32 v5  }
0x9: {  	s1 =	rddreg [dreg:$0x1];
	s5 =	sshll.u32 s0, $0xA;
	s6 =	sshll.u32 s4, $0x9;
	v1 =	vunpack.c.0.s8.s32 v1;
	v6 =	vunpack.c.0.s8.s32 v6;
	v7 =	vunpack.c.0.s8.s32 v7  }
0xa: {  	vm2 =	vcmask $0x710;
	[smem:$0x7FF] =	sst s2;
	s4 =	ssub.s32 $0x2, s4;
	s5 =	sor.u32 s6, s5;
	v0 =	vunpack.c.0.s8.s32 v0;
	v2 =	vcombine.low v3, v2  }
0xb: {  	_ =	strace $0x80000047;
	s31 =	sshrl.u32 s4, $0x1;
	s6 =	sadd.s32 s5, s3;
	v3 =	vcombine.low v5, v4;
	v4 =	vcombine.low v7, v6;
	v1 =	vand.u32 $0xF, v1  }
0xc: {  	vm3 =	vcmask $0xB10;
	s7 =	ssub.s32 s4, s31;
	s3 =	sadd.s32 $0xC00, s6;
	s4 =	sadd.s32 $0x4C00, s6;
	v0 =	vcombine.low v1, v0;
	v1 =	vand.u32 $0xF, v2  }
0xd: {  	s5 =	sadd.s32 $0x8C00, s6;
	s6 =	sadd.s32 $0xCC00, s6;
	s7 =	smax.u32 s7, $0x1;
	v2 =	vand.u32 $0xF, v3;
	v3 =	vand.u32 $0xF, v4;
	v4 =	vlaneseq.u32  }
.LBB2_1:
0xe: {  	[tilespmem:s2], [sflag:$0x1] =	stream.linear.gather [hbm4b:s3+s2], $0x1000, $0x38;
	[tilespmem:$0x4000] =	vst v63  }
0xf: {  	_ =	swait.ge [sflag:s8], $0x1000  }
0x10: {  	[sflag:s8] =	ssyncset.done $0x0  }
0x11: {  	[sflag:s8] =	ssyncadd.s32 $0xFFFFF000  }
0x12: {  	[tilespmem:s9], [sflag:$0x1] =	stream.linear.gather [hbm4b:s4+s2], $0x1000, $0x38;
	[tilespmem:$0x4000] =	vst v63  }
0x13: {  	_ =	swait.ge [sflag:s8], $0x1000  }
0x14: {  	[sflag:s8] =	ssyncset.done $0x0  }
0x15: {  	s13 =	simm.s32 $0x0;
	[sflag:s8] =	ssyncadd.s32 $0xFFFFF000  }
0x16: {  	v19 =	vld [tilespmem:s13+$0x70]  }
0x17: {  	v16 =	vld [tilespmem:s13+$0x0]  }
0x18: {  	v15 =	vld [tilespmem:s13+$0x10]  }
0x19: {  	v6 =	vld [tilespmem:s13+$0x20]  }
0x1a: {  	v7 =	vld [tilespmem:s13+$0x30]  }
0x1b: {  	v5 =	vld [tilespmem:s13+$0x40]  }
0x1c: {  	v9 =	vld [tilespmem:s13+$0x60]  }
0x1d: {  	v10 =	vmul.f32 $0.0e+00, v19;
	v11 =	vperm.xlane v19, v0  }
0x1e: {  	v21 =	vmul.f32 $0.0e+00, v16;
	v12 =	vperm.xlane v16, v0  }
0x1f: {  	v17 =	vmul.f32 $0.0e+00, v15;
	v13 =	vperm.xlane v15, v0  }
0x20: {  	v14 =	vperm.xlane v6, v0;
	v22 =	vperm.xlane v7, v0  }
0x21: {  	v8 =	vld [tilespmem:s13+$0x50];
	v23 =	vperm.xlane v5, v0;
	v26 =	vperm.xlane v9, v0  }
0x22: {  	v11 =	vmax.f32 v19, v11;
	v12 =	vmax.f32 v16, v12;
	v13 =	vmax.f32 v15, v13  }
0x23: {  	v14 =	vmax.f32 v6, v14;
	v23 =	vmax.f32 v5, v23;
	v18 =	vperm.xlane v11, v1  }
0x24: {  	v26 =	vmax.f32 v9, v26;
	v20 =	vperm.xlane v12, v1;
	v25 =	vperm.xlane v13, v1  }
0x25: {  	v27 =	vperm.xlane v14, v1;
	v11 =	vmax.f32 v11, v18;
	v18 =	vmax.f32 v7, v22  }
0x26: {  	v22 =	vperm.xlane v8, v0;
	v12 =	vmax.f32 v12, v20;
	v20 =	vperm.xlane v23, v1  }
0x27: {  	v13 =	vmax.f32 v13, v25;
	v25 =	vperm.xlane v26, v1;
	v24 =	vperm.xlane v11, v2  }
0x28: {  	v14 =	vmax.f32 v14, v27;
	v27 =	vperm.xlane v12, v2;
	v22 =	vmax.f32 v8, v22  }
0x29: {  	v20 =	vmax.f32 v23, v20;
	v11 =	vmax.f32 v11, v24;
	v24 =	vperm.xlane v18, v1  }
0x2a: {  	v25 =	vmax.f32 v26, v25;
	v29 =	vperm.xlane v22, v1;
	v28 =	vperm.xlane v11, v3  }
0x2b: {  	v31 =	vperm.xlane v25, v2;
	v12 =	vmax.f32 v12, v27;
	v24 =	vmax.f32 v18, v24  }
0x2c: {  	v22 =	vmax.f32 v22, v29;
	v29 =	vperm.xlane v14, v2;
	v11 =	vmax.f32 v11, v28  }
0x2d: {  	v28 =	vperm.xlane v13, v2;
	v30 =	vperm.xlane v22, v2;
	vm4 =	veq.f32 v19, v11  }
0x2e: {  	v18 =	vsel vm0, v11, v10;
	v10 =	vperm.xlane v24, v2;
	v23 =	vnsel vm4, $0x10, v4  }
0x2f: {  	v25 =	vmax.f32 v25, v31;
	v11 =	vperm.xlane v20, v2;
	v26 =	vperm.xlane v23, v0  }
0x30: {  	v31 =	vperm.xlane v25, v3;
	v13 =	vmax.f32 v13, v28;
	v24 =	vmax.f32 v24, v10  }
0x31: {  	v11 =	vmax.f32 v20, v11;
	v20 =	vmax.f32 v22, v30;
	vm4 =	vlt.s32 v23, v26  }
0x32: {  	v10 =	vperm.xlane v12, v3;
	v22 =	vperm.xlane v13, v3;
	v23 =	vsel vm4, v23, v26  }
0x33: {  	v14 =	vmax.f32 v14, v29;
	v28 =	vperm.xlane v24, v3;
	v26 =	vperm.xlane v23, v1  }
0x34: {  	v30 =	vperm.xlane v20, v3;
	v29 =	vmax.f32 v12, v10;
	v12 =	vperm.xlane v11, v3  }
0x35: {  	v22 =	vmax.f32 v13, v22;
	v13 =	vmax.f32 v24, v28;
	vm4 =	vlt.s32 v23, v26  }
0x36: {  	vm5 =	veq.f32 v15, v22;
	v11 =	vmax.f32 v11, v12;
	v23 =	vsel vm4, v23, v26  }
0x37: {  	v12 =	vmax.f32 v25, v31;
	vm9 =	veq.f32 v5, v11;
	v27 =	vperm.xlane v23, v2  }
0x38: {  	vm8 =	veq.f32 v7, v13;
	vm10 =	veq.f32 v9, v12;
	v28 =	vnsel vm9, $0x10, v4  }
0x39: {  	v31 =	vnsel vm10, $0x10, v4;
	v26 =	vperm.xlane v14, v3;
	vm4 =	vlt.s32 v23, v27  }
0x3a: {  	v36 =	vperm.xlane v28, v0;
	v38 =	vperm.xlane v31, v0;
	v23 =	vsel vm4, v23, v27  }
0x3b: {  	v10 =	vmax.f32 v14, v26;
	v14 =	vmax.f32 v20, v30;
	v24 =	vperm.xlane v23, v3  }
0x3c: {  	v26 =	vnsel vm8, $0x10, v4;
	vm15 =	vlt.s32 v28, v36;
	vm6 =	veq.f32 v6, v10  }
0x3d: {  	v35 =	vperm.xlane v26, v0;
	v28 =	vsel vm15, v28, v36;
	vm7 =	vlt.s32 v23, v24  }
0x3e: {  	v25 =	vnsel vm6, $0x10, v4;
	v47 =	vperm.xlane v28, v1;
	v20 =	vsel vm7, v23, v24  }
0x3f: {  	vm4 =	veq.f32 v16, v29;
	v34 =	vperm.xlane v25, v0;
	vm11 =	veq.s32 v20, v4  }
0x40: {  	v29 =	vsel vm0, v29, v21;
	vm8 =	vlt.s32 v28, v47;
	v19 =	vsel vm11, $0xF149F2CA, v19  }
0x41: {  	vm6 =	vlt.s32 v25, v34;
	v28 =	vsel vm8, v28, v47;
	v27 =	vperm.xlane v19, v0  }
0x42: {  	vm7 =	veq.f32 v8, v14;
	v23 =	vnsel vm4, $0x10, v4;
	v24 =	vnsel vm5, $0x10, v4  }
0x43: {  	v25 =	vsel vm6, v25, v34;
	v54 =	vperm.xlane v28, v2;
	v27 =	vmax.f32 v19, v27  }
0x44: {  	v30 =	vnsel vm7, $0x10, v4;
	v32 =	vperm.xlane v23, v0;
	v21 =	vperm.xlane v27, v1  }
0x45: {  	v33 =	vperm.xlane v24, v0;
	vm7 =	vlt.s32 v26, v35;
	v45 =	vperm.xlane v25, v1  }
0x46: {  	v20 =	vnsel vm0, $0x0, v20;
	v37 =	vperm.xlane v30, v0;
	v21 =	vmax.f32 v27, v21  }
0x47: {  	v26 =	vsel vm7, v26, v35;
	vm8 =	vlt.s32 v28, v54;
	v27 =	vperm.xlane v21, v2  }
0x48: {  	vm4 =	vlt.s32 v23, v32;
	vm5 =	vlt.s32 v24, v33;
	v46 =	vperm.xlane v26, v1  }
0x49: {  	vm6 =	vlt.s32 v25, v45;
	vm12 =	vlt.s32 v30, v37;
	v21 =	vmax.f32 v21, v27  }
0x4a: {  	v23 =	vsel vm4, v23, v32;
	vm4 =	vlt.s32 v31, v38;
	v27 =	vperm.xlane v21, v3  }
0x4b: {  	v24 =	vsel vm5, v24, v33;
	v25 =	vsel vm6, v25, v45;
	v30 =	vsel vm12, v30, v37  }
0x4c: {  	v32 =	vperm.xlane v23, v1;
	v31 =	vsel vm4, v31, v38;
	v21 =	vmax.f32 v21, v27  }
0x4d: {  	vm7 =	vlt.s32 v26, v46;
	v53 =	vperm.xlane v25, v2;
	vm4 =	veq.f32 v19, v21  }
0x4e: {  	v37 =	vperm.xlane v30, v1;
	v39 =	vperm.xlane v31, v1;
	v48 =	vnsel vm4, $0x10, v4  }
0x4f: {  	v26 =	vsel vm7, v26, v46;
	vm7 =	vlt.s32 v25, v53;
	v49 =	vperm.xlane v48, v0  }
0x50: {  	vm14 =	vlt.s32 v30, v37;
	vm15 =	vlt.s32 v31, v39;
	v27 =	vperm.xlane v24, v1  }
0x51: {  	v25 =	vsel vm7, v25, v53;
	v30 =	vsel vm14, v30, v37;
	vm13 =	vlt.s32 v48, v49  }
0x52: {  	v50 =	vsel vm15, v31, v39;
	vm5 =	vlt.s32 v24, v27;
	v36 =	vsel vm13, v48, v49  }
0x53: {  	v31 =	vsel vm0, v22, v17;
	v24 =	vsel vm5, v24, v27;
	v27 =	vperm.xlane v36, v1  }
0x54: {  	v22 =	vperm.xlane v26, v2;
	v57 =	vperm.xlane v25, v3;
	vm4 =	vlt.s32 v23, v32  }
0x55: {  	v23 =	vsel vm4, v23, v32;
	v52 =	vperm.xlane v24, v2;
	vm4 =	vlt.s32 v36, v27  }
0x56: {  	v55 =	vperm.xlane v50, v2;
	v51 =	vperm.xlane v23, v2;
	v27 =	vsel vm4, v36, v27  }
0x57: {  	v37 =	vperm.xlane v30, v2;
	vm6 =	vlt.s32 v24, v52;
	v17 =	vperm.xlane v27, v2  }
0x58: {  	vm12 =	vlt.s32 v50, v55;
	v24 =	vsel vm6, v24, v52;
	vm4 =	vlt.s32 v23, v51  }
0x59: {  	v56 =	vperm.xlane v24, v3;
	v23 =	vsel vm4, v23, v51;
	vm5 =	vlt.s32 v27, v17  }
0x5a: {  	vm4 =	vlt.s32 v30, v37;
	v17 =	vsel vm5, v27, v17;
	vm5 =	vlt.s32 v26, v22  }
0x5b: {  	v27 =	vperm.xlane v17, v3;
	v22 =	vsel vm5, v26, v22;
	v26 =	vsel vm8, v28, v54  }
0x5c: {  	v28 =	vsel vm12, v50, v55;
	vm5 =	vlt.s32 v24, v56;
	v36 =	vperm.xlane v26, v3  }
0x5d: {  	v38 =	vperm.xlane v28, v3;
	v41 =	vsel vm5, v24, v56;
	vm6 =	vlt.s32 v17, v27  }
0x5e: {  	v35 =	vsel vm6, v17, v27;
	v17 =	vsel vm4, v30, v37;
	v30 =	vperm.xlane v23, v3  }
0x5f: {  	v27 =	vsel vm1, v18, v21;
	v21 =	vperm.xlane v22, v3;
	vm6 =	vlt.s32 v25, v57  }
0x60: {  	vm8 =	vlt.s32 v26, v36;
	vm4 =	veq.s32 v35, v4;
	v37 =	vperm.xlane v17, v3  }
0x61: {  	v42 =	vsel vm6, v25, v57;
	v25 =	vsel vm8, v26, v36;
	v20 =	vsel vm1, v20, v35  }
0x62: {  	v19 =	vsel vm4, $0xF149F2CA, v19;
	vm4 =	vlt.s32 v23, v30;
	vm7 =	vlt.s32 v22, v21  }
0x63: {  	vm6 =	veq.s32 v42, v4;
	vm8 =	veq.s32 v25, v4;
	v18 =	vperm.xlane v19, v0  }
0x64: {  	vm13 =	vlt.s32 v17, v37;
	v23 =	vsel vm4, v23, v30;
	vm4 =	vlt.s32 v28, v38  }
0x65: {  	v34 =	vsel vm7, v22, v21;
	v33 =	vsel vm6, $0xF149F2CA, v6;
	v36 =	vsel vm8, $0xF149F2CA, v5  }
0x66: {  	v6 =	vmul.f32 $0.0e+00, v6;
	v5 =	vmul.f32 $0.0e+00, v5;
	v22 =	vsel vm13, v17, v37  }
0x67: {  	vm5 =	veq.s32 v23, v4;
	v21 =	vsel vm4, v28, v38;
	vm4 =	veq.s32 v41, v4  }
0x68: {  	vm7 =	veq.s32 v34, v4;
	v28 =	vperm.xlane v36, v0;
	v18 =	vmax.f32 v19, v18  }
0x69: {  	vm9 =	veq.s32 v22, v4;
	v32 =	vsel vm5, $0xF149F2CA, v16;
	vm5 =	veq.s32 v21, v4  }
0x6a: {  	v38 =	vsel vm4, $0xF149F2CA, v15;
	v39 =	vsel vm7, $0xF149F2CA, v7;
	v58 =	vperm.xlane v18, v1  }
0x6b: {  	v22 =	vnsel vm0, $0x0, v22;
	v21 =	vnsel vm0, $0x0, v21;
	v7 =	vmul.f32 $0.0e+00, v7  }
0x6c: {  	v6 =	vsel vm0, v10, v6;
	v5 =	vsel vm0, v11, v5;
	v18 =	vmax.f32 v18, v58  }
0x6d: {  	v40 =	vsel vm9, $0xF149F2CA, v8;
	v37 =	vsel vm5, $0xF149F2CA, v9;
	v24 =	vperm.xlane v18, v2  }
0x6e: {  	v26 =	vperm.xlane v39, v0;
	v28 =	vmax.f32 v36, v28;
	v8 =	vmul.f32 $0.0e+00, v8  }
0x6f: {  	v9 =	vmul.f32 $0.0e+00, v9;
	v43 =	vperm.xlane v40, v0;
	v17 =	vmax.f32 v18, v24  }
0x70: {  	v48 =	vperm.xlane v28, v1;
	v7 =	vsel vm0, v13, v7;
	v18 =	vperm.xlane v17, v3  }
0x71: {  	v45 =	vmax.f32 v39, v26;
	v26 =	vnsel vm0, $0x0, v41;
	v8 =	vsel vm0, v14, v8  }
0x72: {  	v9 =	vsel vm0, v12, v9;
	v43 =	vmax.f32 v40, v43;
	v30 =	vmax.f32 v17, v18  }
0x73: {  	v61 =	vperm.xlane v45, v1;
	v49 =	vperm.xlane v43, v1;
	vm4 =	veq.f32 v19, v30  }
0x74: {  	v24 =	vnsel vm0, $0x0, v23;
	v23 =	vperm.xlane v33, v0;
	v15 =	vnsel vm4, $0x10, v4  }
0x75: {  	v28 =	vmax.f32 v28, v48;
	v63 =	vmax.f32 v45, v61;
	v16 =	vperm.xlane v15, v0  }
0x76: {  	v43 =	vmax.f32 v43, v49;
	v55 =	vperm.xlane v63, v2;
	v23 =	vmax.f32 v33, v23  }
0x77: {  	v49 =	vperm.xlane v43, v2;
	v17 =	vperm.xlane v32, v0;
	vm4 =	vlt.s32 v15, v16  }
0x78: {  	v18 =	vperm.xlane v38, v0;
	v47 =	vperm.xlane v23, v1;
	v15 =	vsel vm4, v15, v16  }
0x79: {  	v16 =	vmax.f32 v32, v17;
	v17 =	vperm.xlane v37, v0;
	v44 =	vperm.xlane v15, v1  }
0x7a: {  	v41 =	vmax.f32 v63, v55;
	v43 =	vmax.f32 v43, v49;
	v18 =	vmax.f32 v38, v18  }
0x7b: {  	v46 =	vperm.xlane v16, v1;
	v17 =	vmax.f32 v37, v17;
	vm4 =	vlt.s32 v15, v44  }
0x7c: {  	v23 =	vmax.f32 v23, v47;
	v62 =	vperm.xlane v17, v1;
	v15 =	vsel vm4, v15, v44  }
0x7d: {  	v59 =	vperm.xlane v18, v1;
	v16 =	vmax.f32 v16, v46;
	v60 =	vperm.xlane v15, v2  }
0x7e: {  	v49 =	vperm.xlane v43, v3;
	v53 =	vperm.xlane v16, v2;
	v17 =	vmax.f32 v17, v62  }
0x7f: {  	v18 =	vmax.f32 v18, v59;
	v56 =	vperm.xlane v17, v2;
	vm4 =	vlt.s32 v15, v60  }
0x80: {  	v54 =	vperm.xlane v18, v2;
	v16 =	vmax.f32 v16, v53;
	v15 =	vsel vm4, v15, v60  }
0x81: {  	v57 =	vperm.xlane v16, v3;
	v17 =	vmax.f32 v17, v56;
	v52 =	vperm.xlane v15, v3  }
0x82: {  	v47 =	vperm.xlane v23, v2;
	v18 =	vmax.f32 v18, v54;
	v61 =	vperm.xlane v17, v3  }
0x83: {  	v58 =	vperm.xlane v18, v3;
	v46 =	vmax.f32 v16, v57;
	vm4 =	vlt.s32 v15, v52  }
0x84: {  	v16 =	vperm.xlane v41, v3;
	v17 =	vmax.f32 v17, v61;
	v45 =	vsel vm4, v15, v52  }
0x85: {  	v15 =	vperm.xlane v28, v2;
	vm14 =	veq.f32 v37, v17;
	v9 =	vsel vm1, v9, v17  }
0x86: {  	vm4 =	veq.s32 v45, v4;
	v54 =	vnsel vm14, $0x10, v4;
	v20 =	vsel vm2, v20, v45  }
0x87: {  	v45 =	vsel vm1, v29, v46;
	v50 =	vsel vm4, $0xF149F2CA, v19;
	v19 =	vmax.f32 v23, v47  }
0x88: {  	v15 =	vmax.f32 v28, v15;
	v28 =	vnsel vm0, $0x0, v42;
	v23 =	vperm.xlane v50, v0  }
0x89: {  	v42 =	vmax.f32 v18, v58;
	vm4 =	veq.f32 v32, v46;
	v47 =	vperm.xlane v19, v3  }
0x8a: {  	v60 =	vperm.xlane v15, v3;
	vm5 =	veq.f32 v38, v42;
	v23 =	vmax.f32 v50, v23  }
0x8b: {  	v18 =	vmax.f32 v19, v47;
	v19 =	vmax.f32 v41, v16;
	v59 =	vperm.xlane v23, v1  }
0x8c: {  	v15 =	vmax.f32 v15, v60;
	v16 =	vmax.f32 v43, v49;
	v41 =	vnsel vm4, $0x10, v4  }
0x8d: {  	v43 =	vnsel vm5, $0x10, v4;
	vm6 =	veq.f32 v33, v18;
	v23 =	vmax.f32 v23, v59  }
0x8e: {  	vm7 =	veq.f32 v39, v19;
	vm8 =	veq.f32 v36, v15;
	v51 =	vperm.xlane v23, v2  }
0x8f: {  	vm9 =	veq.f32 v40, v16;
	v52 =	vperm.xlane v41, v0;
	v53 =	vperm.xlane v43, v0  }
0x90: {  	v6 =	vsel vm1, v6, v18;
	v7 =	vsel vm1, v7, v19;
	v23 =	vmax.f32 v23, v51  }
0x91: {  	v5 =	vsel vm1, v5, v15;
	v8 =	vsel vm1, v8, v16;
	v62 =	vperm.xlane v23, v3  }
0x92: {  	v44 =	vnsel vm6, $0x10, v4;
	v47 =	vnsel vm7, $0x10, v4;
	v60 =	vnsel vm8, $0x10, v4  }
0x93: {  	v61 =	vnsel vm9, $0x10, v4;
	v55 =	vperm.xlane v44, v0;
	v23 =	vmax.f32 v23, v62  }
0x94: {  	v56 =	vperm.xlane v47, v0;
	v57 =	vperm.xlane v60, v0;
	vm4 =	veq.f32 v50, v23  }
0x95: {  	v58 =	vperm.xlane v61, v0;
	vm5 =	vlt.s32 v43, v53;
	v63 =	vnsel vm4, $0x10, v4  }
0x96: {  	v43 =	vsel vm5, v43, v53;
	vm6 =	vlt.s32 v44, v55;
	v62 =	vperm.xlane v63, v0  }
0x97: {  	vm7 =	vlt.s32 v47, v56;
	vm8 =	vlt.s32 v60, v57;
	vm9 =	vlt.s32 v61, v58  }
0x98: {  	v44 =	vsel vm6, v44, v55;
	v49 =	vsel vm8, v60, v57;
	vm4 =	vlt.s32 v63, v62  }
0x99: {  	v60 =	vperm.xlane v43, v1;
	v55 =	vperm.xlane v44, v1;
	v48 =	vsel vm4, v63, v62  }
0x9a: {  	v47 =	vsel vm7, v47, v56;
	v63 =	vperm.xlane v54, v0;
	v59 =	vperm.xlane v48, v1  }
0x9b: {  	v57 =	vperm.xlane v49, v1;
	v50 =	vsel vm9, v61, v58;
	vm4 =	vlt.s32 v41, v52  }
0x9c: {  	v41 =	vsel vm4, v41, v52;
	vm4 =	vlt.s32 v54, v63;
	vm15 =	vlt.s32 v48, v59  }
0x9d: {  	v61 =	vperm.xlane v47, v1;
	v51 =	vsel vm4, v54, v63;
	v48 =	vsel vm15, v48, v59  }
0x9e: {  	vm6 =	vlt.s32 v43, v60;
	v63 =	vperm.xlane v51, v1;
	v59 =	vperm.xlane v48, v2  }
0x9f: {  	vm8 =	vlt.s32 v49, v57;
	v58 =	vperm.xlane v50, v1;
	vm7 =	vlt.s32 v47, v61  }
0xa0: {  	v53 =	vperm.xlane v41, v1;
	vm12 =	vlt.s32 v51, v63;
	vm4 =	vlt.s32 v48, v59  }
0xa1: {  	v47 =	vsel vm7, v47, v61;
	v61 =	vsel vm12, v51, v63;
	v48 =	vsel vm4, v48, v59  }
0xa2: {  	v63 =	vperm.xlane v47, v2;
	vm4 =	vlt.s32 v41, v53;
	v62 =	vperm.xlane v48, v3  }
0xa3: {  	v35 =	vsel vm4, v41, v53;
	vm4 =	vlt.s32 v50, v58;
	v41 =	vsel vm6, v43, v60  }
0xa4: {  	vm7 =	vlt.s32 v47, v63;
	v60 =	vsel vm4, v50, v58;
	vm5 =	vlt.s32 v48, v62  }
0xa5: {  	v29 =	vperm.xlane v41, v2;
	v58 =	vperm.xlane v61, v2;
	v56 =	vsel vm5, v48, v62  }
0xa6: {  	vm5 =	vlt.s32 v44, v55;
	v48 =	vsel vm8, v49, v57;
	v62 =	vperm.xlane v35, v2  }
0xa7: {  	v57 =	vperm.xlane v60, v2;
	v20 =	vsel vm3, v20, v56;
	v43 =	vsel vm5, v44, v55  }
0xa8: {  	v44 =	vsel vm1, v31, v42;
	v56 =	vperm.xlane v48, v2;
	vm5 =	vlt.s32 v41, v29  }
0xa9: {  	v42 =	vsel vm7, v47, v63;
	v31 =	vperm.xlane v43, v2;
	vm4 =	vlt.s32 v35, v62  }
0xaa: {  	vm13 =	vlt.s32 v60, v57;
	v29 =	vsel vm5, v41, v29;
	v41 =	vnsel vm0, $0x0, v34  }
0xab: {  	vm8 =	vlt.s32 v48, v56;
	v35 =	vsel vm4, v35, v62;
	vm4 =	vlt.s32 v61, v58  }
0xac: {  	v47 =	vsel vm13, v60, v57;
	v60 =	vperm.xlane v29, v3;
	v62 =	vperm.xlane v42, v3  }
0xad: {  	vm6 =	vlt.s32 v43, v31;
	v46 =	vsel vm8, v48, v56;
	v59 =	vperm.xlane v35, v3  }
0xae: {  	v48 =	vsel vm4, v61, v58;
	v52 =	vperm.xlane v47, v3;
	v31 =	vsel vm6, v43, v31  }
0xaf: {  	v63 =	vperm.xlane v46, v3;
	vm5 =	vlt.s32 v29, v60;
	v53 =	vperm.xlane v48, v3  }
0xb0: {  	vm7 =	vlt.s32 v42, v62;
	v61 =	vperm.xlane v31, v3;
	vm4 =	vlt.s32 v35, v59  }
0xb1: {  	v56 =	vsel vm5, v29, v60;
	v43 =	vsel vm7, v42, v62;
	vm8 =	vlt.s32 v46, v63  }
0xb2: {  	v55 =	vsel vm4, v35, v59;
	vm4 =	vlt.s32 v47, v52;
	vm14 =	vlt.s32 v48, v53  }
0xb3: {  	vm5 =	veq.s32 v56, v4;
	vm7 =	veq.s32 v43, v4;
	v41 =	vsel vm1, v41, v43  }
0xb4: {  	vm6 =	vlt.s32 v31, v61;
	v42 =	vsel vm8, v46, v63;
	v35 =	vsel vm4, v47, v52  }
0xb5: {  	v34 =	vsel vm14, v48, v53;
	vm4 =	veq.s32 v55, v4;
	v48 =	vsel vm5, $0xF149F2CA, v38  }
0xb6: {  	v50 =	vsel vm7, $0xF149F2CA, v39;
	v54 =	vsel vm6, v31, v61;
	vm8 =	veq.s32 v42, v4  }
0xb7: {  	vm15 =	veq.s32 v35, v4;
	v47 =	vsel vm4, $0xF149F2CA, v32;
	vm4 =	veq.s32 v34, v4  }
0xb8: {  	v31 =	vperm.xlane v48, v0;
	v59 =	vperm.xlane v50, v0;
	v35 =	vsel vm1, v22, v35  }
0xb9: {  	v21 =	vsel vm1, v21, v34;
	vm6 =	veq.s32 v54, v4;
	v29 =	vperm.xlane v47, v0  }
0xba: {  	v52 =	vsel vm8, $0xF149F2CA, v36;
	v51 =	vsel vm15, $0xF149F2CA, v40;
	v53 =	vsel vm4, $0xF149F2CA, v37  }
0xbb: {  	v49 =	vsel vm6, $0xF149F2CA, v33;
	v36 =	vperm.xlane v52, v0;
	v31 =	vmax.f32 v48, v31  }
0xbc: {  	v60 =	vperm.xlane v51, v0;
	v61 =	vperm.xlane v53, v0;
	v33 =	vmax.f32 v50, v59  }
0xbd: {  	v58 =	vperm.xlane v49, v0;
	v29 =	vmax.f32 v47, v29;
	v63 =	vperm.xlane v31, v1  }
0xbe: {  	v36 =	vmax.f32 v52, v36;
	v62 =	vperm.xlane v29, v1;
	v37 =	vmax.f32 v51, v60  }
0xbf: {  	v38 =	vmax.f32 v53, v61;
	v60 =	vperm.xlane v33, v1;
	v32 =	vmax.f32 v49, v58  }
0xc0: {  	v61 =	vperm.xlane v36, v1;
	v31 =	vmax.f32 v31, v63;
	v63 =	vperm.xlane v38, v1  }
0xc1: {  	v46 =	vperm.xlane v32, v1;
	v29 =	vmax.f32 v29, v62;
	v62 =	vperm.xlane v37, v1  }
0xc2: {  	v33 =	vmax.f32 v33, v60;
	v60 =	vperm.xlane v31, v2;
	v36 =	vmax.f32 v36, v61  }
0xc3: {  	v59 =	vperm.xlane v29, v2;
	v38 =	vmax.f32 v38, v63;
	v61 =	vperm.xlane v33, v2  }
0xc4: {  	v32 =	vmax.f32 v32, v46;
	v37 =	vmax.f32 v37, v62;
	v57 =	vperm.xlane v36, v2  }
0xc5: {  	v31 =	vmax.f32 v31, v60;
	v58 =	vperm.xlane v38, v2;
	v46 =	vperm.xlane v32, v2  }
0xc6: {  	v29 =	vmax.f32 v29, v59;
	v62 =	vperm.xlane v37, v2;
	v39 =	vmax.f32 v33, v61  }
0xc7: {  	v60 =	vperm.xlane v31, v3;
	v33 =	vsel vm2, v27, v30;
	v36 =	vmax.f32 v36, v57  }
0xc8: {  	v63 =	vperm.xlane v29, v3;
	v38 =	vmax.f32 v38, v58;
	v27 =	vperm.xlane v39, v3  }
0xc9: {  	v32 =	vmax.f32 v32, v46;
	v37 =	vmax.f32 v37, v62;
	v40 =	vmax.f32 v31, v60  }
0xca: {  	v58 =	vperm.xlane v38, v3;
	v61 =	vperm.xlane v32, v3;
	v46 =	vmax.f32 v29, v63  }
0xcb: {  	v29 =	vperm.xlane v36, v3;
	v30 =	vperm.xlane v37, v3;
	vm5 =	veq.f32 v48, v40  }
0xcc: {  	v63 =	vnsel vm0, $0x0, v25;
	vm4 =	veq.f32 v47, v46;
	v45 =	vsel vm2, v45, v46  }
0xcd: {  	v42 =	vsel vm1, v63, v42;
	v31 =	vmax.f32 v32, v61;
	v32 =	vmax.f32 v39, v27  }
0xce: {  	v29 =	vmax.f32 v36, v29;
	v30 =	vmax.f32 v37, v30;
	v27 =	vmax.f32 v38, v58  }
0xcf: {  	v36 =	vnsel vm4, $0x10, v4;
	v37 =	vnsel vm5, $0x10, v4;
	vm6 =	veq.f32 v49, v31  }
0xd0: {  	vm7 =	veq.f32 v50, v32;
	vm8 =	veq.f32 v52, v29;
	vm9 =	veq.f32 v51, v30  }
0xd1: {  	vm12 =	veq.f32 v53, v27;
	v58 =	vperm.xlane v36, v0;
	v60 =	vperm.xlane v37, v0  }
0xd2: {  	v6 =	vsel vm2, v6, v31;
	v7 =	vsel vm2, v7, v32;
	v5 =	vsel vm2, v5, v29  }
0xd3: {  	v38 =	vnsel vm6, $0x10, v4;
	v39 =	vnsel vm7, $0x10, v4;
	v57 =	vnsel vm8, $0x10, v4  }
0xd4: {  	v59 =	vnsel vm9, $0x10, v4;
	v61 =	vnsel vm12, $0x10, v4;
	v46 =	vperm.xlane v38, v0  }
0xd5: {  	vm4 =	vlt.s32 v36, v58;
	v62 =	vperm.xlane v39, v0;
	vm5 =	vlt.s32 v37, v60  }
0xd6: {  	v36 =	vsel vm4, v36, v58;
	v58 =	vperm.xlane v57, v0;
	vm4 =	vlt.s32 v38, v46  }
0xd7: {  	v37 =	vsel vm5, v37, v60;
	v60 =	vperm.xlane v59, v0;
	v38 =	vsel vm4, v38, v46  }
0xd8: {  	v46 =	vperm.xlane v61, v0;
	vm4 =	vlt.s32 v39, v62;
	vm5 =	vlt.s32 v57, v58  }
0xd9: {  	vm6 =	vlt.s32 v59, v60;
	v25 =	vsel vm4, v39, v62;
	v39 =	vsel vm5, v57, v58  }
0xda: {  	v57 =	vperm.xlane v36, v1;
	v58 =	vsel vm6, v59, v60;
	vm7 =	vlt.s32 v61, v46  }
0xdb: {  	v60 =	vperm.xlane v37, v1;
	v59 =	vsel vm7, v61, v46;
	v46 =	vsel vm2, v44, v40  }
0xdc: {  	v40 =	vperm.xlane v38, v1;
	vm4 =	vlt.s32 v36, v57;
	v44 =	vperm.xlane v25, v1  }
0xdd: {  	v61 =	vperm.xlane v39, v1;
	vm5 =	vlt.s32 v37, v60;
	v36 =	vsel vm4, v36, v57  }
0xde: {  	v57 =	vperm.xlane v58, v1;
	v37 =	vsel vm5, v37, v60;
	v60 =	vperm.xlane v59, v1  }
0xdf: {  	vm4 =	vlt.s32 v38, v40;
	vm5 =	vlt.s32 v25, v44;
	vm6 =	vlt.s32 v39, v61  }
0xe0: {  	vm7 =	vlt.s32 v58, v57;
	vm13 =	vlt.s32 v59, v60;
	v38 =	vsel vm4, v38, v40  }
0xe1: {  	v25 =	vsel vm5, v25, v44;
	v39 =	vsel vm6, v39, v61;
	v44 =	vsel vm1, v24, v55  }
0xe2: {  	v55 =	vperm.xlane v36, v2;
	v24 =	vsel vm1, v26, v56;
	v40 =	vsel vm7, v58, v57  }
0xe3: {  	v57 =	vsel vm13, v59, v60;
	v58 =	vperm.xlane v37, v2;
	v26 =	vperm.xlane v38, v2  }
0xe4: {  	v56 =	vperm.xlane v25, v2;
	v59 =	vperm.xlane v39, v2;
	vm4 =	vlt.s32 v36, v55  }
0xe5: {  	v60 =	vperm.xlane v40, v2;
	v61 =	vperm.xlane v57, v2;
	vm5 =	vlt.s32 v37, v58  }
0xe6: {  	vm6 =	vlt.s32 v38, v26;
	vm7 =	vlt.s32 v25, v56;
	vm14 =	vlt.s32 v39, v59  }
0xe7: {  	v36 =	vsel vm4, v36, v55;
	vm15 =	vlt.s32 v40, v60;
	v37 =	vsel vm5, v37, v58  }
0xe8: {  	vm4 =	vlt.s32 v57, v61;
	v26 =	vsel vm6, v38, v26;
	v55 =	vsel vm7, v25, v56  }
0xe9: {  	v56 =	vsel vm14, v39, v59;
	v38 =	vperm.xlane v36, v3;
	v25 =	vsel vm1, v28, v54  }
0xea: {  	v58 =	vsel vm15, v40, v60;
	v39 =	vperm.xlane v37, v3;
	v28 =	vperm.xlane v26, v3  }
0xeb: {  	v57 =	vsel vm4, v57, v61;
	v40 =	vperm.xlane v55, v3;
	v59 =	vperm.xlane v56, v3  }
0xec: {  	vm4 =	vlt.s32 v36, v38;
	v60 =	vperm.xlane v58, v3;
	v61 =	vperm.xlane v57, v3  }
0xed: {  	vm5 =	vlt.s32 v37, v39;
	vm6 =	vlt.s32 v26, v28;
	vm7 =	vlt.s32 v55, v40  }
0xee: {  	vm8 =	vlt.s32 v56, v59;
	v54 =	vsel vm4, v36, v38;
	vm4 =	vlt.s32 v58, v60  }
0xef: {  	vm12 =	vlt.s32 v57, v61;
	v38 =	vsel vm5, v37, v39;
	v39 =	vsel vm6, v26, v28  }
0xf0: {  	v40 =	vsel vm7, v55, v40;
	v26 =	vsel vm8, v56, v59;
	v36 =	vsel vm4, v58, v60  }
0xf1: {  	v37 =	vsel vm12, v57, v61;
	vm4 =	veq.s32 v54, v4;
	vm5 =	veq.s32 v38, v4  }
0xf2: {  	vm6 =	veq.s32 v39, v4;
	vm7 =	veq.s32 v40, v4;
	vm8 =	veq.s32 v26, v4  }
0xf3: {  	vm13 =	veq.s32 v36, v4;
	v28 =	vsel vm4, $0xF149F2CA, v47;
	v47 =	vsel vm5, $0xF149F2CA, v48  }
0xf4: {  	vm4 =	veq.s32 v37, v4;
	v48 =	vsel vm6, $0xF149F2CA, v49;
	v49 =	vsel vm7, $0xF149F2CA, v50  }
0xf5: {  	v62 =	vperm.xlane v28, v0;
	v51 =	vsel vm13, $0xF149F2CA, v51;
	v55 =	vperm.xlane v47, v0  }
0xf6: {  	v53 =	vsel vm4, $0xF149F2CA, v53;
	v60 =	vperm.xlane v48, v0;
	v61 =	vperm.xlane v49, v0  }
0xf7: {  	v50 =	vsel vm8, $0xF149F2CA, v52;
	v58 =	vperm.xlane v51, v0;
	v59 =	vperm.xlane v53, v0  }
0xf8: {  	v43 =	vmax.f32 v28, v62;
	v62 =	vperm.xlane v50, v0;
	v55 =	vmax.f32 v47, v55  }
0xf9: {  	v56 =	vmax.f32 v48, v60;
	v52 =	vmax.f32 v49, v61;
	v60 =	vperm.xlane v43, v1  }
0xfa: {  	v58 =	vmax.f32 v51, v58;
	v61 =	vperm.xlane v55, v1;
	v57 =	vmax.f32 v50, v62  }
0xfb: {  	v62 =	vperm.xlane v56, v1;
	v43 =	vmax.f32 v43, v60;
	v60 =	vperm.xlane v52, v1  }
0xfc: {  	v59 =	vmax.f32 v53, v59;
	v55 =	vmax.f32 v55, v61;
	v61 =	vperm.xlane v57, v1  }
0xfd: {  	v56 =	vmax.f32 v56, v62;
	v62 =	vperm.xlane v58, v1;
	v52 =	vmax.f32 v52, v60  }
0xfe: {  	v60 =	vperm.xlane v59, v1;
	v57 =	vmax.f32 v57, v61;
	v61 =	vperm.xlane v43, v2  }
0xff: {  	v8 =	vsel vm2, v8, v30;
	v58 =	vmax.f32 v58, v62;
	v62 =	vperm.xlane v56, v2  }
0x100: {  	v59 =	vmax.f32 v59, v60;
	v60 =	vperm.xlane v55, v2;
	v22 =	vmax.f32 v43, v61  }
0x101: {  	v43 =	vperm.xlane v52, v2;
	v61 =	vperm.xlane v57, v2;
	v56 =	vmax.f32 v56, v62  }
0x102: {  	v62 =	vperm.xlane v59, v2;
	v55 =	vmax.f32 v55, v60;
	v60 =	vperm.xlane v58, v2  }
0x103: {  	v43 =	vmax.f32 v52, v43;
	v52 =	vmax.f32 v57, v61;
	v57 =	vperm.xlane v22, v3  }
0x104: {  	v9 =	vsel vm2, v9, v27;
	v61 =	vperm.xlane v56, v3;
	v59 =	vmax.f32 v59, v62  }
0x105: {  	v58 =	vmax.f32 v58, v60;
	v60 =	vperm.xlane v55, v3;
	v34 =	vmax.f32 v22, v57  }
0x106: {  	v22 =	vperm.xlane v43, v3;
	v57 =	vperm.xlane v52, v3;
	v56 =	vmax.f32 v56, v61  }
0x107: {  	v62 =	vperm.xlane v59, v3;
	vm4 =	veq.f32 v28, v34;
	vm6 =	veq.f32 v48, v56  }
0x108: {  	v34 =	vsel vm3, v45, v34;
	v30 =	vsel vm3, v6, v56;
	v55 =	vmax.f32 v55, v60  }
0x109: {  	v60 =	vperm.xlane v58, v3;
	v43 =	vmax.f32 v43, v22;
	v22 =	vmax.f32 v52, v57  }
0x10a: {  	v57 =	vmax.f32 v59, v62;
	v28 =	vnsel vm4, $0x10, v4;
	v48 =	vnsel vm6, $0x10, v4  }
0x10b: {  	vm5 =	veq.f32 v47, v55;
	vm7 =	veq.f32 v49, v43;
	vm8 =	veq.f32 v50, v22  }
0x10c: {  	vm14 =	veq.f32 v53, v57;
	v53 =	vperm.xlane v28, v0;
	v45 =	vperm.xlane v48, v0  }
0x10d: {  	v46 =	vsel vm3, v46, v55;
	v31 =	vsel vm3, v7, v43;
	v18 =	vsel vm3, v9, v57  }
0x10e: {  	v7 =	vsel vm2, v24, v38;
	v9 =	vsel vm2, v41, v40;
	v24 =	vsel vm2, v35, v36  }
0x10f: {  	v52 =	vmax.f32 v58, v60;
	v47 =	vnsel vm5, $0x10, v4;
	v49 =	vnsel vm7, $0x10, v4  }
0x110: {  	v50 =	vnsel vm8, $0x10, v4;
	v59 =	vnsel vm14, $0x10, v4;
	vm9 =	veq.f32 v51, v52  }
0x111: {  	v58 =	vperm.xlane v47, v0;
	v60 =	vperm.xlane v49, v0;
	vm4 =	vlt.s32 v28, v53  }
0x112: {  	v61 =	vperm.xlane v50, v0;
	v63 =	vperm.xlane v59, v0;
	v51 =	vnsel vm9, $0x10, v4  }
0x113: {  	v28 =	vsel vm4, v28, v53;
	vm4 =	vlt.s32 v48, v45;
	v62 =	vperm.xlane v51, v0  }
0x114: {  	vm5 =	vlt.s32 v47, v58;
	vm6 =	vlt.s32 v50, v61;
	vm15 =	vlt.s32 v59, v63  }
0x115: {  	v45 =	vsel vm4, v48, v45;
	v47 =	vsel vm5, v47, v58;
	vm5 =	vlt.s32 v49, v60  }
0x116: {  	v53 =	vsel vm15, v59, v63;
	vm7 =	vlt.s32 v51, v62;
	v48 =	vsel vm5, v49, v60  }
0x117: {  	v49 =	vsel vm6, v50, v61;
	v50 =	vperm.xlane v28, v1;
	v58 =	vperm.xlane v47, v1  }
0x118: {  	v55 =	vperm.xlane v45, v1;
	v51 =	vsel vm7, v51, v62;
	v59 =	vperm.xlane v48, v1  }
0x119: {  	v60 =	vperm.xlane v49, v1;
	vm4 =	vlt.s32 v28, v50;
	vm5 =	vlt.s32 v47, v58  }
0x11a: {  	v61 =	vperm.xlane v51, v1;
	v50 =	vsel vm4, v28, v50;
	v28 =	vperm.xlane v53, v1  }
0x11b: {  	vm4 =	vlt.s32 v45, v55;
	vm6 =	vlt.s32 v48, v59;
	v47 =	vsel vm5, v47, v58  }
0x11c: {  	v45 =	vsel vm4, v45, v55;
	v48 =	vsel vm6, v48, v59;
	vm4 =	vlt.s32 v49, v60  }
0x11d: {  	vm5 =	vlt.s32 v51, v61;
	v63 =	vperm.xlane v50, v2;
	v58 =	vperm.xlane v47, v2  }
0x11e: {  	vm6 =	vlt.s32 v53, v28;
	v49 =	vsel vm4, v49, v60;
	v51 =	vsel vm5, v51, v61  }
0x11f: {  	v59 =	vperm.xlane v48, v2;
	v53 =	vsel vm6, v53, v28;
	v28 =	vsel vm3, v33, v23  }
0x120: {  	v33 =	vsel vm2, v44, v54;
	v23 =	vperm.xlane v45, v2;
	vm4 =	vlt.s32 v50, v63  }
0x121: {  	v60 =	vperm.xlane v49, v2;
	v61 =	vperm.xlane v51, v2;
	v50 =	vsel vm4, v50, v63  }
0x122: {  	vm4 =	vlt.s32 v47, v58;
	v62 =	vperm.xlane v53, v2;
	vm5 =	vlt.s32 v45, v23  }
0x123: {  	v47 =	vsel vm4, v47, v58;
	vm4 =	vlt.s32 v48, v59;
	vm6 =	vlt.s32 v51, v61  }
0x124: {  	v10 =	vperm.xlane v50, v3;
	v23 =	vsel vm5, v45, v23;
	vm5 =	vlt.s32 v49, v60  }
0x125: {  	v44 =	vsel vm4, v48, v59;
	v54 =	vsel vm6, v51, v61;
	vm4 =	vlt.s32 v53, v62  }
0x126: {  	v11 =	vperm.xlane v47, v3;
	v63 =	vsel vm5, v49, v60;
	v45 =	vsel vm4, v53, v62  }
0x127: {  	v12 =	vperm.xlane v23, v3;
	v13 =	vperm.xlane v44, v3;
	vm4 =	vlt.s32 v50, v10  }
0x128: {  	v15 =	vperm.xlane v54, v3;
	v17 =	vsel vm4, v50, v10;
	vm4 =	vlt.s32 v47, v11  }
0x129: {  	v14 =	vperm.xlane v63, v3;
	v11 =	vsel vm4, v47, v11;
	vm4 =	vlt.s32 v23, v12  }
0x12a: {  	v29 =	vld [tilespmem:s13+$0x1000];
	vm5 =	vlt.s32 v54, v15;
	v17 =	vsel vm3, v33, v17;
	v16 =	vsel vm4, v23, v12  }
0x12b: {  	v59 =	vld [tilespmem:s13+$0x1010];
	v12 =	vperm.xlane v45, v3;
	vm4 =	vlt.s32 v44, v13;
	v55 =	vsel vm5, v54, v15  }
0x12c: {  	v23 =	vsel vm3, v8, v52;
	v15 =	vld [tilespmem:s13+$0x1070];
	v13 =	vsel vm4, v44, v13;
	vm4 =	vlt.s32 v63, v14  }
0x12d: {  	v6 =	vld [tilespmem:s13+$0x1030];
	v8 =	vsel vm2, v25, v39;
	v10 =	vsel vm4, v63, v14;
	vm4 =	vlt.s32 v45, v12  }
0x12e: {  	v25 =	vsel vm2, v21, v37;
	v58 =	vsel vm4, v45, v12;
	v12 =	vsel vm3, v5, v22;
	v22 =	vld [tilespmem:s13+$0x1020]  }
0x12f: {  	v21 =	vsel vm3, v7, v11;
	v19 =	vsel vm3, v8, v16;
	v16 =	vsel vm3, v9, v13  }
0x130: {  	v13 =	vmul.f32 v46, v59;
	v5 =	vsel vm2, v42, v26;
	vm4 =	vgt.f32 v29, $5.000000000e-01  }
0x131: {  	v32 =	vld [tilespmem:s13+$0x1060];
	v14 =	vsel vm3, v5, v10;
	v10 =	vsel vm3, v24, v55;
	vm5 =	vgt.f32 v15, $5.000000000e-01  }
0x132: {  	v33 =	vld [tilespmem:s13+$0x1050];
	v24 =	vmul.f32 v34, v29;
	v63 =	vsel vm3, v25, v58;
	v11 =	vnsel vm5, $0x0, v20  }
0x133: {  	s15 =	simm.s32 $0x80;
	s14 =	simm.s32 $0x400;
	v9 =	vld [tilespmem:s13+$0x1040];
	vm5 =	vgt.f32 v59, $5.000000000e-01;
	[tilespmem:s13+$0x3070] =	vst v11;
	v11 =	vmul.f32 v31, v6;
	v20 =	vmul.f32 v30, v22  }
.LBB2_2:
0x134: {  	_ =	sdelay $0x1  }
0x135: {  	v26 =	vld [tilespmem:s15+$0x70];
	[tilespmem:s13+$0x2000] =	vst v24  }
0x136: {  	v29 =	vmul.f32 v23, v33;
	v23 =	vld [tilespmem:s15+$0x0];
	[tilespmem:s13+$0x2010] =	vst v13  }
0x137: {  	vm6 =	vgt.f32 v22, $5.000000000e-01;
	v22 =	vld [tilespmem:s15+$0x10];
	[tilespmem:s13+$0x2020] =	vst v20  }
0x138: {  	v28 =	vmul.f32 v28, v15;
	v5 =	vnsel vm4, $0x0, v17;
	v15 =	vld [tilespmem:s15+$0x20];
	[tilespmem:s13+$0x2030] =	vst v11  }
0x139: {  	vm7 =	vgt.f32 v6, $5.000000000e-01;
	v6 =	vnsel vm5, $0x0, v21;
	v48 =	vld [tilespmem:s15+$0x30];
	[tilespmem:s13+$0x3000] =	vst v5  }
0x13a: {  	v7 =	vnsel vm6, $0x0, v19;
	v13 =	vld [tilespmem:s15+$0x40];
	[tilespmem:s13+$0x3010] =	vst v6  }
0x13b: {  	v25 =	vmul.f32 v12, v9;
	vm8 =	vgt.f32 v9, $5.000000000e-01;
	v5 =	vnsel vm7, $0x0, v16;
	v12 =	vld [tilespmem:s15+$0x50];
	[tilespmem:s13+$0x3020] =	vst v7  }
0x13c: {  	vm9 =	vgt.f32 v33, $5.000000000e-01;
	v8 =	vnsel vm8, $0x0, v14;
	v6 =	vperm.xlane v23, v0;
	v16 =	vld [tilespmem:s15+$0x60];
	[tilespmem:s13+$0x3030] =	vst v5  }
0x13d: {  	v9 =	vnsel vm9, $0x0, v10;
	v10 =	vld [tilespmem:s15+$0x1000];
	[tilespmem:s13+$0x3040] =	vst v8  }
0x13e: {  	v21 =	vmax.f32 v23, v6;
	v6 =	vld [tilespmem:s15+$0x1010];
	_ =	sdelay $0x3  }
0x13f: {  	vm10 =	vgt.f32 v32, $5.000000000e-01;
	[tilespmem:s13+$0x3050] =	vst v9  }
0x140: {  	v19 =	vnsel vm10, $0x0, v63;
	v5 =	vperm.xlane v15, v0;
	[tilespmem:$0x1FFE0] =	vst v6  }
0x141: {  	v6 =	vld [tilespmem:s15+$0x1020];
	[tilespmem:s13+$0x3060] =	vst v19  }
0x142: {  	v11 =	vperm.xlane v26, v0;
	v50 =	vmax.f32 v15, v5;
	v5 =	vld [tilespmem:s15+$0x1030];
	_ =	sdelay $0x1  }
0x143: {  	v18 =	vmul.f32 v18, v32;
	v20 =	vmax.f32 v26, v11  }
0x144: {  	v17 =	vmul.f32 $0.0e+00, v26;
	v30 =	vperm.xlane v20, v1  }
0x145: {  	v27 =	vmul.f32 $0.0e+00, v23;
	v7 =	vperm.xlane v22, v0;
	[tilespmem:s13+$0x2040] =	vst v25  }
0x146: {  	v24 =	vmul.f32 $0.0e+00, v22;
	v9 =	vmax.f32 v20, v30;
	v20 =	vperm.xlane v12, v0;
	[tilespmem:$0x1FFB0] =	vst v5;
	v5 =	vld [tilespmem:s15+$0x1040]  }
0x147: {  	v31 =	vperm.xlane v21, v1;
	v49 =	vmax.f32 v22, v7;
	v30 =	vperm.xlane v9, v2  }
0x148: {  	v7 =	vperm.xlane v48, v0;
	v8 =	vperm.xlane v13, v0;
	v20 =	vmax.f32 v12, v20  }
0x149: {  	v11 =	vmovc v48;
	v21 =	vmax.f32 v21, v31;
	v30 =	vmax.f32 v9, v30;
	v31 =	vperm.xlane v20, v1  }
0x14a: {  	v34 =	vmax.f32 v13, v8;
	v35 =	vperm.xlane v16, v0;
	v36 =	vperm.xlane v30, v3;
	[tilespmem:s13+$0x2050] =	vst v29  }
0x14b: {  	v19 =	vmax.f32 v11, v7;
	v25 =	vperm.xlane v49, v1;
	v20 =	vmax.f32 v20, v31;
	[tilespmem:$0x1FFC0] =	vst v5;
	v5 =	vld [tilespmem:s15+$0x1050]  }
0x14c: {  	v35 =	vmax.f32 v16, v35;
	v30 =	vmax.f32 v30, v36;
	v37 =	vperm.xlane v20, v2  }
0x14d: {  	v31 =	vperm.xlane v21, v2;
	v32 =	vmax.f32 v49, v25;
	v25 =	vperm.xlane v35, v1  }
0x14e: {  	vm4 =	veq.f32 v26, v30;
	v53 =	vperm.xlane v32, v2;
	v20 =	vmax.f32 v20, v37  }
0x14f: {  	v21 =	vmax.f32 v21, v31;
	v51 =	vmax.f32 v35, v25;
	v37 =	vperm.xlane v20, v3;
	[tilespmem:s13+$0x2060] =	vst v18  }
0x150: {  	v25 =	vsel vm0, v30, v17;
	v29 =	vperm.xlane v50, v1;
	v31 =	vmax.f32 v32, v53;
	[tilespmem:$0x1FF90] =	vst v5  }
0x151: {  	v20 =	vmax.f32 v20, v37;
	v18 =	vperm.xlane v19, v1;
	v5 =	vld [tilespmem:s15+$0x1060];
	[tilespmem:s13+$0x2070] =	vst v28;
	v28 =	vperm.xlane v34, v1  }
0x152: {  	v56 =	vperm.xlane v31, v3;
	v29 =	vmax.f32 v50, v29;
	vm8 =	veq.f32 v12, v20  }
0x153: {  	v18 =	vmax.f32 v19, v18;
	v19 =	vmax.f32 v34, v28;
	v28 =	vnsel vm4, $0x10, v4  }
0x154: {  	v54 =	vperm.xlane v29, v2;
	v48 =	vnsel vm8, $0x10, v4;
	v52 =	vperm.xlane v28, v0  }
0x155: {  	v38 =	vperm.xlane v51, v2;
	v31 =	vmax.f32 v31, v56;
	v44 =	vperm.xlane v48, v0  }
0x156: {  	vm6 =	veq.f32 v22, v31;
	v29 =	vmax.f32 v29, v54;
	vm4 =	vlt.s32 v28, v52  }
0x157: {  	vm15 =	vlt.s32 v48, v44;
	v17 =	vperm.xlane v18, v2;
	v28 =	vsel vm4, v28, v52  }
0x158: {  	v37 =	vsel vm15, v48, v44;
	v30 =	vperm.xlane v19, v2;
	v55 =	vperm.xlane v28, v1  }
0x159: {  	v57 =	vperm.xlane v29, v3;
	v44 =	vperm.xlane v37, v1;
	v17 =	vmax.f32 v18, v17  }
0x15a: {  	v18 =	vmax.f32 v19, v30;
	v19 =	vperm.xlane v21, v3;
	vm4 =	vlt.s32 v28, v55  }
0x15b: {  	v30 =	vmax.f32 v51, v38;
	v60 =	vperm.xlane v18, v3;
	v28 =	vsel vm4, v28, v55  }
0x15c: {  	v38 =	vperm.xlane v30, v3;
	v59 =	vmax.f32 v21, v19;
	v58 =	vperm.xlane v28, v2  }
0x15d: {  	[tilespmem:$0x1FFF0] =	vst v6;
	v19 =	vperm.xlane v17, v3;
	v21 =	vmax.f32 v29, v57;
	v6 =	vmax.f32 v18, v60  }
0x15e: {  	[tilespmem:$0x1FFA0] =	vst v5;
	v5 =	vmax.f32 v30, v38;
	vm7 =	veq.f32 v15, v21;
	vm5 =	vlt.s32 v28, v58  }
0x15f: {  	v33 =	vsel vm0, v59, v27;
	v19 =	vmax.f32 v17, v19;
	v28 =	vsel vm5, v28, v58  }
0x160: {  	vm10 =	veq.f32 v13, v6;
	vm11 =	veq.f32 v16, v5;
	v29 =	vperm.xlane v28, v3  }
0x161: {  	v30 =	vnsel vm7, $0x10, v4;
	vm4 =	vgt.f32 v10, $5.000000000e-01;
	vm9 =	veq.f32 v11, v19  }
0x162: {  	v63 =	vnsel vm10, $0x10, v4;
	v49 =	vnsel vm11, $0x10, v4;
	vm12 =	vlt.s32 v28, v29  }
0x163: {  	v27 =	vperm.xlane v30, v0;
	vm11 =	vlt.s32 v37, v44;
	v34 =	vsel vm12, v28, v29  }
0x164: {  	v61 =	vnsel vm9, $0x10, v4;
	v43 =	vperm.xlane v63, v0;
	vm12 =	veq.s32 v34, v4  }
0x165: {  	v45 =	vperm.xlane v49, v0;
	v42 =	vperm.xlane v61, v0;
	v26 =	vsel vm12, $0xF149F2CA, v26  }
0x166: {  	v37 =	vsel vm11, v37, v44;
	vm7 =	vlt.s32 v30, v27;
	v62 =	vperm.xlane v26, v0  }
0x167: {  	vm14 =	vlt.s32 v63, v43;
	v27 =	vsel vm7, v30, v27;
	vm13 =	vlt.s32 v61, v42  }
0x168: {  	v36 =	vsel vm14, v63, v43;
	v52 =	vperm.xlane v27, v1;
	v41 =	vmax.f32 v26, v62  }
0x169: {  	v32 =	vsel vm13, v61, v42;
	v54 =	vperm.xlane v36, v1;
	v50 =	vperm.xlane v41, v1  }
0x16a: {  	v44 =	vperm.xlane v37, v2;
	vm5 =	veq.f32 v23, v59;
	v53 =	vperm.xlane v32, v1  }
0x16b: {  	vm7 =	vlt.s32 v27, v52;
	vm9 =	vlt.s32 v36, v54;
	v35 =	vmax.f32 v41, v50  }
0x16c: {  	v27 =	vsel vm7, v27, v52;
	v28 =	vnsel vm5, $0x10, v4;
	v41 =	vperm.xlane v35, v2  }
0x16d: {  	v29 =	vnsel vm6, $0x10, v4;
	vm8 =	vlt.s32 v32, v53;
	v36 =	vsel vm9, v36, v54  }
0x16e: {  	v39 =	vperm.xlane v28, v0;
	v40 =	vperm.xlane v29, v0;
	v35 =	vmax.f32 v35, v41  }
0x16f: {  	v32 =	vsel vm8, v32, v53;
	v61 =	vperm.xlane v36, v2;
	v30 =	vperm.xlane v35, v3  }
0x170: {  	v34 =	vnsel vm0, $0x0, v34;
	vm5 =	vlt.s32 v28, v39;
	vm6 =	vlt.s32 v29, v40  }
0x171: {  	v28 =	vsel vm5, v28, v39;
	vm5 =	vlt.s32 v49, v45;
	v30 =	vmax.f32 v35, v30  }
0x172: {  	v29 =	vsel vm6, v29, v40;
	v38 =	vsel vm5, v49, v45;
	vm5 =	veq.f32 v26, v30  }
0x173: {  	v51 =	vperm.xlane v29, v1;
	v46 =	vperm.xlane v38, v1;
	v55 =	vnsel vm5, $0x10, v4  }
0x174: {  	v60 =	vperm.xlane v32, v2;
	vm9 =	vlt.s32 v36, v61;
	v56 =	vperm.xlane v55, v0  }
0x175: {  	v39 =	vperm.xlane v28, v1;
	vm6 =	vlt.s32 v29, v51;
	vm12 =	vlt.s32 v38, v46  }
0x176: {  	v29 =	vsel vm6, v29, v51;
	v38 =	vsel vm12, v38, v46;
	vm10 =	vlt.s32 v55, v56  }
0x177: {  	v59 =	vperm.xlane v29, v2;
	v62 =	vperm.xlane v38, v2;
	v43 =	vsel vm10, v55, v56  }
0x178: {  	v63 =	vsel vm9, v36, v61;
	vm5 =	vlt.s32 v28, v39;
	v57 =	vperm.xlane v43, v1  }
0x179: {  	vm7 =	vlt.s32 v29, v59;
	vm13 =	vlt.s32 v38, v62;
	v28 =	vsel vm5, v28, v39  }
0x17a: {  	v39 =	vsel vm0, v31, v24;
	v24 =	vperm.xlane v27, v2;
	vm5 =	vlt.s32 v43, v57  }
0x17b: {  	v29 =	vsel vm7, v29, v59;
	v53 =	vsel vm13, v38, v62;
	v35 =	vsel vm5, v43, v57  }
0x17c: {  	v58 =	vperm.xlane v28, v2;
	vm12 =	vlt.s32 v27, v24;
	v31 =	vperm.xlane v35, v2  }
0x17d: {  	v59 =	vperm.xlane v53, v3;
	v24 =	vsel vm12, v27, v24;
	v55 =	vperm.xlane v29, v3  }
0x17e: {  	vm5 =	vlt.s32 v28, v58;
	v57 =	vperm.xlane v63, v3;
	vm6 =	vlt.s32 v35, v31  }
0x17f: {  	v28 =	vsel vm5, v28, v58;
	vm5 =	vlt.s32 v37, v44;
	v31 =	vsel vm6, v35, v31  }
0x180: {  	v56 =	vperm.xlane v24, v3;
	v52 =	vsel vm5, v37, v44;
	v35 =	vperm.xlane v31, v3  }
0x181: {  	v54 =	vperm.xlane v28, v3;
	vm9 =	vlt.s32 v63, v57;
	v58 =	vperm.xlane v52, v3  }
0x182: {  	v38 =	vsel vm9, v63, v57;
	vm6 =	vlt.s32 v32, v60;
	vm7 =	vlt.s32 v31, v35  }
0x183: {  	vm9 =	veq.s32 v38, v4;
	v27 =	vsel vm6, v32, v60;
	v48 =	vsel vm7, v31, v35  }
0x184: {  	vm6 =	vlt.s32 v29, v55;
	vm15 =	vlt.s32 v52, v58;
	vm5 =	veq.s32 v48, v4  }
0x185: {  	v45 =	vsel vm9, $0xF149F2CA, v13;
	v13 =	vmul.f32 $0.0e+00, v13;
	v26 =	vsel vm5, $0xF149F2CA, v26  }
0x186: {  	v37 =	vsel vm15, v52, v58;
	v31 =	vsel vm1, v25, v30;
	v25 =	vperm.xlane v26, v0  }
0x187: {  	v49 =	vsel vm6, v29, v55;
	v61 =	vperm.xlane v45, v0;
	vm10 =	veq.s32 v37, v4  }
0x188: {  	v30 =	vperm.xlane v27, v3;
	vm7 =	vlt.s32 v24, v56;
	v25 =	vmax.f32 v26, v25  }
0x189: {  	v46 =	vsel vm10, $0xF149F2CA, v12;
	v32 =	vmax.f32 v45, v61;
	v60 =	vperm.xlane v25, v1  }
0x18a: {  	v12 =	vmul.f32 $0.0e+00, v12;
	v24 =	vsel vm7, v24, v56;
	v50 =	vperm.xlane v46, v0  }
0x18b: {  	v55 =	vperm.xlane v32, v1;
	v34 =	vsel vm1, v34, v48;
	v25 =	vmax.f32 v25, v60  }
0x18c: {  	vm5 =	vlt.s32 v28, v54;
	vm14 =	vlt.s32 v27, v30;
	v29 =	vperm.xlane v25, v2  }
0x18d: {  	vm7 =	veq.s32 v24, v4;
	v12 =	vsel vm0, v20, v12;
	v28 =	vsel vm5, v28, v54  }
0x18e: {  	vm5 =	vlt.s32 v53, v59;
	v40 =	vsel vm14, v27, v30;
	v25 =	vmax.f32 v25, v29  }
0x18f: {  	v42 =	vsel vm7, $0xF149F2CA, v15;
	v50 =	vmax.f32 v46, v50;
	v27 =	vperm.xlane v25, v3  }
0x190: {  	v32 =	vmax.f32 v32, v55;
	vm6 =	veq.s32 v28, v4;
	v36 =	vsel vm5, v53, v59  }
0x191: {  	vm5 =	veq.s32 v49, v4;
	vm8 =	veq.s32 v40, v4;
	v35 =	vmax.f32 v25, v27  }
0x192: {  	v56 =	vperm.xlane v50, v1;
	v43 =	vsel vm5, $0xF149F2CA, v22;
	vm5 =	veq.f32 v26, v35  }
0x193: {  	v41 =	vsel vm6, $0xF149F2CA, v23;
	v44 =	vsel vm8, $0xF149F2CA, v11;
	v22 =	vnsel vm5, $0x10, v4  }
0x194: {  	vm6 =	veq.s32 v36, v4;
	v30 =	vperm.xlane v44, v0;
	v23 =	vperm.xlane v22, v0  }
0x195: {  	v47 =	vsel vm6, $0xF149F2CA, v16;
	v50 =	vmax.f32 v50, v56;
	v16 =	vmul.f32 $0.0e+00, v16  }
0x196: {  	v56 =	vperm.xlane v50, v2;
	v52 =	vmax.f32 v44, v30;
	vm5 =	vlt.s32 v22, v23  }
0x197: {  	v29 =	vnsel vm0, $0x0, v28;
	v28 =	vperm.xlane v42, v0;
	v22 =	vsel vm5, v22, v23  }
0x198: {  	v30 =	vnsel vm0, $0x0, v49;
	v25 =	vperm.xlane v41, v0;
	v51 =	vperm.xlane v22, v1  }
0x199: {  	v54 =	vperm.xlane v52, v1;
	v50 =	vmax.f32 v50, v56;
	v28 =	vmax.f32 v42, v28  }
0x19a: {  	v23 =	vmax.f32 v41, v25;
	v25 =	vperm.xlane v47, v0;
	vm5 =	vlt.s32 v22, v51  }
0x19b: {  	s13 =	smov.u32 s15;
	v27 =	vperm.xlane v43, v0;
	v53 =	vperm.xlane v23, v1;
	v22 =	vsel vm5, v22, v51  }
0x19c: {  	v18 =	vmovc v15;
	v15 =	vld [tilespmem:s13+$0x1070];
	v63 =	vperm.xlane v28, v1;
	v25 =	vmax.f32 v47, v25;
	v51 =	vperm.xlane v22, v2  }
0x19d: {  	v27 =	vmax.f32 v43, v27;
	v23 =	vmax.f32 v23, v53;
	v58 =	vperm.xlane v25, v1  }
0x19e: {  	v28 =	vmax.f32 v28, v63;
	v63 =	vperm.xlane v23, v2;
	vm5 =	vlt.s32 v22, v51  }
0x19f: {  	v62 =	vperm.xlane v27, v1;
	v25 =	vmax.f32 v25, v58;
	v22 =	vsel vm5, v22, v51  }
0x1a0: {  	v23 =	vmax.f32 v23, v63;
	v63 =	vperm.xlane v25, v2;
	v59 =	vperm.xlane v22, v3  }
0x1a1: {  	vm14 =	vgt.f32 v15, $5.000000000e-01;
	v56 =	vperm.xlane v50, v3;
	v61 =	vperm.xlane v28, v2  }
0x1a2: {  	v27 =	vmax.f32 v27, v62;
	v25 =	vmax.f32 v25, v63;
	vm5 =	vlt.s32 v22, v59  }
0x1a3: {  	v51 =	vmax.f32 v52, v54;
	v58 =	vperm.xlane v25, v3;
	v52 =	vsel vm5, v22, v59  }
0x1a4: {  	v60 =	vperm.xlane v27, v2;
	v62 =	vperm.xlane v51, v2;
	vm5 =	veq.s32 v52, v4  }
0x1a5: {  	v25 =	vmax.f32 v25, v58;
	v22 =	vperm.xlane v32, v2;
	v57 =	vsel vm5, $0xF149F2CA, v26  }
0x1a6: {  	v26 =	vmax.f32 v27, v60;
	v27 =	vmax.f32 v28, v61;
	v28 =	vperm.xlane v57, v0  }
0x1a7: {  	v51 =	vmax.f32 v51, v62;
	v59 =	vperm.xlane v23, v3;
	vm12 =	veq.f32 v47, v25  }
0x1a8: {  	v34 =	vsel vm2, v34, v52;
	v22 =	vmax.f32 v32, v22;
	v28 =	vmax.f32 v57, v28  }
0x1a9: {  	v32 =	vnsel vm0, $0x0, v24;
	v61 =	vperm.xlane v51, v3;
	v24 =	vperm.xlane v28, v1  }
0x1aa: {  	v53 =	vmax.f32 v23, v59;
	v60 =	vperm.xlane v26, v3;
	v23 =	vperm.xlane v27, v3  }
0x1ab: {  	v62 =	vperm.xlane v22, v3;
	vm5 =	veq.f32 v41, v53;
	v28 =	vmax.f32 v28, v24  }
0x1ac: {  	v17 =	vmovc v11;
	v53 =	vsel vm1, v33, v53;
	v11 =	vmax.f32 v51, v61;
	v59 =	vperm.xlane v28, v2  }
0x1ad: {  	v61 =	vnsel vm12, $0x10, v4;
	v49 =	vmax.f32 v26, v60;
	v26 =	vmax.f32 v27, v23  }
0x1ae: {  	v23 =	vmax.f32 v22, v62;
	vm8 =	veq.f32 v44, v11;
	v22 =	vmax.f32 v28, v59  }
0x1af: {  	vm6 =	veq.f32 v43, v49;
	vm7 =	veq.f32 v42, v26;
	v28 =	vperm.xlane v22, v3  }
0x1b0: {  	vm9 =	veq.f32 v45, v23;
	v54 =	vnsel vm8, $0x10, v4;
	v51 =	vnsel vm7, $0x10, v4  }
0x1b1: {  	v63 =	vperm.xlane v54, v0;
	v24 =	vmax.f32 v50, v56;
	v28 =	vmax.f32 v22, v28  }
0x1b2: {  	v50 =	vnsel vm6, $0x10, v4;
	v22 =	vnsel vm5, $0x10, v4;
	vm5 =	veq.f32 v57, v28  }
0x1b3: {  	v56 =	vnsel vm9, $0x10, v4;
	v62 =	vperm.xlane v51, v0;
	v55 =	vnsel vm5, $0x10, v4  }
0x1b4: {  	vm10 =	veq.f32 v46, v24;
	v60 =	vperm.xlane v50, v0;
	v58 =	vperm.xlane v55, v0  }
0x1b5: {  	[tilespmem:$0x1FF80] =	vst v5;
	v5 =	vperm.xlane v56, v0;
	vm8 =	vlt.s32 v54, v63;
	v12 =	vsel vm1, v12, v24  }
0x1b6: {  	vm7 =	vlt.s32 v51, v62;
	v54 =	vsel vm8, v54, v63;
	vm5 =	vlt.s32 v55, v58  }
0x1b7: {  	vm6 =	vlt.s32 v50, v60;
	vm9 =	vlt.s32 v56, v5;
	v55 =	vsel vm5, v55, v58  }
0x1b8: {  	v51 =	vsel vm7, v51, v62;
	v5 =	vsel vm9, v56, v5;
	v7 =	vperm.xlane v55, v1  }
0x1b9: {  	v50 =	vsel vm6, v50, v60;
	v60 =	vperm.xlane v51, v1;
	v62 =	vperm.xlane v5, v1  }
0x1ba: {  	v57 =	vnsel vm10, $0x10, v4;
	v59 =	vperm.xlane v22, v0;
	vm13 =	vlt.s32 v55, v7  }
0x1bb: {  	[tilespmem:$0x1FF70] =	vst v6;
	v6 =	vperm.xlane v57, v0;
	v58 =	vperm.xlane v61, v0;
	v7 =	vsel vm13, v55, v7  }
0x1bc: {  	vm12 =	vlt.s32 v5, v62;
	vm5 =	vlt.s32 v22, v59;
	v55 =	vperm.xlane v7, v2  }
0x1bd: {  	vm10 =	vlt.s32 v57, v6;
	v59 =	vsel vm5, v22, v59;
	vm5 =	vlt.s32 v61, v58  }
0x1be: {  	v6 =	vsel vm10, v57, v6;
	v57 =	vsel vm5, v61, v58;
	vm5 =	vlt.s32 v7, v55  }
0x1bf: {  	v58 =	vperm.xlane v50, v1;
	v8 =	vperm.xlane v57, v1;
	v7 =	vsel vm5, v7, v55  }
0x1c0: {  	v5 =	vsel vm12, v5, v62;
	v63 =	vperm.xlane v6, v1;
	v61 =	vperm.xlane v7, v3  }
0x1c1: {  	v56 =	vperm.xlane v59, v1;
	vm7 =	vlt.s32 v50, v58;
	vm13 =	vlt.s32 v57, v8  }
0x1c2: {  	v8 =	vsel vm13, v57, v8;
	v55 =	vperm.xlane v54, v1;
	vm6 =	vlt.s32 v7, v61  }
0x1c3: {  	vm5 =	vlt.s32 v59, v56;
	v62 =	vperm.xlane v8, v2;
	v7 =	vsel vm6, v7, v61  }
0x1c4: {  	vm15 =	vlt.s32 v54, v55;
	vm6 =	vlt.s32 v51, v60;
	v7 =	vsel vm3, v34, v7  }
0x1c5: {  	v34 =	vsel vm5, v59, v56;
	vm5 =	vlt.s32 v6, v63;
	v48 =	vsel vm6, v51, v60  }
0x1c6: {  	v51 =	vsel vm1, v39, v49;
	v60 =	vperm.xlane v5, v2;
	v7 =	vnsel vm14, $0x0, v7  }
0x1c7: {  	v6 =	vsel vm5, v6, v63;
	v52 =	vperm.xlane v34, v2;
	v39 =	vperm.xlane v48, v2  }
0x1c8: {  	[tilespmem:s13+$0x3070] =	vst v7;
	v7 =	vsel vm7, v50, v58;
	v50 =	vsel vm15, v54, v55;
	v61 =	vperm.xlane v6, v2  }
0x1c9: {  	vm15 =	vlt.s32 v5, v60;
	v33 =	vperm.xlane v7, v2;
	v63 =	vperm.xlane v50, v2  }
0x1ca: {  	vm5 =	vlt.s32 v34, v52;
	vm7 =	vlt.s32 v48, v39;
	v5 =	vsel vm15, v5, v60  }
0x1cb: {  	vm12 =	vlt.s32 v6, v61;
	v34 =	vsel vm5, v34, v52;
	vm5 =	vlt.s32 v8, v62  }
0x1cc: {  	v54 =	vperm.xlane v5, v3;
	vm6 =	vlt.s32 v7, v33;
	vm14 =	vlt.s32 v50, v63  }
0x1cd: {  	v6 =	vsel vm12, v6, v61;
	v8 =	vsel vm5, v8, v62;
	v7 =	vsel vm6, v7, v33  }
0x1ce: {  	v33 =	vsel vm7, v48, v39;
	v39 =	vsel vm14, v50, v63;
	v63 =	vperm.xlane v34, v3  }
0x1cf: {  	v48 =	vnsel vm0, $0x0, v40;
	v55 =	vperm.xlane v6, v3;
	v56 =	vperm.xlane v8, v3  }
0x1d0: {  	vm9 =	vlt.s32 v5, v54;
	v50 =	vperm.xlane v7, v3;
	v52 =	vperm.xlane v33, v3  }
0x1d1: {  	v40 =	vperm.xlane v39, v3;
	v49 =	vsel vm9, v5, v54;
	vm5 =	vlt.s32 v34, v63  }
0x1d2: {  	vm13 =	vlt.s32 v8, v56;
	vm9 =	veq.s32 v49, v4;
	vm6 =	vlt.s32 v7, v50  }
0x1d3: {  	vm7 =	vlt.s32 v33, v52;
	vm8 =	vlt.s32 v39, v40;
	v62 =	vsel vm5, v34, v63  }
0x1d4: {  	vm5 =	vlt.s32 v6, v55;
	v58 =	vsel vm9, $0xF149F2CA, v45;
	v45 =	vnsel vm0, $0x0, v38  }
0x1d5: {  	v63 =	vsel vm6, v7, v50;
	v61 =	vsel vm7, v33, v52;
	v50 =	vsel vm8, v39, v40  }
0x1d6: {  	v40 =	vsel vm5, v6, v55;
	v39 =	vsel vm13, v8, v56;
	vm5 =	veq.s32 v62, v4  }
0x1d7: {  	v45 =	vsel vm1, v45, v49;
	vm6 =	veq.s32 v63, v4;
	vm7 =	veq.s32 v61, v4  }
0x1d8: {  	vm8 =	veq.s32 v50, v4;
	vm14 =	veq.s32 v40, v4;
	v52 =	vsel vm5, $0xF149F2CA, v41  }
0x1d9: {  	vm5 =	veq.s32 v39, v4;
	v48 =	vsel vm1, v48, v50;
	v54 =	vsel vm6, $0xF149F2CA, v43  }
0x1da: {  	v56 =	vsel vm7, $0xF149F2CA, v42;
	v57 =	vsel vm8, $0xF149F2CA, v44;
	v5 =	vperm.xlane v52, v0  }
0x1db: {  	v59 =	vsel vm14, $0xF149F2CA, v46;
	v44 =	vperm.xlane v58, v0;
	v6 =	vperm.xlane v54, v0  }
0x1dc: {  	v60 =	vsel vm5, $0xF149F2CA, v47;
	v7 =	vperm.xlane v56, v0;
	v8 =	vperm.xlane v57, v0  }
0x1dd: {  	v46 =	vperm.xlane v59, v0;
	v47 =	vperm.xlane v60, v0;
	v5 =	vmax.f32 v52, v5  }
0x1de: {  	v33 =	vmax.f32 v58, v44;
	v6 =	vmax.f32 v54, v6;
	v7 =	vmax.f32 v56, v7  }
0x1df: {  	v8 =	vmax.f32 v57, v8;
	v41 =	vperm.xlane v5, v1;
	v34 =	vmax.f32 v59, v46  }
0x1e0: {  	v38 =	vmax.f32 v60, v47;
	v46 =	vnsel vm0, $0x0, v37;
	v55 =	vperm.xlane v6, v1  }
0x1e1: {  	v47 =	vnsel vm0, $0x0, v36;
	v43 =	vperm.xlane v7, v1;
	v37 =	vperm.xlane v8, v1  }
0x1e2: {  	v42 =	vperm.xlane v34, v1;
	v40 =	vsel vm1, v46, v40;
	v39 =	vsel vm1, v47, v39  }
0x1e3: {  	v5 =	vmax.f32 v5, v41;
	v41 =	vperm.xlane v33, v1;
	v6 =	vmax.f32 v6, v55  }
0x1e4: {  	v55 =	vperm.xlane v38, v1;
	v7 =	vmax.f32 v7, v43;
	v8 =	vmax.f32 v8, v37  }
0x1e5: {  	v37 =	vperm.xlane v5, v2;
	v34 =	vmax.f32 v34, v42;
	v42 =	vperm.xlane v7, v2  }
0x1e6: {  	v33 =	vmax.f32 v33, v41;
	v36 =	vperm.xlane v8, v2;
	v41 =	vperm.xlane v34, v2  }
0x1e7: {  	v38 =	vmax.f32 v38, v55;
	v55 =	vperm.xlane v6, v2;
	v5 =	vmax.f32 v5, v37  }
0x1e8: {  	v37 =	vperm.xlane v33, v2;
	v7 =	vmax.f32 v7, v42;
	v8 =	vmax.f32 v8, v36  }
0x1e9: {  	v41 =	vmax.f32 v34, v41;
	v6 =	vmax.f32 v6, v55;
	v55 =	vperm.xlane v38, v2  }
0x1ea: {  	v36 =	vmax.f32 v33, v37;
	v33 =	vperm.xlane v5, v3;
	v42 =	vperm.xlane v7, v3  }
0x1eb: {  	v37 =	vsel vm2, v31, v35;
	v31 =	vperm.xlane v8, v3;
	v43 =	vperm.xlane v41, v3  }
0x1ec: {  	v35 =	vperm.xlane v36, v3;
	v28 =	vsel vm3, v37, v28;
	v38 =	vmax.f32 v38, v55  }
0x1ed: {  	v55 =	vperm.xlane v6, v3;
	v5 =	vmax.f32 v5, v33;
	v33 =	vmax.f32 v7, v42  }
0x1ee: {  	v34 =	vmax.f32 v8, v31;
	v31 =	vmax.f32 v36, v35;
	vm5 =	veq.f32 v52, v5  }
0x1ef: {  	v35 =	vmax.f32 v41, v43;
	vm7 =	veq.f32 v56, v33;
	vm8 =	veq.f32 v57, v34  }
0x1f0: {  	v53 =	vsel vm2, v53, v5;
	v6 =	vmax.f32 v6, v55;
	v55 =	vperm.xlane v38, v3  }
0x1f1: {  	vm9 =	veq.f32 v58, v31;
	vm10 =	veq.f32 v59, v35;
	v7 =	vnsel vm5, $0x10, v4  }
0x1f2: {  	v41 =	vnsel vm8, $0x10, v4;
	vm6 =	veq.f32 v54, v6;
	v42 =	vnsel vm9, $0x10, v4  }
0x1f3: {  	v43 =	vnsel vm10, $0x10, v4;
	v44 =	vperm.xlane v7, v0;
	v22 =	vperm.xlane v41, v0  }
0x1f4: {  	v36 =	vmax.f32 v38, v55;
	v8 =	vnsel vm6, $0x10, v4;
	v38 =	vnsel vm7, $0x10, v4  }
0x1f5: {  	[tilespmem:$0x1FFD0] =	vst v10;
	v27 =	vperm.xlane v42, v0;
	v10 =	vperm.xlane v43, v0;
	vm15 =	veq.f32 v60, v36  }
0x1f6: {  	v55 =	vperm.xlane v8, v0;
	v5 =	vperm.xlane v38, v0;
	vm5 =	vlt.s32 v7, v44  }
0x1f7: {  	vm8 =	vlt.s32 v41, v22;
	v9 =	vnsel vm15, $0x10, v4;
	vm9 =	vlt.s32 v42, v27  }
0x1f8: {  	vm10 =	vlt.s32 v43, v10;
	v7 =	vsel vm5, v7, v44;
	v22 =	vsel vm8, v41, v22  }
0x1f9: {  	vm6 =	vlt.s32 v8, v55;
	vm7 =	vlt.s32 v38, v5;
	v14 =	vperm.xlane v9, v0  }
0x1fa: {  	v27 =	vsel vm9, v42, v27;
	v10 =	vsel vm10, v43, v10;
	v41 =	vperm.xlane v22, v1  }
0x1fb: {  	v8 =	vsel vm6, v8, v55;
	v5 =	vsel vm7, v38, v5;
	v38 =	vperm.xlane v7, v1  }
0x1fc: {  	v55 =	vsel vm2, v51, v6;
	v42 =	vperm.xlane v27, v1;
	v43 =	vperm.xlane v10, v1  }
0x1fd: {  	vm5 =	vlt.s32 v9, v14;
	v6 =	vperm.xlane v5, v1;
	vm8 =	vlt.s32 v22, v41  }
0x1fe: {  	v9 =	vsel vm5, v9, v14;
	v14 =	vperm.xlane v8, v1;
	vm5 =	vlt.s32 v7, v38  }
0x1ff: {  	vm9 =	vlt.s32 v27, v42;
	v51 =	vperm.xlane v9, v1;
	vm7 =	vlt.s32 v5, v6  }
0x200: {  	v7 =	vsel vm5, v7, v38;
	vm5 =	vlt.s32 v10, v43;
	vm6 =	vlt.s32 v8, v14  }
0x201: {  	v5 =	vsel vm7, v5, v6;
	v6 =	vsel vm8, v22, v41;
	v10 =	vsel vm5, v10, v43  }
0x202: {  	v22 =	vperm.xlane v7, v2;
	vm12 =	vlt.s32 v9, v51;
	v8 =	vsel vm6, v8, v14  }
0x203: {  	v14 =	vsel vm9, v27, v42;
	v38 =	vperm.xlane v6, v2;
	v9 =	vsel vm12, v9, v51  }
0x204: {  	v51 =	vsel vm1, v29, v62;
	v27 =	vperm.xlane v8, v2;
	v29 =	vsel vm1, v30, v63  }
0x205: {  	v30 =	vperm.xlane v5, v2;
	vm5 =	vlt.s32 v7, v22;
	v41 =	vperm.xlane v14, v2  }
0x206: {  	v63 =	vperm.xlane v10, v2;
	v62 =	vperm.xlane v9, v2;
	vm8 =	vlt.s32 v6, v38  }
0x207: {  	v7 =	vsel vm5, v7, v22;
	vm6 =	vlt.s32 v8, v27;
	vm7 =	vlt.s32 v5, v30  }
0x208: {  	vm9 =	vlt.s32 v14, v41;
	vm13 =	vlt.s32 v10, v63;
	v6 =	vsel vm8, v6, v38  }
0x209: {  	v22 =	vperm.xlane v7, v3;
	v8 =	vsel vm6, v8, v27;
	vm5 =	vlt.s32 v9, v62  }
0x20a: {  	v5 =	vsel vm7, v5, v30;
	v14 =	vsel vm9, v14, v41;
	v10 =	vsel vm13, v10, v63  }
0x20b: {  	v30 =	vsel vm1, v32, v61;
	v41 =	vperm.xlane v6, v3;
	v27 =	vperm.xlane v8, v3  }
0x20c: {  	v9 =	vsel vm5, v9, v62;
	v38 =	vperm.xlane v5, v3;
	v42 =	vperm.xlane v14, v3  }
0x20d: {  	vm5 =	vlt.s32 v7, v22;
	v43 =	vperm.xlane v10, v3;
	v44 =	vperm.xlane v9, v3  }
0x20e: {  	vm8 =	vlt.s32 v6, v41;
	v61 =	vsel vm5, v7, v22;
	vm6 =	vlt.s32 v8, v27  }
0x20f: {  	vm7 =	vlt.s32 v5, v38;
	vm9 =	vlt.s32 v14, v42;
	vm5 =	vlt.s32 v10, v43  }
0x210: {  	v41 =	vsel vm8, v6, v41;
	v37 =	vsel vm2, v51, v61;
	vm14 =	vlt.s32 v9, v44  }
0x211: {  	v32 =	vsel vm6, v8, v27;
	v38 =	vsel vm7, v5, v38;
	v42 =	vsel vm9, v14, v42  }
0x212: {  	v43 =	vsel vm5, v10, v43;
	vm5 =	veq.s32 v61, v4;
	vm8 =	veq.s32 v41, v4  }
0x213: {  	v44 =	vsel vm14, v9, v44;
	vm6 =	veq.s32 v32, v4;
	vm7 =	veq.s32 v38, v4  }
0x214: {  	vm9 =	veq.s32 v42, v4;
	vm15 =	veq.s32 v43, v4;
	v5 =	vsel vm5, $0xF149F2CA, v52  }
0x215: {  	v8 =	vsel vm8, $0xF149F2CA, v57;
	v6 =	vsel vm6, $0xF149F2CA, v54;
	vm5 =	veq.s32 v44, v4  }
0x216: {  	v7 =	vsel vm7, $0xF149F2CA, v56;
	v9 =	vsel vm9, $0xF149F2CA, v58;
	v10 =	vperm.xlane v5, v0  }
0x217: {  	v14 =	vsel vm15, $0xF149F2CA, v59;
	v50 =	vperm.xlane v8, v0;
	v27 =	vperm.xlane v6, v0  }
0x218: {  	v22 =	vsel vm5, $0xF149F2CA, v60;
	v52 =	vperm.xlane v7, v0;
	v63 =	vperm.xlane v9, v0  }
0x219: {  	v60 =	vperm.xlane v14, v0;
	v10 =	vmax.f32 v5, v10;
	v62 =	vperm.xlane v22, v0  }
0x21a: {  	v50 =	vmax.f32 v8, v50;
	v27 =	vmax.f32 v6, v27;
	v52 =	vmax.f32 v7, v52  }
0x21b: {  	v54 =	vmax.f32 v9, v63;
	v58 =	vperm.xlane v10, v1;
	v56 =	vmax.f32 v14, v60  }
0x21c: {  	v49 =	vperm.xlane v50, v1;
	v57 =	vmax.f32 v22, v62;
	v59 =	vperm.xlane v27, v1  }
0x21d: {  	v60 =	vperm.xlane v52, v1;
	v10 =	vmax.f32 v10, v58;
	v58 =	vperm.xlane v54, v1  }
0x21e: {  	v62 =	vperm.xlane v57, v1;
	v49 =	vmax.f32 v50, v49;
	v27 =	vmax.f32 v27, v59  }
0x21f: {  	v59 =	vperm.xlane v56, v1;
	v52 =	vmax.f32 v52, v60;
	v63 =	vperm.xlane v10, v2  }
0x220: {  	v46 =	vperm.xlane v49, v2;
	v50 =	vmax.f32 v54, v58;
	v57 =	vmax.f32 v57, v62  }
0x221: {  	v60 =	vperm.xlane v27, v2;
	v56 =	vmax.f32 v56, v59;
	v59 =	vperm.xlane v52, v2  }
0x222: {  	v10 =	vmax.f32 v10, v63;
	v54 =	vperm.xlane v50, v2;
	v46 =	vmax.f32 v49, v46  }
0x223: {  	v27 =	vmax.f32 v27, v60;
	v58 =	vperm.xlane v56, v2;
	v60 =	vperm.xlane v57, v2  }
0x224: {  	v24 =	vsel vm2, v45, v42;
	v62 =	vperm.xlane v10, v3;
	v49 =	vperm.xlane v46, v3  }
0x225: {  	v52 =	vmax.f32 v52, v59;
	v50 =	vmax.f32 v50, v54;
	v63 =	vperm.xlane v27, v3  }
0x226: {  	v54 =	vmax.f32 v56, v58;
	v56 =	vmax.f32 v57, v60;
	v58 =	vperm.xlane v52, v3  }
0x227: {  	v10 =	vmax.f32 v10, v62;
	v59 =	vperm.xlane v50, v3;
	v49 =	vmax.f32 v46, v49  }
0x228: {  	v27 =	vmax.f32 v27, v63;
	v57 =	vperm.xlane v54, v3;
	v60 =	vperm.xlane v56, v3  }
0x229: {  	vm5 =	veq.f32 v5, v10;
	vm8 =	veq.f32 v8, v49;
	v53 =	vsel vm3, v53, v10  }
0x22a: {  	v47 =	vmax.f32 v52, v58;
	v46 =	vmax.f32 v50, v59;
	vm6 =	veq.f32 v6, v27  }
0x22b: {  	v5 =	vnsel vm5, $0x10, v4;
	v8 =	vnsel vm8, $0x10, v4;
	v50 =	vmax.f32 v54, v57  }
0x22c: {  	v52 =	vmax.f32 v56, v60;
	vm7 =	veq.f32 v7, v47;
	vm9 =	veq.f32 v9, v46  }
0x22d: {  	v6 =	vnsel vm6, $0x10, v4;
	v57 =	vperm.xlane v8, v0;
	vm10 =	veq.f32 v14, v50  }
0x22e: {  	vm12 =	veq.f32 v22, v52;
	v7 =	vnsel vm7, $0x10, v4;
	v9 =	vnsel vm9, $0x10, v4  }
0x22f: {  	v22 =	vperm.xlane v5, v0;
	v54 =	vperm.xlane v6, v0;
	v14 =	vnsel vm10, $0x10, v4  }
0x230: {  	v56 =	vnsel vm12, $0x10, v4;
	v10 =	vperm.xlane v7, v0;
	v58 =	vperm.xlane v9, v0  }
0x231: {  	vm8 =	vlt.s32 v8, v57;
	vm5 =	vlt.s32 v5, v22;
	v59 =	vperm.xlane v14, v0  }
0x232: {  	vm6 =	vlt.s32 v6, v54;
	v60 =	vperm.xlane v56, v0;
	v8 =	vsel vm8, v8, v57  }
0x233: {  	vm7 =	vlt.s32 v7, v10;
	vm9 =	vlt.s32 v9, v58;
	v5 =	vsel vm5, v5, v22  }
0x234: {  	v6 =	vsel vm6, v6, v54;
	v54 =	vsel vm3, v55, v27;
	v55 =	vperm.xlane v8, v1  }
0x235: {  	vm10 =	vlt.s32 v14, v59;
	vm5 =	vlt.s32 v56, v60;
	v7 =	vsel vm7, v7, v10  }
0x236: {  	v9 =	vsel vm9, v9, v58;
	v10 =	vperm.xlane v5, v1;
	v14 =	vsel vm10, v14, v59  }
0x237: {  	v22 =	vsel vm5, v56, v60;
	v56 =	vperm.xlane v6, v1;
	v27 =	vperm.xlane v7, v1  }
0x238: {  	v60 =	vperm.xlane v9, v1;
	vm8 =	vlt.s32 v8, v55;
	v59 =	vmul.f32 $0.0e+00, v18  }
0x239: {  	vm5 =	vlt.s32 v5, v10;
	v62 =	vperm.xlane v14, v1;
	v63 =	vperm.xlane v22, v1  }
0x23a: {  	v8 =	vsel vm8, v8, v55;
	vm6 =	vlt.s32 v6, v56;
	vm7 =	vlt.s32 v7, v27  }
0x23b: {  	vm9 =	vlt.s32 v9, v60;
	v5 =	vsel vm5, v5, v10;
	v55 =	vperm.xlane v8, v2  }
0x23c: {  	v21 =	vsel vm0, v21, v59;
	vm5 =	vlt.s32 v14, v62;
	vm13 =	vlt.s32 v22, v63  }
0x23d: {  	v6 =	vsel vm6, v6, v56;
	v7 =	vsel vm7, v7, v27;
	v9 =	vsel vm9, v9, v60  }
0x23e: {  	v60 =	vmul.f32 $0.0e+00, v17;
	v20 =	vsel vm1, v21, v26;
	v10 =	vsel vm5, v14, v62  }
0x23f: {  	v14 =	vsel vm13, v22, v63;
	v22 =	vperm.xlane v5, v2;
	v27 =	vperm.xlane v6, v2  }
0x240: {  	v26 =	vsel vm2, v39, v44;
	v51 =	vperm.xlane v7, v2;
	v56 =	vperm.xlane v9, v2  }
0x241: {  	vm8 =	vlt.s32 v8, v55;
	v57 =	vperm.xlane v10, v2;
	v58 =	vperm.xlane v14, v2  }
0x242: {  	v17 =	vld [tilespmem:$0x1FF70];
	v8 =	vsel vm8, v8, v55;
	v19 =	vsel vm0, v19, v60;
	vm5 =	vlt.s32 v5, v22  }
0x243: {  	vm6 =	vlt.s32 v6, v27;
	vm7 =	vlt.s32 v7, v51;
	vm9 =	vlt.s32 v9, v56  }
0x244: {  	v55 =	vperm.xlane v8, v3;
	v11 =	vsel vm1, v19, v11;
	v19 =	vsel vm2, v12, v35  }
0x245: {  	vm14 =	vlt.s32 v10, v57;
	vm15 =	vlt.s32 v14, v58;
	v5 =	vsel vm5, v5, v22  }
0x246: {  	v6 =	vsel vm6, v6, v27;
	v7 =	vsel vm7, v7, v51;
	v9 =	vsel vm9, v9, v56  }
0x247: {  	v11 =	vsel vm2, v11, v34;
	v10 =	vsel vm14, v10, v57;
	v13 =	vsel vm0, v17, v13;
	v17 =	vld [tilespmem:$0x1FF80]  }
0x248: {  	v22 =	vperm.xlane v5, v3;
	v27 =	vperm.xlane v6, v3;
	v14 =	vsel vm15, v14, v58  }
0x249: {  	v51 =	vperm.xlane v7, v3;
	v56 =	vperm.xlane v9, v3;
	vm8 =	vlt.s32 v8, v55  }
0x24a: {  	v57 =	vperm.xlane v10, v3;
	v18 =	vperm.xlane v14, v3;
	v13 =	vsel vm1, v13, v23  }
0x24b: {  	v23 =	vsel vm3, v19, v50;
	vm5 =	vlt.s32 v5, v22;
	vm6 =	vlt.s32 v6, v27  }
0x24c: {  	v5 =	vsel vm5, v5, v22;
	v16 =	vsel vm0, v17, v16;
	v17 =	vsel vm2, v20, v33  }
0x24d: {  	vm7 =	vlt.s32 v7, v51;
	v20 =	vsel vm3, v17, v47;
	v17 =	vsel vm3, v37, v5;
	v5 =	vld [tilespmem:$0x1FFD0]  }
0x24e: {  	vm9 =	vlt.s32 v9, v56;
	v13 =	vsel vm2, v13, v31;
	vm11 =	vlt.s32 v14, v18  }
0x24f: {  	v6 =	vsel vm6, v6, v27;
	v12 =	vsel vm3, v13, v46;
	v13 =	vsel vm2, v29, v32  }
0x250: {  	v7 =	vsel vm7, v7, v51;
	v22 =	vsel vm11, v14, v18;
	v21 =	vsel vm3, v13, v6;
	v6 =	vld [tilespmem:$0x1FFB0]  }
0x251: {  	v9 =	vsel vm9, v9, v56;
	v14 =	vsel vm2, v30, v38;
	v63 =	vsel vm3, v26, v22;
	v22 =	vld [tilespmem:$0x1FFF0]  }
0x252: {  	p0 =	sne.s32 s14, $0x3E00;
	v19 =	vsel vm3, v14, v7;
	v14 =	vsel vm3, v24, v9;
	v24 =	vmul.f32 v53, v5;
	v5 =	vld [tilespmem:$0x1FFE0]  }
.Ltmp0:
0x253: {  	v11 =	vsel vm3, v11, v49;
	vm10 =	vlt.s32 v10, v57;
	v16 =	vsel vm1, v16, v25;
	(pc) =	sbr.rel @p0 .LBB2_2-.Ltmp0, $4  }
0x254: {  	v8 =	vsel vm8, v8, v55;
	v10 =	vsel vm10, v10, v57;
	v16 =	vsel vm2, v16, v36  }
0x255: {  	v32 =	vld [tilespmem:$0x1FFA0];
	v25 =	vsel vm2, v40, v43;
	v18 =	vsel vm3, v16, v52;
	v16 =	vsel vm2, v48, v41  }
0x256: {  	v33 =	vld [tilespmem:$0x1FF90];
	v10 =	vsel vm3, v25, v10;
	v16 =	vsel vm3, v16, v8;
	v11 =	vmul.f32 v11, v6  }
0x257: {  	s15 =	sshra.s32 s14, $0x2;
	s14 =	sadd.s32 $0x200, s14;
	v9 =	vld [tilespmem:$0x1FFC0];
	v20 =	vmul.f32 v20, v22;
	v13 =	vmul.f32 v54, v5;
	vm5 =	vgt.f32 v5, $5.000000000e-01  }
0x258: {  	v27 =	vld [tilespmem:s15+$0x70]  }
0x259: {  	[tilespmem:s13+$0x2000] =	vst v24  }
0x25a: {  	v25 =	vld [tilespmem:s15+$0x0];
	[tilespmem:s13+$0x2010] =	vst v13  }
0x25b: {  	vm8 =	vgt.f32 v22, $5.000000000e-01;
	vm6 =	vgt.f32 v6, $5.000000000e-01;
	v26 =	vld [tilespmem:s15+$0x10];
	[tilespmem:s13+$0x2020] =	vst v20;
	v7 =	vmul.f32 v23, v33  }
0x25c: {  	v39 =	vnsel vm8, $0x0, v19;
	v6 =	vmul.f32 v18, v32;
	v13 =	vld [tilespmem:s15+$0x20];
	[tilespmem:s13+$0x2030] =	vst v11;
	v5 =	vmul.f32 v12, v9  }
0x25d: {  	vm7 =	vgt.f32 v9, $5.000000000e-01;
	[tilespmem:$0x1FF20] =	vst v7;
	v7 =	vnsel vm5, $0x0, v21;
	v8 =	vperm.xlane v27, v0  }
0x25e: {  	v11 =	vld [tilespmem:s15+$0x30];
	vm5 =	vgt.f32 v33, $5.000000000e-01;
	v40 =	vmul.f32 $0.0e+00, v27;
	v14 =	vnsel vm7, $0x0, v14  }
0x25f: {  	[tilespmem:$0x1FED0] =	vst v5;
	v5 =	vnsel vm4, $0x0, v17;
	v41 =	vperm.xlane v25, v0;
	vm4 =	vgt.f32 v32, $5.000000000e-01  }
0x260: {  	v10 =	vnsel vm5, $0x0, v10;
	[tilespmem:s13+$0x3000] =	vst v5;
	v5 =	vmul.f32 v28, v15;
	v28 =	vmul.f32 $0.0e+00, v25  }
0x261: {  	v42 =	vmax.f32 v27, v8;
	v23 =	vmul.f32 $0.0e+00, v26;
	v44 =	vperm.xlane v26, v0  }
0x262: {  	[tilespmem:$0x1FF40] =	vst v6;
	v43 =	vperm.xlane v42, v1;
	v19 =	vmax.f32 v25, v41;
	v45 =	vperm.xlane v13, v0  }
0x263: {  	[tilespmem:$0x1FF50] =	vst v5;
	v5 =	vld [tilespmem:s15+$0x40];
	v46 =	vperm.xlane v11, v0;
	v47 =	vperm.xlane v19, v1;
	v21 =	vmax.f32 v26, v44  }
0x264: {  	[tilespmem:s13+$0x3010] =	vst v7;
	v9 =	vmax.f32 v42, v43;
	v22 =	vmax.f32 v13, v45;
	v48 =	vperm.xlane v21, v1  }
0x265: {  	v6 =	vld [tilespmem:s15+$0x50];
	[tilespmem:s13+$0x3020] =	vst v39;
	v29 =	vperm.xlane v9, v2;
	v24 =	vmax.f32 v11, v46;
	v34 =	vperm.xlane v22, v1  }
0x266: {  	v7 =	vld [tilespmem:s15+$0x60];
	v19 =	vmax.f32 v19, v47;
	v35 =	vperm.xlane v24, v1;
	v21 =	vmax.f32 v21, v48  }
0x267: {  	v58 =	vperm.xlane v19, v2;
	v9 =	vmax.f32 v9, v29;
	v59 =	vperm.xlane v21, v2  }
0x268: {  	v22 =	vmax.f32 v22, v34;
	v30 =	vperm.xlane v5, v0;
	v51 =	vperm.xlane v9, v3  }
0x269: {  	v55 =	vmax.f32 v24, v35;
	v60 =	vperm.xlane v22, v2;
	v19 =	vmax.f32 v19, v58  }
0x26a: {  	v31 =	vperm.xlane v6, v0;
	v35 =	vperm.xlane v55, v2;
	v21 =	vmax.f32 v21, v59  }
0x26b: {  	v41 =	vperm.xlane v19, v3;
	v49 =	vmax.f32 v5, v30;
	v50 =	vperm.xlane v7, v0  }
0x26c: {  	v9 =	vmax.f32 v9, v51;
	v22 =	vmax.f32 v22, v60;
	v43 =	vperm.xlane v21, v3  }
0x26d: {  	v31 =	vmax.f32 v6, v31;
	v52 =	vperm.xlane v49, v1;
	vm12 =	veq.f32 v27, v9  }
0x26e: {  	v24 =	vsel vm0, v9, v40;
	v40 =	vmax.f32 v55, v35;
	v44 =	vperm.xlane v22, v3  }
0x26f: {  	v45 =	vmax.f32 v19, v41;
	v30 =	vmax.f32 v7, v50;
	v53 =	vperm.xlane v31, v1  }
0x270: {  	v36 =	vnsel vm12, $0x10, v4;
	v46 =	vperm.xlane v40, v3;
	v33 =	vmax.f32 v21, v43  }
0x271: {  	v39 =	vsel vm0, v45, v28;
	v54 =	vperm.xlane v30, v1;
	v56 =	vperm.xlane v36, v0  }
0x272: {  	v20 =	vmax.f32 v49, v52;
	v50 =	vmax.f32 v22, v44;
	vm10 =	veq.f32 v26, v33  }
0x273: {  	v57 =	vmax.f32 v31, v53;
	v61 =	vperm.xlane v20, v2;
	v51 =	vmax.f32 v40, v46  }
0x274: {  	v55 =	vnsel vm10, $0x10, v4;
	v30 =	vmax.f32 v30, v54;
	vm8 =	vlt.s32 v36, v56  }
0x275: {  	v37 =	vperm.xlane v57, v2;
	v36 =	vsel vm8, v36, v56;
	v38 =	vperm.xlane v30, v2  }
0x276: {  	vm11 =	veq.f32 v11, v51;
	v9 =	vmax.f32 v20, v61;
	v62 =	vperm.xlane v36, v1  }
0x277: {  	v58 =	vnsel vm11, $0x10, v4;
	v29 =	vmax.f32 v57, v37;
	v30 =	vmax.f32 v30, v38  }
0x278: {  	v47 =	vperm.xlane v9, v3;
	vm8 =	vlt.s32 v36, v62;
	v48 =	vperm.xlane v30, v3  }
0x279: {  	v8 =	vperm.xlane v58, v0;
	v37 =	vperm.xlane v29, v3;
	v15 =	vsel vm8, v36, v62  }
0x27a: {  	v9 =	vmax.f32 v9, v47;
	v42 =	vperm.xlane v15, v2;
	v53 =	vmax.f32 v30, v48  }
0x27b: {  	vm11 =	vlt.s32 v58, v8;
	v52 =	vmax.f32 v29, v37;
	vm13 =	veq.f32 v7, v53  }
0x27c: {  	v19 =	vsel vm11, v58, v8;
	vm8 =	vlt.s32 v15, v42;
	v61 =	vnsel vm13, $0x10, v4  }
0x27d: {  	v15 =	vsel vm8, v15, v42;
	vm8 =	veq.f32 v25, v45;
	v45 =	vperm.xlane v61, v0  }
0x27e: {  	v49 =	vperm.xlane v15, v3;
	v54 =	vnsel vm8, $0x10, v4;
	vm8 =	veq.f32 v5, v9  }
0x27f: {  	v42 =	vperm.xlane v55, v0;
	v59 =	vnsel vm8, $0x10, v4;
	v40 =	vperm.xlane v54, v0  }
0x280: {  	vm15 =	vlt.s32 v61, v45;
	vm9 =	vlt.s32 v15, v49;
	v43 =	vperm.xlane v59, v0  }
0x281: {  	v38 =	vsel vm15, v61, v45;
	v31 =	vsel vm9, v15, v49;
	vm9 =	veq.f32 v13, v50  }
0x282: {  	vm8 =	vlt.s32 v54, v40;
	v46 =	vperm.xlane v38, v1;
	vm12 =	veq.s32 v31, v4  }
0x283: {  	v57 =	vnsel vm9, $0x10, v4;
	vm9 =	vlt.s32 v55, v42;
	v15 =	vsel vm8, v54, v40  }
0x284: {  	v54 =	vperm.xlane v19, v1;
	v40 =	vsel vm0, v33, v23;
	v27 =	vsel vm12, $0xF149F2CA, v27  }
0x285: {  	v31 =	vnsel vm0, $0x0, v31;
	vm12 =	veq.f32 v6, v52;
	v56 =	vperm.xlane v27, v0  }
0x286: {  	[tilespmem:$0x1FEE0] =	vst v50;
	v62 =	vperm.xlane v57, v0;
	v29 =	vsel vm9, v55, v42;
	v50 =	vperm.xlane v15, v1  }
0x287: {  	vm15 =	vlt.s32 v38, v46;
	v60 =	vnsel vm12, $0x10, v4;
	v30 =	vmax.f32 v27, v56  }
0x288: {  	[tilespmem:$0x1FEF0] =	vst v51;
	vm12 =	vlt.s32 v59, v43;
	v51 =	vperm.xlane v29, v1;
	v41 =	vperm.xlane v30, v1  }
0x289: {  	[tilespmem:$0x1FF00] =	vst v9;
	v9 =	vperm.xlane v60, v0;
	vm10 =	vlt.s32 v57, v62;
	v48 =	vsel vm12, v59, v43  }
0x28a: {  	vm8 =	vlt.s32 v15, v50;
	vm12 =	vlt.s32 v19, v54;
	v30 =	vmax.f32 v30, v41  }
0x28b: {  	v59 =	vsel vm15, v38, v46;
	v28 =	vsel vm10, v57, v62;
	v44 =	vperm.xlane v30, v2  }
0x28c: {  	v56 =	vperm.xlane v48, v1;
	vm9 =	vlt.s32 v29, v51;
	v15 =	vsel vm8, v15, v50  }
0x28d: {  	v32 =	vsel vm12, v19, v54;
	vm14 =	vlt.s32 v60, v9;
	v30 =	vmax.f32 v30, v44  }
0x28e: {  	[tilespmem:$0x1FF10] =	vst v52;
	v52 =	vperm.xlane v28, v1;
	v29 =	vsel vm9, v29, v51;
	v18 =	vperm.xlane v30, v3  }
0x28f: {  	v8 =	vperm.xlane v32, v2;
	v49 =	vsel vm14, v60, v9;
	v60 =	vperm.xlane v15, v2  }
0x290: {  	v61 =	vperm.xlane v29, v2;
	vm10 =	vlt.s32 v28, v52;
	v30 =	vmax.f32 v30, v18  }
0x291: {  	v57 =	vperm.xlane v49, v1;
	v28 =	vsel vm10, v28, v52;
	vm13 =	veq.f32 v27, v30  }
0x292: {  	[tilespmem:$0x1FF30] =	vst v53;
	vm8 =	vlt.s32 v15, v60;
	vm9 =	vlt.s32 v29, v61;
	v53 =	vnsel vm13, $0x10, v4  }
0x293: {  	vm14 =	vlt.s32 v49, v57;
	v62 =	vperm.xlane v28, v2;
	v55 =	vperm.xlane v53, v0  }
0x294: {  	v15 =	vsel vm8, v15, v60;
	v29 =	vsel vm9, v29, v61;
	v35 =	vsel vm14, v49, v57  }
0x295: {  	v50 =	vperm.xlane v15, v3;
	v52 =	vperm.xlane v29, v3;
	vm11 =	vlt.s32 v53, v55  }
0x296: {  	v45 =	vperm.xlane v35, v2;
	vm10 =	vlt.s32 v28, v62;
	v41 =	vsel vm11, v53, v55  }
0x297: {  	v28 =	vsel vm10, v28, v62;
	vm8 =	vlt.s32 v15, v50;
	v58 =	vperm.xlane v41, v1  }
0x298: {  	vm9 =	vlt.s32 v29, v52;
	v18 =	vperm.xlane v59, v2;
	v38 =	vsel vm8, v15, v50  }
0x299: {  	v22 =	vmovc v6;
	v37 =	vsel vm9, v29, v52;
	v6 =	vsel vm1, v24, v30;
	vm13 =	vlt.s32 v41, v58  }
0x29a: {  	vm8 =	veq.s32 v38, v4;
	vm9 =	veq.s32 v37, v4;
	v36 =	vsel vm13, v41, v58  }
0x29b: {  	v37 =	vnsel vm0, $0x0, v37;
	vm11 =	vlt.s32 v48, v56;
	v41 =	vperm.xlane v36, v2  }
0x29c: {  	v42 =	vsel vm8, $0xF149F2CA, v25;
	v53 =	vperm.xlane v28, v3;
	v34 =	vsel vm11, v48, v56  }
0x29d: {  	vm11 =	vlt.s32 v32, v8;
	v9 =	vperm.xlane v34, v2;
	vm14 =	vlt.s32 v36, v41  }
0x29e: {  	v62 =	vperm.xlane v42, v0;
	v32 =	vsel vm11, v32, v8;
	v36 =	vsel vm14, v36, v41  }
0x29f: {  	vm10 =	vlt.s32 v28, v53;
	vm12 =	vlt.s32 v34, v9;
	v19 =	vperm.xlane v36, v3  }
0x2a0: {  	v54 =	vperm.xlane v32, v3;
	vm13 =	vlt.s32 v35, v45;
	v48 =	vsel vm12, v34, v9  }
0x2a1: {  	v49 =	vsel vm13, v35, v45;
	v55 =	vperm.xlane v48, v3;
	vm15 =	vlt.s32 v36, v19  }
0x2a2: {  	vm11 =	vlt.s32 v32, v54;
	v45 =	vperm.xlane v49, v3;
	v44 =	vsel vm15, v36, v19  }
0x2a3: {  	vm14 =	vlt.s32 v59, v18;
	vm12 =	vlt.s32 v48, v55;
	vm15 =	veq.s32 v44, v4  }
0x2a4: {  	vm13 =	vlt.s32 v49, v45;
	v41 =	vsel vm14, v59, v18;
	v27 =	vsel vm15, $0xF149F2CA, v27  }
0x2a5: {  	v34 =	vsel vm12, v48, v55;
	v33 =	vsel vm13, v49, v45;
	v51 =	vperm.xlane v27, v0  }
0x2a6: {  	v57 =	vperm.xlane v41, v3;
	vm12 =	veq.s32 v34, v4;
	vm13 =	veq.s32 v33, v4  }
0x2a7: {  	v33 =	vnsel vm0, $0x0, v33;
	v46 =	vsel vm12, $0xF149F2CA, v5;
	v35 =	vmax.f32 v27, v51  }
0x2a8: {  	vm14 =	vlt.s32 v41, v57;
	v36 =	vsel vm11, v32, v54;
	v56 =	vperm.xlane v35, v1  }
0x2a9: {  	v48 =	vperm.xlane v46, v0;
	v32 =	vsel vm14, v41, v57;
	vm11 =	veq.s32 v36, v4  }
0x2aa: {  	v41 =	vsel vm9, $0xF149F2CA, v26;
	v26 =	vmax.f32 v42, v62;
	v47 =	vmax.f32 v35, v56  }
0x2ab: {  	v31 =	vsel vm1, v31, v44;
	vm14 =	veq.s32 v32, v4;
	v58 =	vperm.xlane v47, v2  }
0x2ac: {  	v45 =	vsel vm11, $0xF149F2CA, v11;
	v8 =	vperm.xlane v41, v0;
	v48 =	vmax.f32 v46, v48  }
0x2ad: {  	v21 =	vmovc v11;
	v52 =	vperm.xlane v26, v1;
	v11 =	vperm.xlane v45, v0;
	v15 =	vmax.f32 v47, v58  }
0x2ae: {  	v49 =	vsel vm14, $0xF149F2CA, v7;
	v55 =	vperm.xlane v48, v1;
	v59 =	vperm.xlane v15, v3  }
0x2af: {  	v32 =	vnsel vm0, $0x0, v32;
	v26 =	vmax.f32 v26, v52;
	v51 =	vperm.xlane v49, v0  }
0x2b0: {  	v30 =	vmax.f32 v45, v11;
	v48 =	vmax.f32 v48, v55;
	v24 =	vmax.f32 v15, v59  }
0x2b1: {  	v54 =	vperm.xlane v30, v1;
	v55 =	vperm.xlane v48, v2;
	vm15 =	veq.f32 v27, v24  }
0x2b2: {  	v19 =	vmax.f32 v49, v51;
	v35 =	vsel vm10, v28, v53;
	v60 =	vnsel vm15, $0x10, v4  }
0x2b3: {  	v28 =	vmax.f32 v41, v8;
	v62 =	vperm.xlane v19, v1;
	v61 =	vperm.xlane v60, v0  }
0x2b4: {  	v48 =	vmax.f32 v48, v55;
	vm10 =	veq.s32 v35, v4;
	v53 =	vperm.xlane v28, v1  }
0x2b5: {  	v57 =	vperm.xlane v48, v3;
	v43 =	vsel vm10, $0xF149F2CA, v13;
	vm15 =	vlt.s32 v60, v61  }
0x2b6: {  	v47 =	vsel vm13, $0xF149F2CA, v22;
	v9 =	vperm.xlane v43, v0;
	v15 =	vsel vm15, v60, v61  }
0x2b7: {  	v30 =	vmax.f32 v30, v54;
	v18 =	vperm.xlane v47, v0;
	v50 =	vperm.xlane v15, v1  }
0x2b8: {  	v28 =	vmax.f32 v28, v53;
	v29 =	vmax.f32 v43, v9;
	v9 =	vperm.xlane v26, v2  }
0x2b9: {  	v25 =	vmax.f32 v47, v18;
	v18 =	vperm.xlane v30, v2;
	vm12 =	vlt.s32 v15, v50  }
0x2ba: {  	v56 =	vperm.xlane v25, v1;
	v61 =	vperm.xlane v29, v1;
	v15 =	vsel vm12, v15, v50  }
0x2bb: {  	v53 =	vperm.xlane v28, v2;
	v26 =	vmax.f32 v26, v9;
	v60 =	vperm.xlane v15, v2  }
0x2bc: {  	v52 =	vmax.f32 v30, v18;
	v25 =	vmax.f32 v25, v56;
	v29 =	vmax.f32 v29, v61  }
0x2bd: {  	v56 =	vperm.xlane v25, v2;
	v11 =	vperm.xlane v29, v2;
	vm8 =	vlt.s32 v15, v60  }
0x2be: {  	v50 =	vmax.f32 v19, v62;
	v62 =	vperm.xlane v26, v3;
	v15 =	vsel vm8, v15, v60  }
0x2bf: {  	v28 =	vmax.f32 v28, v53;
	v12 =	vperm.xlane v52, v3;
	v8 =	vperm.xlane v15, v3  }
0x2c0: {  	v25 =	vmax.f32 v25, v56;
	v29 =	vmax.f32 v29, v11;
	v55 =	vmax.f32 v26, v62  }
0x2c1: {  	v11 =	vperm.xlane v29, v3;
	v26 =	vmax.f32 v48, v57;
	vm8 =	vlt.s32 v15, v8  }
0x2c2: {  	v58 =	vperm.xlane v25, v3;
	vm12 =	veq.f32 v46, v26;
	v15 =	vsel vm8, v15, v8  }
0x2c3: {  	v60 =	vperm.xlane v50, v2;
	v30 =	vmax.f32 v29, v11;
	vm8 =	veq.s32 v15, v4  }
0x2c4: {  	v29 =	vmax.f32 v52, v12;
	v56 =	vnsel vm12, $0x10, v4;
	v19 =	vsel vm8, $0xF149F2CA, v27  }
0x2c5: {  	vm10 =	veq.f32 v43, v30;
	vm11 =	veq.f32 v45, v29;
	v61 =	vperm.xlane v19, v0  }
0x2c6: {  	v23 =	vmovc v7;
	v7 =	vperm.xlane v56, v0;
	v50 =	vmax.f32 v50, v60;
	v51 =	vnsel vm10, $0x10, v4  }
0x2c7: {  	v62 =	vperm.xlane v51, v0;
	v8 =	vperm.xlane v28, v3;
	v53 =	vmax.f32 v19, v61  }
0x2c8: {  	v20 =	vmovc v13;
	v52 =	vnsel vm11, $0x10, v4;
	v13 =	vperm.xlane v50, v3;
	v9 =	vperm.xlane v53, v1  }
0x2c9: {  	vm10 =	vlt.s32 v51, v62;
	v15 =	vsel vm2, v31, v15;
	v54 =	vmax.f32 v28, v8  }
0x2ca: {  	v27 =	vmax.f32 v25, v58;
	v28 =	vmax.f32 v50, v13;
	v53 =	vmax.f32 v53, v9  }
0x2cb: {  	vm8 =	veq.f32 v42, v55;
	vm9 =	veq.f32 v41, v54;
	v59 =	vperm.xlane v53, v2  }
0x2cc: {  	v51 =	vsel vm10, v51, v62;
	v50 =	vnsel vm8, $0x10, v4;
	v48 =	vnsel vm9, $0x10, v4  }
0x2cd: {  	vm13 =	veq.f32 v47, v27;
	v60 =	vperm.xlane v48, v0;
	v17 =	vmax.f32 v53, v59  }
0x2ce: {  	vm15 =	veq.f32 v49, v28;
	v58 =	vperm.xlane v51, v1;
	v18 =	vperm.xlane v17, v3  }
0x2cf: {  	v12 =	vnsel vm13, $0x10, v4;
	v61 =	vnsel vm15, $0x10, v4;
	vm9 =	vlt.s32 v48, v60  }
0x2d0: {  	[tilespmem:$0x1FF60] =	vst v6;
	v6 =	vperm.xlane v12, v0;
	v48 =	vsel vm9, v48, v60;
	v25 =	vmax.f32 v17, v18  }
0x2d1: {  	vm9 =	vlt.s32 v51, v58;
	v57 =	vperm.xlane v48, v1;
	vm14 =	veq.f32 v19, v25  }
0x2d2: {  	v17 =	vperm.xlane v50, v0;
	v18 =	vperm.xlane v52, v0;
	v19 =	vnsel vm14, $0x10, v4  }
0x2d3: {  	v44 =	vsel vm9, v51, v58;
	vm10 =	vlt.s32 v48, v57;
	v13 =	vperm.xlane v19, v0  }
0x2d4: {  	vm8 =	vlt.s32 v50, v17;
	vm11 =	vlt.s32 v52, v18;
	vm14 =	vlt.s32 v12, v6  }
0x2d5: {  	v50 =	vsel vm8, v50, v17;
	v8 =	vsel vm11, v52, v18;
	vm12 =	vlt.s32 v19, v13  }
0x2d6: {  	v6 =	vsel vm14, v12, v6;
	v9 =	vperm.xlane v8, v1;
	v53 =	vsel vm12, v19, v13  }
0x2d7: {  	[tilespmem:$0x1FEC0] =	vst v5;
	v19 =	vperm.xlane v61, v0;
	vm12 =	vlt.s32 v56, v7;
	v5 =	vperm.xlane v53, v1  }
0x2d8: {  	v52 =	vperm.xlane v50, v1;
	vm11 =	vlt.s32 v8, v9;
	v7 =	vsel vm12, v56, v7  }
0x2d9: {  	v8 =	vsel vm11, v8, v9;
	vm15 =	vlt.s32 v61, v19;
	vm13 =	vlt.s32 v53, v5  }
0x2da: {  	v56 =	vsel vm15, v61, v19;
	v61 =	vperm.xlane v8, v2;
	v5 =	vsel vm13, v53, v5  }
0x2db: {  	vm8 =	vlt.s32 v50, v52;
	v19 =	vperm.xlane v6, v1;
	v53 =	vperm.xlane v5, v2  }
0x2dc: {  	v60 =	vperm.xlane v7, v1;
	v18 =	vperm.xlane v56, v1;
	vm11 =	vlt.s32 v8, v61  }
0x2dd: {  	vm14 =	vlt.s32 v6, v19;
	v8 =	vsel vm11, v8, v61;
	vm12 =	vlt.s32 v5, v53  }
0x2de: {  	vm15 =	vlt.s32 v56, v18;
	v51 =	vperm.xlane v8, v3;
	v5 =	vsel vm12, v5, v53  }
0x2df: {  	v6 =	vsel vm14, v6, v19;
	vm12 =	vlt.s32 v7, v60;
	v11 =	vperm.xlane v5, v3  }
0x2e0: {  	v53 =	vsel vm1, v40, v54;
	v7 =	vsel vm12, v7, v60;
	vm11 =	vlt.s32 v8, v51  }
0x2e1: {  	v62 =	vperm.xlane v7, v2;
	v51 =	vsel vm11, v8, v51;
	vm13 =	vlt.s32 v5, v11  }
0x2e2: {  	v60 =	vperm.xlane v44, v2;
	vm11 =	veq.s32 v51, v4;
	v5 =	vsel vm13, v5, v11  }
0x2e3: {  	vm12 =	vlt.s32 v7, v62;
	v58 =	vsel vm11, $0xF149F2CA, v45;
	v31 =	vsel vm3, v15, v5  }
0x2e4: {  	v5 =	vsel vm8, v50, v52;
	v15 =	vsel vm10, v48, v57;
	v48 =	vsel vm15, v56, v18  }
0x2e5: {  	v52 =	vsel vm1, v39, v55;
	v18 =	vperm.xlane v6, v2;
	v50 =	vperm.xlane v5, v2  }
0x2e6: {  	v7 =	vsel vm12, v7, v62;
	v19 =	vperm.xlane v15, v2;
	v56 =	vperm.xlane v48, v2  }
0x2e7: {  	vm10 =	vlt.s32 v44, v60;
	v13 =	vperm.xlane v7, v3;
	vm13 =	vlt.s32 v6, v18  }
0x2e8: {  	vm8 =	vlt.s32 v5, v50;
	vm9 =	vlt.s32 v15, v19;
	vm14 =	vlt.s32 v48, v56  }
0x2e9: {  	v6 =	vsel vm13, v6, v18;
	vm12 =	vlt.s32 v7, v13;
	v5 =	vsel vm8, v5, v50  }
0x2ea: {  	v15 =	vsel vm9, v15, v19;
	v19 =	vsel vm10, v44, v60;
	v9 =	vsel vm14, v48, v56  }
0x2eb: {  	v17 =	vperm.xlane v6, v3;
	v50 =	vsel vm12, v7, v13;
	v62 =	vperm.xlane v5, v3  }
0x2ec: {  	v11 =	vperm.xlane v15, v3;
	v12 =	vperm.xlane v19, v3;
	vm12 =	veq.s32 v50, v4  }
0x2ed: {  	v18 =	vperm.xlane v9, v3;
	vm15 =	vlt.s32 v6, v17;
	v60 =	vsel vm12, $0xF149F2CA, v46  }
0x2ee: {  	vm8 =	vlt.s32 v5, v62;
	vm9 =	vlt.s32 v15, v11;
	vm10 =	vlt.s32 v19, v12  }
0x2ef: {  	vm13 =	vlt.s32 v9, v18;
	v48 =	vsel vm15, v6, v17;
	v45 =	vperm.xlane v60, v0  }
0x2f0: {  	v54 =	vsel vm8, v5, v62;
	v62 =	vsel vm9, v15, v11;
	v61 =	vsel vm10, v19, v12  }
0x2f1: {  	v44 =	vsel vm13, v9, v18;
	vm14 =	veq.s32 v48, v4;
	v19 =	vperm.xlane v58, v0  }
0x2f2: {  	v33 =	vsel vm1, v33, v48;
	vm8 =	veq.s32 v54, v4;
	vm9 =	veq.s32 v62, v4  }
0x2f3: {  	vm10 =	veq.s32 v61, v4;
	vm15 =	veq.s32 v44, v4;
	v59 =	vsel vm14, $0xF149F2CA, v47  }
0x2f4: {  	v15 =	vmax.f32 v60, v45;
	v48 =	vsel vm1, v32, v44;
	v55 =	vsel vm8, $0xF149F2CA, v42  }
0x2f5: {  	v56 =	vsel vm9, $0xF149F2CA, v41;
	v57 =	vsel vm10, $0xF149F2CA, v43;
	v46 =	vperm.xlane v59, v0  }
0x2f6: {  	v49 =	vsel vm15, $0xF149F2CA, v49;
	v17 =	vperm.xlane v15, v1;
	v5 =	vperm.xlane v55, v0  }
0x2f7: {  	v8 =	vmax.f32 v58, v19;
	v6 =	vperm.xlane v56, v0;
	v7 =	vperm.xlane v57, v0  }
0x2f8: {  	v47 =	vperm.xlane v49, v0;
	v13 =	vperm.xlane v8, v1;
	v39 =	vmax.f32 v59, v46  }
0x2f9: {  	v15 =	vmax.f32 v15, v17;
	v5 =	vmax.f32 v55, v5;
	v6 =	vmax.f32 v56, v6  }
0x2fa: {  	v7 =	vmax.f32 v57, v7;
	v18 =	vperm.xlane v39, v1;
	v45 =	vperm.xlane v15, v2  }
0x2fb: {  	v40 =	vmax.f32 v49, v47;
	v9 =	vperm.xlane v5, v1;
	v11 =	vperm.xlane v6, v1  }
0x2fc: {  	v8 =	vmax.f32 v8, v13;
	v12 =	vperm.xlane v7, v1;
	v19 =	vperm.xlane v40, v1  }
0x2fd: {  	v39 =	vmax.f32 v39, v18;
	v18 =	vperm.xlane v8, v2;
	v15 =	vmax.f32 v15, v45  }
0x2fe: {  	v5 =	vmax.f32 v5, v9;
	v6 =	vmax.f32 v6, v11;
	v7 =	vmax.f32 v7, v12  }
0x2ff: {  	v40 =	vmax.f32 v40, v19;
	v19 =	vperm.xlane v39, v2;
	v13 =	vperm.xlane v5, v2  }
0x300: {  	v17 =	vperm.xlane v6, v2;
	v43 =	vperm.xlane v7, v2;
	v8 =	vmax.f32 v8, v18  }
0x301: {  	v46 =	vperm.xlane v40, v2;
	v39 =	vmax.f32 v39, v19;
	v18 =	vperm.xlane v8, v3  }
0x302: {  	v19 =	vperm.xlane v15, v3;
	v5 =	vmax.f32 v5, v13;
	v6 =	vmax.f32 v6, v17  }
0x303: {  	v7 =	vmax.f32 v7, v43;
	v45 =	vmax.f32 v40, v46;
	v11 =	vperm.xlane v5, v3  }
0x304: {  	v13 =	vperm.xlane v6, v3;
	v17 =	vperm.xlane v7, v3;
	v41 =	vmax.f32 v8, v18  }
0x305: {  	v12 =	vperm.xlane v45, v3;
	v18 =	vmax.f32 v15, v19;
	vm11 =	veq.f32 v58, v41  }
0x306: {  	vm12 =	veq.f32 v60, v18;
	v9 =	vmax.f32 v5, v11;
	v13 =	vmax.f32 v6, v13  }
0x307: {  	v11 =	vperm.xlane v39, v3;
	v43 =	vmax.f32 v7, v17;
	v46 =	vnsel vm11, $0x10, v4  }
0x308: {  	v47 =	vnsel vm12, $0x10, v4;
	vm8 =	veq.f32 v55, v9;
	vm9 =	veq.f32 v56, v13  }
0x309: {  	vm10 =	veq.f32 v57, v43;
	v52 =	vsel vm2, v52, v9;
	v15 =	vperm.xlane v47, v0  }
0x30a: {  	v53 =	vsel vm2, v53, v13;
	v40 =	vmax.f32 v39, v11;
	v39 =	vmax.f32 v45, v12  }
0x30b: {  	v8 =	vnsel vm8, $0x10, v4;
	v19 =	vnsel vm9, $0x10, v4;
	v42 =	vnsel vm10, $0x10, v4  }
0x30c: {  	v45 =	vperm.xlane v46, v0;
	vm8 =	veq.f32 v59, v40;
	v17 =	vperm.xlane v8, v0  }
0x30d: {  	vm13 =	veq.f32 v49, v39;
	v5 =	vperm.xlane v19, v0;
	v12 =	vperm.xlane v42, v0  }
0x30e: {  	vm11 =	vlt.s32 v46, v45;
	v6 =	vnsel vm13, $0x10, v4;
	vm13 =	vlt.s32 v47, v15  }
0x30f: {  	vm14 =	vlt.s32 v8, v17;
	vm15 =	vlt.s32 v19, v5;
	vm12 =	vlt.s32 v42, v12  }
0x310: {  	v15 =	vsel vm13, v47, v15;
	v47 =	vnsel vm0, $0x0, v38;
	v11 =	vsel vm14, v8, v17  }
0x311: {  	v9 =	vsel vm15, v19, v5;
	v5 =	vnsel vm8, $0x10, v4;
	v19 =	vperm.xlane v6, v0  }
0x312: {  	v12 =	vsel vm12, v42, v12;
	v42 =	vsel vm11, v46, v45;
	v7 =	vperm.xlane v5, v0  }
0x313: {  	v46 =	vperm.xlane v15, v1;
	v54 =	vsel vm1, v47, v54;
	v17 =	vperm.xlane v11, v1  }
0x314: {  	v45 =	vperm.xlane v42, v1;
	vm9 =	vlt.s32 v6, v19;
	vm14 =	vlt.s32 v5, v7  }
0x315: {  	v6 =	vsel vm9, v6, v19;
	vm15 =	vlt.s32 v11, v17;
	v19 =	vperm.xlane v12, v1  }
0x316: {  	v5 =	vsel vm14, v5, v7;
	v7 =	vperm.xlane v9, v1;
	v11 =	vsel vm15, v11, v17  }
0x317: {  	vm14 =	vlt.s32 v42, v45;
	vm15 =	vlt.s32 v15, v46;
	vm13 =	vlt.s32 v12, v19  }
0x318: {  	v13 =	vsel vm14, v42, v45;
	v45 =	vperm.xlane v6, v1;
	v42 =	vnsel vm0, $0x0, v35  }
0x319: {  	vm12 =	vlt.s32 v9, v7;
	v8 =	vsel vm13, v12, v19;
	v19 =	vperm.xlane v5, v1  }
0x31a: {  	v35 =	vnsel vm0, $0x0, v36;
	v7 =	vsel vm12, v9, v7;
	v9 =	vsel vm15, v15, v46  }
0x31b: {  	vm9 =	vlt.s32 v6, v45;
	v46 =	vperm.xlane v11, v2;
	vm12 =	vlt.s32 v5, v19  }
0x31c: {  	v6 =	vsel vm9, v6, v45;
	v47 =	vperm.xlane v7, v2;
	v45 =	vperm.xlane v9, v2  }
0x31d: {  	v36 =	vsel vm12, v5, v19;
	v19 =	vsel vm1, v37, v62;
	v62 =	vperm.xlane v8, v2  }
0x31e: {  	vm13 =	vlt.s32 v11, v46;
	v37 =	vperm.xlane v13, v2;
	vm14 =	vlt.s32 v7, v47  }
0x31f: {  	v11 =	vsel vm13, v11, v46;
	v46 =	vperm.xlane v36, v2;
	vm13 =	vlt.s32 v9, v45  }
0x320: {  	vm15 =	vlt.s32 v8, v62;
	v7 =	vsel vm14, v7, v47;
	v47 =	vperm.xlane v6, v2  }
0x321: {  	vm12 =	vlt.s32 v13, v37;
	v9 =	vsel vm13, v9, v45;
	v8 =	vsel vm15, v8, v62  }
0x322: {  	v62 =	vnsel vm0, $0x0, v34;
	vm14 =	vlt.s32 v36, v46;
	v13 =	vsel vm12, v13, v37  }
0x323: {  	v37 =	vperm.xlane v11, v3;
	v15 =	vperm.xlane v7, v3;
	v34 =	vsel vm1, v42, v61  }
0x324: {  	vm15 =	vlt.s32 v6, v47;
	v12 =	vsel vm14, v36, v46;
	v38 =	vperm.xlane v8, v3  }
0x325: {  	v42 =	vperm.xlane v13, v3;
	v46 =	vperm.xlane v9, v3;
	v50 =	vsel vm1, v62, v50  }
0x326: {  	v6 =	vsel vm15, v6, v47;
	vm12 =	vlt.s32 v11, v37;
	vm13 =	vlt.s32 v7, v15  }
0x327: {  	v17 =	vperm.xlane v12, v3;
	v61 =	vsel vm12, v11, v37;
	v36 =	vsel vm13, v7, v15  }
0x328: {  	v7 =	vperm.xlane v6, v3;
	vm8 =	vlt.s32 v8, v38;
	vm9 =	vlt.s32 v13, v42  }
0x329: {  	vm10 =	vlt.s32 v9, v46;
	vm11 =	vlt.s32 v12, v17;
	v47 =	vsel vm8, v8, v38  }
0x32a: {  	v45 =	vsel vm9, v13, v42;
	v46 =	vsel vm10, v9, v46;
	vm8 =	veq.s32 v61, v4  }
0x32b: {  	vm9 =	veq.s32 v36, v4;
	vm12 =	vlt.s32 v6, v7;
	v37 =	vsel vm11, v12, v17  }
0x32c: {  	vm10 =	veq.s32 v47, v4;
	vm11 =	veq.s32 v45, v4;
	v17 =	vsel vm9, $0xF149F2CA, v56  }
0x32d: {  	v38 =	vsel vm12, v6, v7;
	vm12 =	veq.s32 v46, v4;
	v7 =	vsel vm8, $0xF149F2CA, v55  }
0x32e: {  	vm14 =	veq.s32 v37, v4;
	v8 =	vsel vm10, $0xF149F2CA, v57;
	v9 =	vsel vm11, $0xF149F2CA, v58  }
0x32f: {  	vm15 =	veq.s32 v38, v4;
	v11 =	vsel vm12, $0xF149F2CA, v60;
	v58 =	vperm.xlane v7, v0  }
0x330: {  	v13 =	vsel vm14, $0xF149F2CA, v59;
	v59 =	vperm.xlane v17, v0;
	v55 =	vperm.xlane v8, v0  }
0x331: {  	v15 =	vsel vm15, $0xF149F2CA, v49;
	v49 =	vsel vm1, v35, v51;
	v35 =	vperm.xlane v9, v0  }
0x332: {  	v51 =	vperm.xlane v11, v0;
	v60 =	vperm.xlane v13, v0;
	v12 =	vmax.f32 v7, v58  }
0x333: {  	v42 =	vmax.f32 v17, v59;
	v57 =	vperm.xlane v15, v0;
	v55 =	vmax.f32 v8, v55  }
0x334: {  	v35 =	vmax.f32 v9, v35;
	v51 =	vmax.f32 v11, v51;
	v58 =	vperm.xlane v12, v1  }
0x335: {  	v56 =	vmax.f32 v13, v60;
	v59 =	vperm.xlane v42, v1;
	v60 =	vperm.xlane v55, v1  }
0x336: {  	v57 =	vmax.f32 v15, v57;
	v62 =	vperm.xlane v35, v1;
	v6 =	vperm.xlane v51, v1  }
0x337: {  	v12 =	vmax.f32 v12, v58;
	v58 =	vperm.xlane v56, v1;
	v5 =	vperm.xlane v57, v1  }
0x338: {  	v42 =	vmax.f32 v42, v59;
	v55 =	vmax.f32 v55, v60;
	v35 =	vmax.f32 v35, v62  }
0x339: {  	v6 =	vmax.f32 v51, v6;
	v60 =	vperm.xlane v12, v2;
	v62 =	vperm.xlane v55, v2  }
0x33a: {  	v51 =	vmax.f32 v56, v58;
	v5 =	vmax.f32 v57, v5;
	v57 =	vperm.xlane v42, v2  }
0x33b: {  	v58 =	vperm.xlane v35, v2;
	v56 =	vperm.xlane v6, v2;
	v12 =	vmax.f32 v12, v60  }
0x33c: {  	v60 =	vperm.xlane v51, v2;
	v55 =	vmax.f32 v55, v62;
	v62 =	vperm.xlane v5, v2  }
0x33d: {  	v42 =	vmax.f32 v42, v57;
	v35 =	vmax.f32 v35, v58;
	v6 =	vmax.f32 v6, v56  }
0x33e: {  	v44 =	vperm.xlane v55, v3;
	v57 =	vmax.f32 v51, v60;
	v60 =	vperm.xlane v12, v3  }
0x33f: {  	v5 =	vmax.f32 v5, v62;
	v62 =	vperm.xlane v42, v3;
	v51 =	vperm.xlane v35, v3  }
0x340: {  	v58 =	vperm.xlane v6, v3;
	v56 =	vmax.f32 v55, v44;
	v12 =	vmax.f32 v12, v60  }
0x341: {  	v42 =	vmax.f32 v42, v62;
	v60 =	vperm.xlane v57, v3;
	v62 =	vperm.xlane v5, v3  }
0x342: {  	v55 =	vmax.f32 v35, v51;
	v51 =	vmax.f32 v6, v58;
	vm10 =	veq.f32 v8, v56  }
0x343: {  	vm8 =	veq.f32 v7, v12;
	vm9 =	veq.f32 v17, v42;
	vm11 =	veq.f32 v9, v55  }
0x344: {  	vm12 =	veq.f32 v11, v51;
	v7 =	vnsel vm10, $0x10, v4;
	v42 =	vsel vm3, v53, v42  }
0x345: {  	v44 =	vmax.f32 v57, v60;
	v32 =	vmax.f32 v5, v62;
	v5 =	vnsel vm8, $0x10, v4  }
0x346: {  	v6 =	vnsel vm9, $0x10, v4;
	v8 =	vnsel vm11, $0x10, v4;
	v9 =	vnsel vm12, $0x10, v4  }
0x347: {  	v35 =	vperm.xlane v7, v0;
	vm13 =	veq.f32 v13, v44;
	v58 =	vperm.xlane v5, v0  }
0x348: {  	vm14 =	veq.f32 v15, v32;
	v59 =	vperm.xlane v6, v0;
	v11 =	vperm.xlane v8, v0  }
0x349: {  	v15 =	vperm.xlane v9, v0;
	v13 =	vnsel vm13, $0x10, v4;
	v17 =	vnsel vm14, $0x10, v4  }
0x34a: {  	vm13 =	vlt.s32 v7, v35;
	vm15 =	vlt.s32 v5, v58;
	vm12 =	vlt.s32 v6, v59  }
0x34b: {  	vm14 =	vlt.s32 v8, v11;
	v60 =	vperm.xlane v13, v0;
	v62 =	vperm.xlane v17, v0  }
0x34c: {  	v7 =	vsel vm13, v7, v35;
	v5 =	vsel vm15, v5, v58;
	v6 =	vsel vm12, v6, v59  }
0x34d: {  	v8 =	vsel vm14, v8, v11;
	vm15 =	vlt.s32 v9, v15;
	v58 =	vperm.xlane v5, v1  }
0x34e: {  	v35 =	vperm.xlane v7, v1;
	vm12 =	vlt.s32 v13, v60;
	v59 =	vperm.xlane v6, v1  }
0x34f: {  	vm13 =	vlt.s32 v17, v62;
	v9 =	vsel vm15, v9, v15;
	vm14 =	vlt.s32 v5, v58  }
0x350: {  	vm15 =	vlt.s32 v6, v59;
	v5 =	vsel vm14, v5, v58;
	v58 =	vnsel vm6, $0x0, v16  }
0x351: {  	v13 =	vsel vm12, v13, v60;
	v6 =	vsel vm15, v6, v59;
	v59 =	vperm.xlane v5, v2;
	[tilespmem:s13+$0x3030] =	vst v58  }
0x352: {  	v15 =	vsel vm13, v17, v62;
	v62 =	vperm.xlane v9, v1;
	vm12 =	vlt.s32 v7, v35;
	v16 =	vld [tilespmem:s15+$0x1000];
	[tilespmem:s13+$0x3040] =	vst v14  }
0x353: {  	v60 =	vperm.xlane v8, v1;
	v7 =	vsel vm12, v7, v35;
	vm11 =	vlt.s32 v5, v59;
	v11 =	vld [tilespmem:s15+$0x1010];
	[tilespmem:s13+$0x3050] =	vst v10  }
0x354: {  	vm14 =	vlt.s32 v9, v62;
	v5 =	vsel vm11, v5, v59;
	v59 =	vnsel vm4, $0x0, v63;
	v14 =	vld [tilespmem:s15+$0x1020]  }
0x355: {  	v53 =	vperm.xlane v13, v1;
	v9 =	vsel vm14, v9, v62;
	v62 =	vperm.xlane v7, v2;
	[tilespmem:s13+$0x3060] =	vst v59;
	v59 =	vld [tilespmem:$0x1FEF0]  }
0x356: {  	v57 =	vperm.xlane v15, v1;
	v35 =	vsel vm2, v54, v61;
	vm13 =	vlt.s32 v8, v60  }
0x357: {  	v8 =	vsel vm13, v8, v60;
	v60 =	vperm.xlane v6, v2;
	vm13 =	vlt.s32 v7, v62  }
0x358: {  	v61 =	vmul.f32 $0.0e+00, v21;
	vm10 =	vlt.s32 v15, v57;
	v7 =	vsel vm13, v7, v62;
	v62 =	vld [tilespmem:$0x1FEC0]  }
0x359: {  	v15 =	vsel vm10, v15, v57;
	v54 =	vperm.xlane v9, v2;
	vm12 =	vlt.s32 v6, v60  }
0x35a: {  	v6 =	vsel vm12, v6, v60;
	v60 =	vmul.f32 $0.0e+00, v20;
	v20 =	vsel vm0, v59, v61;
	v61 =	vld [tilespmem:$0x1FF00]  }
0x35b: {  	v58 =	vperm.xlane v15, v2;
	vm5 =	vlt.s32 v9, v54  }
0x35c: {  	vm15 =	vlt.s32 v13, v53;
	v9 =	vsel vm5, v9, v54  }
0x35d: {  	vm4 =	vlt.s32 v15, v58;
	v54 =	vmul.f32 $0.0e+00, v22;
	v22 =	vld [tilespmem:$0x1FED0];
	v63 =	vmul.f32 $0.0e+00, v62  }
0x35e: {  	v13 =	vsel vm15, v13, v53;
	v53 =	vperm.xlane v8, v2;
	v10 =	vsel vm4, v15, v58;
	v58 =	vld [tilespmem:$0x1FEE0]  }
0x35f: {  	v57 =	vperm.xlane v13, v2;
	v62 =	vsel vm0, v61, v63;
	v63 =	vld [tilespmem:$0x1FF10]  }
0x360: {  	v19 =	vsel vm2, v19, v36;
	vm14 =	vlt.s32 v8, v53  }
0x361: {  	v12 =	vsel vm3, v52, v12;
	v8 =	vsel vm14, v8, v53;
	vm15 =	vlt.s32 v13, v57;
	v15 =	vld [tilespmem:s15+$0x1030]  }
0x362: {  	v13 =	vsel vm15, v13, v57;
	v57 =	vld [tilespmem:$0x1FF40];
	v12 =	vmul.f32 v12, v16;
	v59 =	vperm.xlane v6, v3  }
0x363: {  	v17 =	vsel vm0, v58, v60;
	v60 =	vmul.f32 $0.0e+00, v23;
	v23 =	vld [tilespmem:$0x1FF20];
	v58 =	vperm.xlane v5, v3  }
0x364: {  	[tilespmem:s13+$0x2040] =	vst v22;
	v20 =	vsel vm1, v20, v29;
	v17 =	vsel vm1, v17, v30;
	v22 =	vsel vm0, v63, v54;
	v54 =	vld [tilespmem:$0x1FF30]  }
0x365: {  	v20 =	vsel vm2, v20, v41;
	v17 =	vsel vm2, v17, v43;
	vm4 =	vlt.s32 v5, v58;
	v61 =	vld [tilespmem:$0x1FF50]  }
0x366: {  	v43 =	vperm.xlane v10, v3;
	v20 =	vsel vm3, v20, v55;
	v55 =	vsel vm2, v34, v47  }
0x367: {  	v5 =	vsel vm4, v5, v58;
	vm4 =	vlt.s32 v6, v59;
	v17 =	vsel vm3, v17, v56  }
0x368: {  	v30 =	vld [tilespmem:s15+$0x1040];
	v58 =	vsel vm2, v50, v46;
	v6 =	vsel vm4, v6, v59;
	v56 =	vmul.f32 v17, v14;
	[tilespmem:s13+$0x2050] =	vst v23  }
0x369: {  	v26 =	vsel vm1, v62, v26;
	v22 =	vsel vm1, v22, v27;
	v27 =	vld [tilespmem:s15+$0x1050];
	[tilespmem:s13+$0x2060] =	vst v57;
	v21 =	vsel vm0, v54, v60  }
0x36a: {  	v5 =	vsel vm3, v35, v5;
	v18 =	vsel vm2, v26, v18;
	v26 =	vld [tilespmem:s15+$0x1060];
	[tilespmem:s13+$0x2070] =	vst v61;
	v21 =	vsel vm1, v21, v28  }
0x36b: {  	v63 =	vperm.xlane v9, v3;
	v60 =	vperm.xlane v7, v3;
	v21 =	vsel vm2, v21, v39;
	v39 =	vld [tilespmem:s15+$0x1070]  }
0x36c: {  	v62 =	vperm.xlane v8, v3;
	v23 =	vperm.xlane v13, v3;
	v6 =	vsel vm3, v19, v6  }
0x36d: {  	v57 =	vsel vm2, v49, v45;
	vm5 =	vlt.s32 v9, v63;
	vm4 =	vlt.s32 v7, v60  }
0x36e: {  	v61 =	vsel vm2, v48, v38;
	v7 =	vsel vm4, v7, v60;
	vm4 =	vlt.s32 v8, v62  }
0x36f: {  	v9 =	vsel vm5, v9, v63;
	v8 =	vsel vm4, v8, v62;
	vm4 =	vlt.s32 v13, v23  }
0x370: {  	v60 =	vsel vm2, v33, v37;
	v13 =	vsel vm4, v13, v23;
	vm5 =	vgt.f32 v39, $5.000000000e-01  }
0x371: {  	vm4 =	vgt.f32 v16, $5.000000000e-01;
	v52 =	vnsel vm5, $0x0, v31;
	vm5 =	vlt.s32 v10, v43  }
0x372: {  	[tilespmem:s15+$0x2000] =	vst v12;
	v5 =	vnsel vm4, $0x0, v5;
	v10 =	vsel vm5, v10, v43;
	vm5 =	vgt.f32 v11, $5.000000000e-01  }
0x373: {  	v7 =	vsel vm3, v55, v7;
	vm4 =	vgt.f32 v14, $5.000000000e-01;
	[tilespmem:s15+$0x3000] =	vst v5;
	v5 =	vnsel vm5, $0x0, v6  }
0x374: {  	v6 =	vsel vm3, v57, v8;
	vm5 =	vgt.f32 v15, $5.000000000e-01;
	[tilespmem:s15+$0x3010] =	vst v5;
	v5 =	vnsel vm4, $0x0, v7  }
0x375: {  	v7 =	vsel vm3, v58, v9;
	vm4 =	vgt.f32 v30, $5.000000000e-01;
	[tilespmem:s15+$0x3020] =	vst v5;
	v5 =	vnsel vm5, $0x0, v6  }
0x376: {  	v6 =	vsel vm3, v60, v13;
	vm5 =	vgt.f32 v27, $5.000000000e-01;
	[tilespmem:s15+$0x3030] =	vst v5;
	v5 =	vnsel vm4, $0x0, v7  }
0x377: {  	v7 =	vsel vm3, v61, v10;
	vm4 =	vgt.f32 v26, $5.000000000e-01;
	[tilespmem:s15+$0x3040] =	vst v5;
	v5 =	vnsel vm5, $0x0, v6  }
0x378: {  	v59 =	vmul.f32 v20, v15;
	[tilespmem:s15+$0x3050] =	vst v5;
	v5 =	vnsel vm4, $0x0, v7;
	v7 =	vld [tilespmem:$0x1FF60]  }
0x379: {  	v53 =	vsel vm3, v18, v51;
	[tilespmem:s15+$0x2020] =	vst v56;
	v54 =	vmul.f32 v42, v11  }
0x37a: {  	[tilespmem:s15+$0x2030] =	vst v59;
	v62 =	vmul.f32 v53, v30  }
0x37b: {  	v22 =	vsel vm2, v22, v40;
	[tilespmem:s15+$0x2010] =	vst v54  }
0x37c: {  	[tilespmem:s15+$0x2040] =	vst v62;
	v6 =	vsel vm3, v22, v44  }
0x37d: {  	v63 =	vsel vm3, v21, v32;
	[tilespmem:s15+$0x3070] =	vst v52;
	v6 =	vmul.f32 v6, v27;
	v7 =	vsel vm2, v7, v24  }
0x37e: {  	[tilespmem:s15+$0x3060] =	vst v5;
	v5 =	vsel vm3, v7, v25;
	v7 =	vmul.f32 v63, v26  }
0x37f: {  	[tilespmem:s15+$0x2050] =	vst v6;
	v5 =	vmul.f32 v5, v39  }
0x380: {  	[tilespmem:s15+$0x2060] =	vst v7  }
0x381: {  	[tilespmem:s15+$0x2070] =	vst v5  }
0x382: {  	[hbm4b:s5+s2] =	stream.linear.scatter [tilespmem:s10], [sflag:$0x1], $0x1000, $0x38;
	[tilespmem:$0x4000] =	vst v63  }
0x383: {  	s12 =	sadd.s32 $0x1, s12;
	_ =	swait.ge [sflag:s8], $0x1000  }
0x384: {  	p0 =	sne.s32 s12, s7;
	[sflag:s8] =	ssyncset.done $0x0  }
.Ltmp1:
0x385: {  	[sflag:s8] =	ssyncadd.s32 $0xFFFFF000;
	(pc) =	sbr.rel @p0 .LBB2_1-.Ltmp1, $4  }
0x386: {  	[hbm4b:s6+s2] =	stream.linear.scatter [tilespmem:s11], [sflag:$0x1], $0x1000, $0x38;
	[tilespmem:$0x4000] =	vst v63  }
0x387: {  	_ =	swait.ge [sflag:s8], $0x1000  }
0x388: {  	[sflag:s8] =	ssyncset.done $0x0  }
0x389: {  	[sflag:s8] =	ssyncadd.s32 $0xFFFFF000  }
0x38a: {  	_ =	sfence.sel $0x180000  }
0x38b: {  	[bflag:$0x0] =	sbarrier.arrive $0xFFFF  }
0x38c: {  	p0 =	sne.s32 s0, $0x0;
	_ =	strace $0x90000047  }
0x38d: {  	s0 =	sadd.s32 @!p0 $0x100000, s1;
	[bflag:$0x2] =	sbarrier.arrive $0xFFFF  }
0x38e: {  	[sflag:s0] =	ssyncadd.tile.s32 @!p0 $0x1;
	_ =	shalt  }
.Lfunc_end2:
_tile_overlayer_lowered:
.L_overlay_start_2:
0x38f: {  	(tag) =	ssettag $0x2  }
0x390: {  	s0 =	rddreg [dreg:$0x0];
	s2 =	stileid.u32  }
0x391: {  	s1 =	rddreg [dreg:$0x1];
	p0 =	sne.s32 s2, $0x0  }
0x392: {  	s3 =	rddreg [dreg:$0x2];
	[bflag:$0x3] =	sbarrier.arrive $0xFFFF;
	s2 =	simm.s32 @!p0 $0x1C01  }
0x393: {  	[timem:s3], [sflag:s2] =	dma.local @!p0 [hbm:s0], s1  }
0x394: {  	s0 =	simm.s32 @!p0 $0x1  }
0x395: {  	_ =	swait.ge @!p0 [sflag:s0], s1  }
0x396: {  	s1 =	ssub.s32 @!p0 $0x0, s1;
	[sflag:s0] =	ssyncset.done @!p0 $0x0  }
0x397: {  	[sflag:s0] =	ssyncadd.s32 @!p0 s1  }
0x398: {  	[bflag:$0x3] =	sbarrier.arrive $0xFFFF  }
0x399: {  	_ =	shalt  }

</sc_bundles>
